<compile_context>
chip_gen: v7x
topology: tpu7x:2x2x1
jax: 0.10.2.dev20260603
libtpu: 0.0.44.dev20260713+nightly
codegen_flags: <defaults>
</compile_context>

<pallas_src>
import functools

import jax
import jax.numpy as jnp
from jax import lax
from jax.experimental import pallas as pl
from jax.experimental.pallas import tpu as pltpu
from jax.experimental.pallas import tpu_sc as plsc

N_NODES = 10000
N_EDGES = 320000
D = 128
NLAYER = 3
G = 64

NC = 2
NS = 16
NW = NC * NS
CHUNK = 80
EPW = 10080
NCHUNK = EPW // CHUNK
NBUF = 3
AGG_ROWS = 10240
ZROWS = AGG_ROWS // NS
PAD_DST = AGG_ROWS - 1

RB = 1000
NRB = N_NODES // RB


def _sc_agg_body(h_hbm, src_hbm, dst_hbm, zeros_hbm, out_hbm,
                 src_v, dst_i, rows0, rows1, rows2, agg_sh, sem0, sem1, sem2):
    rows = (rows0, rows1, rows2)
    sems = (sem0, sem1, sem2)
    c = lax.axis_index("c")
    s = lax.axis_index("s")
    w = s * NC + c

    pltpu.sync_copy(src_hbm.at[w], src_v)

    pltpu.sync_copy(zeros_hbm, agg_sh.at[pl.ds(s * ZROWS, ZROWS)])
    plsc.subcore_barrier()

    def issue(k, b):
        pltpu.async_copy(dst_hbm.at[pl.ds(w * EPW + k * CHUNK, CHUNK)],
                         dst_i.at[b], sems[b])
        pltpu.async_copy(h_hbm.at[src_v.at[k]], rows[b], sems[b])

    def drain(k, b):
        pltpu.make_async_copy(dst_hbm.at[pl.ds(w * EPW + k * CHUNK, CHUNK)],
                              dst_i.at[b], sems[b]).wait()
        pltpu.make_async_copy(h_hbm.at[src_v.at[k]], rows[b], sems[b]).wait()
        pltpu.sync_copy(rows[b], agg_sh.at[dst_i.at[b]], add=True)

    for b in range(NBUF):
        issue(b, b)

    @pl.loop(0, NCHUNK - NBUF, step=NBUF)
    def _chunk(i):
        for b in range(NBUF):
            drain(i + b, b)
            issue(i + b + NBUF, b)

    for b in range(NBUF):
        drain(NCHUNK - NBUF + b, b)

    plsc.subcore_barrier()
    pltpu.sync_copy(agg_sh.at[pl.ds(s * ZROWS, ZROWS)],
                    out_hbm.at[c, pl.ds(s * ZROWS, ZROWS)])


_sc_agg = functools.partial(
    pl.kernel,
    out_type=jax.ShapeDtypeStruct((NC, AGG_ROWS, D), jnp.float32),
    mesh=plsc.VectorSubcoreMesh(core_axis_name="c", subcore_axis_name="s"),
    scratch_types=[
        pltpu.VMEM((NCHUNK, CHUNK), jnp.int32),
        pltpu.VMEM((NBUF, CHUNK), jnp.int32),
        pltpu.VMEM((CHUNK, D), jnp.float32),
        pltpu.VMEM((CHUNK, D), jnp.float32),
        pltpu.VMEM((CHUNK, D), jnp.float32),
        pltpu.VMEM_SHARED((AGG_ROWS, D), jnp.float32),
        pltpu.SemaphoreType.DMA,
        pltpu.SemaphoreType.DMA,
        pltpu.SemaphoreType.DMA,
    ],
)(_sc_agg_body)


def _enc_body(x_ref, w_ref, b_ref, o_ref):
    o_ref[...] = (
        jnp.dot(x_ref[...], w_ref[...], preferred_element_type=jnp.float32)
        + b_ref[...]
    )


def _enc(x, w, b):
    return pl.pallas_call(
        _enc_body,
        grid=(NRB,),
        in_specs=[
            pl.BlockSpec((RB, D), lambda i: (i, 0)),
            pl.BlockSpec((D, D), lambda i: (0, 0)),
            pl.BlockSpec((1, D), lambda i: (0, 0)),
        ],
        out_specs=pl.BlockSpec((RB, D), lambda i: (i, 0)),
        out_shape=jax.ShapeDtypeStruct((N_NODES, D), jnp.float32),
    )(x, w, b)


def _layer_body(aggA_ref, aggB_ref, h_ref, batch_ref, w1_ref, b1_ref,
                w2_ref, b2_ref, sc_ref, sh_ref, hout_ref, pool_ref, pacc):
    i = pl.program_id(0)
    m = aggA_ref[...] + aggB_ref[...] + h_ref[...]
    t = jnp.dot(m, w1_ref[...], preferred_element_type=jnp.float32) + b1_ref[...]
    t = jnp.maximum(t, 0.0)
    t = jnp.dot(t, w2_ref[...], preferred_element_type=jnp.float32) + b2_ref[...]
    t = t * sc_ref[...] + sh_ref[...]
    h_out = jnp.maximum(t, 0.0)
    hout_ref[...] = h_out

    bb = batch_ref[0, 0, :]
    onehot = (lax.broadcasted_iota(jnp.int32, (G, RB), 0) == bb[None, :])
    onehot = onehot.astype(jnp.float32)
    part = jnp.dot(onehot, h_out, preferred_element_type=jnp.float32,
                   precision=lax.Precision.HIGHEST)

    @pl.when(i == 0)
    def _():
        pacc[...] = jnp.zeros_like(pacc)

    pacc[...] += part

    @pl.when(i == NRB - 1)
    def _():
        pool_ref[...] = pacc[...]


def _layer(agg2, h, batch3, w1, b1, w2, b2, bn_scale, bn_shift):
    return pl.pallas_call(
        _layer_body,
        grid=(NRB,),
        in_specs=[
            pl.BlockSpec((RB, D), lambda i: (i, 0)),
            pl.BlockSpec((RB, D), lambda i: (i, 0)),
            pl.BlockSpec((RB, D), lambda i: (i, 0)),
            pl.BlockSpec((1, 1, RB), lambda i: (i, 0, 0)),
            pl.BlockSpec((D, D), lambda i: (0, 0)),
            pl.BlockSpec((1, D), lambda i: (0, 0)),
            pl.BlockSpec((D, D), lambda i: (0, 0)),
            pl.BlockSpec((1, D), lambda i: (0, 0)),
            pl.BlockSpec((1, D), lambda i: (0, 0)),
            pl.BlockSpec((1, D), lambda i: (0, 0)),
        ],
        out_specs=[
            pl.BlockSpec((RB, D), lambda i: (i, 0)),
            pl.BlockSpec((G, D), lambda i: (0, 0)),
        ],
        out_shape=[
            jax.ShapeDtypeStruct((N_NODES, D), jnp.float32),
            jax.ShapeDtypeStruct((G, D), jnp.float32),
        ],
        scratch_shapes=[pltpu.VMEM((G, D), jnp.float32)],
    )(agg2[0], agg2[1], h, batch3, w1, b1, w2, b2, bn_scale, bn_shift)


def _head_body(pool_ref, batch_ref, w1_ref, b1_ref, w2_ref, b2_ref, o_ref):
    cnt = jnp.zeros((G, 1), jnp.float32)
    for j in range(NRB):
        bb = batch_ref[j, 0, :]
        onehot = (lax.broadcasted_iota(jnp.int32, (G, RB), 0) == bb[None, :])
        cnt += jnp.sum(onehot.astype(jnp.float32), axis=1, keepdims=True)
    cnt = jnp.maximum(cnt, 1.0)
    z = jnp.concatenate(
        [pool_ref[l] / cnt for l in range(NLAYER)], axis=1)
    z = jnp.dot(z, w1_ref[...], preferred_element_type=jnp.float32) + b1_ref[...]
    z = jnp.maximum(z, 0.0)
    o_ref[...] = (
        jnp.dot(z, w2_ref[...], preferred_element_type=jnp.float32) + b2_ref[...]
    )


def _head(pooled, batch3, w1, b1, w2, b2):
    return pl.pallas_call(
        _head_body,
        out_shape=jax.ShapeDtypeStruct((G, 1), jnp.float32),
    )(pooled, batch3, w1, b1, w2, b2)


@jax.jit
def kernel(x, edge_index, batch, W_enc, b_enc, W1, b1, W2, b2,
           bn_gamma, bn_beta, bn_mean, bn_var, W_fc1, b_fc1, W_fc2, b_fc2):
    npad = EPW - N_EDGES // NW
    src3 = jnp.concatenate(
        [edge_index[0].reshape(NW, N_EDGES // NW),
         jnp.zeros((NW, npad), jnp.int32)], axis=1).reshape(NW, NCHUNK, CHUNK)
    dst3 = jnp.concatenate(
        [edge_index[1].reshape(NW, N_EDGES // NW),
         jnp.full((NW, npad), PAD_DST, jnp.int32)], axis=1).reshape(-1)
    batch3 = batch.reshape(NRB, 1, RB)
    zeros = jnp.zeros((ZROWS, D), jnp.float32)

    bn_scale = bn_gamma / jnp.sqrt(bn_var + 1e-5)
    bn_shift = bn_beta - bn_mean * bn_scale

    h = _enc(x, W_enc, b_enc.reshape(1, D))
    pooled = []
    for l in range(NLAYER):
        agg2 = _sc_agg(h, src3, dst3, zeros)
        h, pool_l = _layer(agg2, h, batch3,
                           W1[l], b1[l].reshape(1, D),
                           W2[l], b2[l].reshape(1, D),
                           bn_scale[l].reshape(1, D),
                           bn_shift[l].reshape(1, D))
        pooled.append(pool_l)
    out = _head(jnp.stack(pooled), batch3,
                W_fc1, b_fc1.reshape(1, G), W_fc2, b_fc2.reshape(1, 1))
    return out

# --- scband reference (transcript-rebuilt; emitter-appended) ---
"""Pipeline reference for scband-base-gnn-59974923321981 (READ-ONLY COPY).

The authoritative reference and input builder live on the scoring server;
editing this copy changes nothing except your own understanding.
"""

import jax, jax.numpy as jnp
import numpy as np

N = 10000
E = 320000
D = 128
L = 3
G = 64

def setup_inputs(seed: int = 0) -> dict:
    key = jax.random.key(seed)
    ks = jax.random.split(key, 16)
    x = jax.random.normal(ks[0], (N, D), dtype=jnp.float32)
    edge_index = jax.random.randint(ks[1], (2, E), 0, N, dtype=jnp.int32)
    batch = jnp.sort(jax.random.randint(ks[2], (N,), 0, G, dtype=jnp.int32))
    s = 1.0 / np.sqrt(D)
    W_enc = jax.random.normal(ks[3], (D, D), dtype=jnp.float32) * s
    b_enc = jnp.zeros((D,), jnp.float32)
    W1 = jax.random.normal(ks[4], (L, D, D), dtype=jnp.float32) * s
    b1 = jnp.zeros((L, D), jnp.float32)
    W2 = jax.random.normal(ks[5], (L, D, D), dtype=jnp.float32) * s
    b2 = jnp.zeros((L, D), jnp.float32)
    bn_gamma = jnp.ones((L, D), jnp.float32)
    bn_beta = jnp.zeros((L, D), jnp.float32)
    bn_mean = jnp.zeros((L, D), jnp.float32)
    bn_var = jnp.ones((L, D), jnp.float32)
    W_fc1 = jax.random.normal(ks[6], (L * D, D // 2), dtype=jnp.float32) * (1.0 / np.sqrt(L * D))
    b_fc1 = jnp.zeros((D // 2,), jnp.float32)
    W_fc2 = jax.random.normal(ks[7], (D // 2, 1), dtype=jnp.float32) * (1.0 / np.sqrt(D // 2))
    b_fc2 = jnp.zeros((1,), jnp.float32)
    return {"x": x, "edge_index": edge_index, "batch": batch,
            "W_enc": W_enc, "b_enc": b_enc, "W1": W1, "b1": b1, "W2": W2, "b2": b2,
            "bn_gamma": bn_gamma, "bn_beta": bn_beta, "bn_mean": bn_mean, "bn_var": bn_var,
            "W_fc1": W_fc1, "b_fc1": b_fc1, "W_fc2": W_fc2, "b_fc2": b_fc2}

def reference(x, edge_index, batch, W_enc, b_enc, W1, b1, W2, b2,
              bn_gamma, bn_beta, bn_mean, bn_var, W_fc1, b_fc1, W_fc2, b_fc2):
    # Eval-mode forward: dropout is identity, BatchNorm uses running stats.
    src = edge_index[0]
    dst = edge_index[1]
    h = x @ W_enc + b_enc  # atom_encoder
    counts = jax.ops.segment_sum(jnp.ones((N,), jnp.float32), batch, num_segments=G)
    counts = jnp.maximum(counts, 1.0)[:, None]
    outs = []
    for l in range(L):
        # GINConv, eps=0: h_i' = MLP(h_i + sum_{j->i} h_j)
        agg = jax.ops.segment_sum(h[src], dst, num_segments=N)
        m = agg + h
        m = jax.nn.relu(m @ W1[l] + b1[l]) @ W2[l] + b2[l]
        # BatchNorm1d (eval, running stats)
        m = (m - bn_mean[l]) / jnp.sqrt(bn_var[l] + 1e-5) * bn_gamma[l] + bn_beta[l]
        h = jax.nn.relu(m)  # dropout no-op in eval
        pooled = jax.ops.segment_sum(h, batch, num_segments=G) / counts
        outs.append(pooled)
    z = jnp.concatenate(outs, axis=1)  # [G, L*D]
    z = jax.nn.relu(z @ W_fc1 + b_fc1)
    return z @ W_fc2 + b_fc2  # [G, 1]

if __name__ == "__main__":
    import jax
    _d = setup_inputs()
    print(jax.jit(kernel)(*tuple(_d.values())))

</pallas_src>

<mosaic_0001>
#map = affine_map<(d0, d1) -> (0, 0)>
#map1 = affine_map<(d0, d1) -> (0, 0, 0)>
#map2 = affine_map<(d0, d1) -> (0)>
module attributes {stable_mosaic.version = 14 : i64} {
  func.func @_sc_agg_body(%arg0: i32, %arg1: i32, %arg2: memref<10000x128xf32, #tpu.memory_space<hbm>>, %arg3: memref<32x126x80xi32, #tpu.memory_space<hbm>>, %arg4: memref<322560xi32, #tpu.memory_space<hbm>>, %arg5: memref<640x128xf32, #tpu.memory_space<hbm>>, %arg6: memref<2x10240x128xf32, #tpu.memory_space<hbm>>, %arg7: memref<126x80xi32, #tpu.memory_space<vmem>>, %arg8: memref<3x80xi32, #tpu.memory_space<vmem>>, %arg9: memref<80x128xf32, #tpu.memory_space<vmem>>, %arg10: memref<80x128xf32, #tpu.memory_space<vmem>>, %arg11: memref<80x128xf32, #tpu.memory_space<vmem>>, %arg12: memref<10240x128xf32, #tpu.memory_space<vmem_shared>>, %arg13: memref<!tpu.dma_semaphore, #tpu.memory_space<semaphore_mem>>, %arg14: memref<!tpu.dma_semaphore, #tpu.memory_space<semaphore_mem>>, %arg15: memref<!tpu.dma_semaphore, #tpu.memory_space<semaphore_mem>>) attributes {dimension_semantics = [#tpu.dimension_semantics<core_parallel>, #tpu.dimension_semantics<subcore_parallel>], iteration_bounds = array<i64: 2, 16>, scalar_prefetch = 0 : i64, scratch_operands = 9 : i64, tpu.core_type = #tpu.core_type<sc_vector_subcore>, window_params = [{transform_indices = #map}, {transform_indices = #map1}, {transform_indices = #map2}, {transform_indices = #map}, {transform_indices = #map1}]} {
    %mul3A = arith.constant 2 : i32
    %mul3A_0 = arith.muli %arg1, %mul3A : i32
    %add3A = arith.addi %mul3A_0, %arg0 : i32
    "tpu.region"() ({
      %run_scoped3A_132 = tpu.sem_alloc : memref<!tpu.dma_semaphore, #tpu.memory_space<semaphore_mem>>
      %dma_start3A_133 = arith.constant 0 : i32
      %dma_start3A_134 = arith.constant 0 : i32
      %dma_start3A_135 = tpu.memref_slice %arg3[%add3A, %dma_start3A_133, %dma_start3A_134] : memref<32x126x80xi32, #tpu.memory_space<hbm>> -> memref<1x126x80xi32, #tpu.memory_space<hbm>>
      %dma_start3A_136 = tpu.memref_squeeze %dma_start3A_135 : memref<1x126x80xi32, #tpu.memory_space<hbm>> -> memref<126x80xi32, #tpu.memory_space<hbm>>
      %dma_start3A_137 = arith.constant 0 : i32
      %dma_start3A_138 = arith.constant 0 : i32
      %dma_start3A_139 = tpu.memref_slice %arg3[%add3A, %dma_start3A_137, %dma_start3A_138] : memref<32x126x80xi32, #tpu.memory_space<hbm>> -> memref<1x126x80xi32, #tpu.memory_space<hbm>>
      %dma_start3A_140 = tpu.memref_squeeze %dma_start3A_139 : memref<1x126x80xi32, #tpu.memory_space<hbm>> -> memref<126x80xi32, #tpu.memory_space<hbm>>
      tpu.enqueue_dma source(%dma_start3A_140 : memref<126x80xi32, #tpu.memory_space<hbm>>) target(%arg7 : memref<126x80xi32, #tpu.memory_space<vmem>>) target_semaphore(%run_scoped3A_132 : memref<!tpu.dma_semaphore, #tpu.memory_space<semaphore_mem>>)
      %dma_wait3A_141 = arith.constant 0 : i32
      %dma_wait3A_142 = arith.constant 0 : i32
      %dma_wait3A_143 = tpu.memref_slice %arg3[%add3A, %dma_wait3A_141, %dma_wait3A_142] : memref<32x126x80xi32, #tpu.memory_space<hbm>> -> memref<1x126x80xi32, #tpu.memory_space<hbm>>
      %dma_wait3A_144 = tpu.memref_squeeze %dma_wait3A_143 : memref<1x126x80xi32, #tpu.memory_space<hbm>> -> memref<126x80xi32, #tpu.memory_space<hbm>>
      %dma_wait3A_145 = arith.constant 0 : i32
      %dma_wait3A_146 = arith.constant 0 : i32
      %dma_wait3A_147 = tpu.memref_slice %arg3[%add3A, %dma_wait3A_145, %dma_wait3A_146] : memref<32x126x80xi32, #tpu.memory_space<hbm>> -> memref<1x126x80xi32, #tpu.memory_space<hbm>>
      %dma_wait3A_148 = tpu.memref_squeeze %dma_wait3A_147 : memref<1x126x80xi32, #tpu.memory_space<hbm>> -> memref<126x80xi32, #tpu.memory_space<hbm>>
      tpu.wait_dma2 semaphore(%run_scoped3A_132 : memref<!tpu.dma_semaphore, #tpu.memory_space<semaphore_mem>>) src(%dma_wait3A_148 : memref<126x80xi32, #tpu.memory_space<hbm>>) dst(%arg7 : memref<126x80xi32, #tpu.memory_space<vmem>>)
      tpu.yield
    }) : () -> ()
    %mul3A_1 = arith.constant 640 : i32
    %mul3A_2 = arith.muli %arg1, %mul3A_1 : i32
    "tpu.region"() ({
      %run_scoped3A_132 = tpu.sem_alloc : memref<!tpu.dma_semaphore, #tpu.memory_space<semaphore_mem>>
      %dma_start3A_133 = arith.constant 0 : i32
      %dma_start3A_134 = tpu.memref_slice %arg12[%mul3A_2, %dma_start3A_133] : memref<10240x128xf32, #tpu.memory_space<vmem_shared>> -> memref<640x128xf32, #tpu.memory_space<vmem_shared>>
      tpu.enqueue_dma source(%arg5 : memref<640x128xf32, #tpu.memory_space<hbm>>) target(%dma_start3A_134 : memref<640x128xf32, #tpu.memory_space<vmem_shared>>) target_semaphore(%run_scoped3A_132 : memref<!tpu.dma_semaphore, #tpu.memory_space<semaphore_mem>>)
      %dma_wait3A_135 = arith.constant 0 : i32
      %dma_wait3A_136 = tpu.memref_slice %arg12[%mul3A_2, %dma_wait3A_135] : memref<10240x128xf32, #tpu.memory_space<vmem_shared>> -> memref<640x128xf32, #tpu.memory_space<vmem_shared>>
      tpu.wait_dma2 semaphore(%run_scoped3A_132 : memref<!tpu.dma_semaphore, #tpu.memory_space<semaphore_mem>>) src(%arg5 : memref<640x128xf32, #tpu.memory_space<hbm>>) dst(%dma_wait3A_136 : memref<640x128xf32, #tpu.memory_space<vmem_shared>>)
      tpu.yield
    }) : () -> ()
    %barrier3A = arith.constant 0 : index
    tpu.barrier barrier_id(%barrier3A)
    %mul3A_3 = arith.constant 10080 : i32
    %mul3A_4 = arith.muli %add3A, %mul3A_3 : i32
    %add3A_5 = arith.constant 0 : i32
    %add3A_6 = arith.addi %mul3A_4, %add3A_5 : i32
    %dma_start3A = arith.constant 0 : i32
    %dma_start3A_7 = arith.constant 0 : i32
    %dma_start3A_8 = tpu.memref_slice %arg8[%dma_start3A, %dma_start3A_7] : memref<3x80xi32, #tpu.memory_space<vmem>> -> memref<1x80xi32, #tpu.memory_space<vmem>>
    %dma_start3A_9 = tpu.memref_squeeze %dma_start3A_8 : memref<1x80xi32, #tpu.memory_space<vmem>> -> memref<80xi32, #tpu.memory_space<vmem>>
    %dma_start3A_10 = tpu.memref_slice %arg4[%add3A_6] : memref<322560xi32, #tpu.memory_space<hbm>> -> memref<80xi32, #tpu.memory_space<hbm>>
    %dma_start3A_11 = arith.constant 0 : i32
    %dma_start3A_12 = tpu.memref_slice %arg8[%dma_start3A, %dma_start3A_11] : memref<3x80xi32, #tpu.memory_space<vmem>> -> memref<1x80xi32, #tpu.memory_space<vmem>>
    %dma_start3A_13 = tpu.memref_squeeze %dma_start3A_12 : memref<1x80xi32, #tpu.memory_space<vmem>> -> memref<80xi32, #tpu.memory_space<vmem>>
    %dma_start3A_14 = tpu.memref_slice %arg4[%add3A_6] : memref<322560xi32, #tpu.memory_space<hbm>> -> memref<80xi32, #tpu.memory_space<hbm>>
    tpu.enqueue_dma source(%dma_start3A_14 : memref<80xi32, #tpu.memory_space<hbm>>) target(%dma_start3A_13 : memref<80xi32, #tpu.memory_space<vmem>>) target_semaphore(%arg13 : memref<!tpu.dma_semaphore, #tpu.memory_space<semaphore_mem>>)
    %dma_start3A_15 = arith.constant 0 : i32
    %dma_start3A_16 = arith.constant 0 : i32
    %dma_start3A_17 = tpu.memref_slice %arg7[%dma_start3A_15, %dma_start3A_16] : memref<126x80xi32, #tpu.memory_space<vmem>> -> memref<1x80xi32, #tpu.memory_space<vmem>>
    %dma_start3A_18 = tpu.memref_squeeze %dma_start3A_17 : memref<1x80xi32, #tpu.memory_space<vmem>> -> memref<80xi32, #tpu.memory_space<vmem>>
    %dma_start3A_19 = arith.constant 0 : i32
    %dma_start3A_20 = arith.constant 0 : i32
    %dma_start3A_21 = tpu.memref_slice %arg2[%dma_start3A_19, %dma_start3A_20] : memref<10000x128xf32, #tpu.memory_space<hbm>> -> memref<10000x128xf32, #tpu.memory_space<hbm>>
    tpu.enqueue_indirect_dma source(%dma_start3A_21 : memref<10000x128xf32, #tpu.memory_space<hbm>>) target(%arg9 : memref<80x128xf32, #tpu.memory_space<vmem>>) offsets(%dma_start3A_18 : memref<80xi32, #tpu.memory_space<vmem>>) semaphore(%arg13 : memref<!tpu.dma_semaphore, #tpu.memory_space<semaphore_mem>>)
    %mul3A_22 = arith.constant 10080 : i32
    %mul3A_23 = arith.muli %add3A, %mul3A_22 : i32
    %add3A_24 = arith.constant 80 : i32
    %add3A_25 = arith.addi %mul3A_23, %add3A_24 : i32
    %dma_start3A_26 = arith.constant 1 : i32
    %dma_start3A_27 = arith.constant 0 : i32
    %dma_start3A_28 = tpu.memref_slice %arg8[%dma_start3A_26, %dma_start3A_27] : memref<3x80xi32, #tpu.memory_space<vmem>> -> memref<1x80xi32, #tpu.memory_space<vmem>>
    %dma_start3A_29 = tpu.memref_squeeze %dma_start3A_28 : memref<1x80xi32, #tpu.memory_space<vmem>> -> memref<80xi32, #tpu.memory_space<vmem>>
    %dma_start3A_30 = tpu.memref_slice %arg4[%add3A_25] : memref<322560xi32, #tpu.memory_space<hbm>> -> memref<80xi32, #tpu.memory_space<hbm>>
    %dma_start3A_31 = arith.constant 0 : i32
    %dma_start3A_32 = tpu.memref_slice %arg8[%dma_start3A_26, %dma_start3A_31] : memref<3x80xi32, #tpu.memory_space<vmem>> -> memref<1x80xi32, #tpu.memory_space<vmem>>
    %dma_start3A_33 = tpu.memref_squeeze %dma_start3A_32 : memref<1x80xi32, #tpu.memory_space<vmem>> -> memref<80xi32, #tpu.memory_space<vmem>>
    %dma_start3A_34 = tpu.memref_slice %arg4[%add3A_25] : memref<322560xi32, #tpu.memory_space<hbm>> -> memref<80xi32, #tpu.memory_space<hbm>>
    tpu.enqueue_dma source(%dma_start3A_34 : memref<80xi32, #tpu.memory_space<hbm>>) target(%dma_start3A_33 : memref<80xi32, #tpu.memory_space<vmem>>) target_semaphore(%arg14 : memref<!tpu.dma_semaphore, #tpu.memory_space<semaphore_mem>>)
    %dma_start3A_35 = arith.constant 1 : i32
    %dma_start3A_36 = arith.constant 0 : i32
    %dma_start3A_37 = tpu.memref_slice %arg7[%dma_start3A_35, %dma_start3A_36] : memref<126x80xi32, #tpu.memory_space<vmem>> -> memref<1x80xi32, #tpu.memory_space<vmem>>
    %dma_start3A_38 = tpu.memref_squeeze %dma_start3A_37 : memref<1x80xi32, #tpu.memory_space<vmem>> -> memref<80xi32, #tpu.memory_space<vmem>>
    %dma_start3A_39 = arith.constant 0 : i32
    %dma_start3A_40 = arith.constant 0 : i32
    %dma_start3A_41 = tpu.memref_slice %arg2[%dma_start3A_39, %dma_start3A_40] : memref<10000x128xf32, #tpu.memory_space<hbm>> -> memref<10000x128xf32, #tpu.memory_space<hbm>>
    tpu.enqueue_indirect_dma source(%dma_start3A_41 : memref<10000x128xf32, #tpu.memory_space<hbm>>) target(%arg10 : memref<80x128xf32, #tpu.memory_space<vmem>>) offsets(%dma_start3A_38 : memref<80xi32, #tpu.memory_space<vmem>>) semaphore(%arg14 : memref<!tpu.dma_semaphore, #tpu.memory_space<semaphore_mem>>)
    %mul3A_42 = arith.constant 10080 : i32
    %mul3A_43 = arith.muli %add3A, %mul3A_42 : i32
    %add3A_44 = arith.constant 160 : i32
    %add3A_45 = arith.addi %mul3A_43, %add3A_44 : i32
    %dma_start3A_46 = arith.constant 2 : i32
    %dma_start3A_47 = arith.constant 0 : i32
    %dma_start3A_48 = tpu.memref_slice %arg8[%dma_start3A_46, %dma_start3A_47] : memref<3x80xi32, #tpu.memory_space<vmem>> -> memref<1x80xi32, #tpu.memory_space<vmem>>
    %dma_start3A_49 = tpu.memref_squeeze %dma_start3A_48 : memref<1x80xi32, #tpu.memory_space<vmem>> -> memref<80xi32, #tpu.memory_space<vmem>>
    %dma_start3A_50 = tpu.memref_slice %arg4[%add3A_45] : memref<322560xi32, #tpu.memory_space<hbm>> -> memref<80xi32, #tpu.memory_space<hbm>>
    %dma_start3A_51 = arith.constant 0 : i32
    %dma_start3A_52 = tpu.memref_slice %arg8[%dma_start3A_46, %dma_start3A_51] : memref<3x80xi32, #tpu.memory_space<vmem>> -> memref<1x80xi32, #tpu.memory_space<vmem>>
    %dma_start3A_53 = tpu.memref_squeeze %dma_start3A_52 : memref<1x80xi32, #tpu.memory_space<vmem>> -> memref<80xi32, #tpu.memory_space<vmem>>
    %dma_start3A_54 = tpu.memref_slice %arg4[%add3A_45] : memref<322560xi32, #tpu.memory_space<hbm>> -> memref<80xi32, #tpu.memory_space<hbm>>
    tpu.enqueue_dma source(%dma_start3A_54 : memref<80xi32, #tpu.memory_space<hbm>>) target(%dma_start3A_53 : memref<80xi32, #tpu.memory_space<vmem>>) target_semaphore(%arg15 : memref<!tpu.dma_semaphore, #tpu.memory_space<semaphore_mem>>)
    %dma_start3A_55 = arith.constant 2 : i32
    %dma_start3A_56 = arith.constant 0 : i32
    %dma_start3A_57 = tpu.memref_slice %arg7[%dma_start3A_55, %dma_start3A_56] : memref<126x80xi32, #tpu.memory_space<vmem>> -> memref<1x80xi32, #tpu.memory_space<vmem>>
    %dma_start3A_58 = tpu.memref_squeeze %dma_start3A_57 : memref<1x80xi32, #tpu.memory_space<vmem>> -> memref<80xi32, #tpu.memory_space<vmem>>
    %dma_start3A_59 = arith.constant 0 : i32
    %dma_start3A_60 = arith.constant 0 : i32
    %dma_start3A_61 = tpu.memref_slice %arg2[%dma_start3A_59, %dma_start3A_60] : memref<10000x128xf32, #tpu.memory_space<hbm>> -> memref<10000x128xf32, #tpu.memory_space<hbm>>
    tpu.enqueue_indirect_dma source(%dma_start3A_61 : memref<10000x128xf32, #tpu.memory_space<hbm>>) target(%arg11 : memref<80x128xf32, #tpu.memory_space<vmem>>) offsets(%dma_start3A_58 : memref<80xi32, #tpu.memory_space<vmem>>) semaphore(%arg15 : memref<!tpu.dma_semaphore, #tpu.memory_space<semaphore_mem>>)
    %scan3A = arith.constant 0 : i32
    %scan3A_62 = arith.constant 41 : i32
    %scan3A_63 = arith.addi %scan3A, %scan3A_62 : i32
    %scan3A_64 = arith.constant 1 : i32
    scf.for %scan3A_132 = %scan3A to %scan3A_63 step %scan3A_64  : i32 {
      %mul3A_133 = arith.constant 3 : i32
      %mul3A_134 = arith.muli %scan3A_132, %mul3A_133 : i32
      %add3A_135 = arith.constant 0 : i32
      %add3A_136 = arith.addi %add3A_135, %mul3A_134 : i32
      %add3A_137 = arith.constant 0 : i32
      %add3A_138 = arith.addi %add3A_136, %add3A_137 : i32
      %mul3A_139 = arith.constant 10080 : i32
      %mul3A_140 = arith.muli %add3A, %mul3A_139 : i32
      %mul3A_141 = arith.constant 80 : i32
      %mul3A_142 = arith.muli %add3A_138, %mul3A_141 : i32
      %add3A_143 = arith.addi %mul3A_140, %mul3A_142 : i32
      %dma_wait3A_144 = arith.constant 0 : i32
      %dma_wait3A_145 = arith.constant 0 : i32
      %dma_wait3A_146 = tpu.memref_slice %arg8[%dma_wait3A_144, %dma_wait3A_145] : memref<3x80xi32, #tpu.memory_space<vmem>> -> memref<1x80xi32, #tpu.memory_space<vmem>>
      %dma_wait3A_147 = tpu.memref_squeeze %dma_wait3A_146 : memref<1x80xi32, #tpu.memory_space<vmem>> -> memref<80xi32, #tpu.memory_space<vmem>>
      %dma_wait3A_148 = tpu.memref_slice %arg4[%add3A_143] : memref<322560xi32, #tpu.memory_space<hbm>> -> memref<80xi32, #tpu.memory_space<hbm>>
      %dma_wait3A_149 = arith.constant 0 : i32
      %dma_wait3A_150 = tpu.memref_slice %arg8[%dma_wait3A_144, %dma_wait3A_149] : memref<3x80xi32, #tpu.memory_space<vmem>> -> memref<1x80xi32, #tpu.memory_space<vmem>>
      %dma_wait3A_151 = tpu.memref_squeeze %dma_wait3A_150 : memref<1x80xi32, #tpu.memory_space<vmem>> -> memref<80xi32, #tpu.memory_space<vmem>>
      %dma_wait3A_152 = tpu.memref_slice %arg4[%add3A_143] : memref<322560xi32, #tpu.memory_space<hbm>> -> memref<80xi32, #tpu.memory_space<hbm>>
      tpu.wait_dma2 semaphore(%arg13 : memref<!tpu.dma_semaphore, #tpu.memory_space<semaphore_mem>>) src(%dma_wait3A_152 : memref<80xi32, #tpu.memory_space<hbm>>) dst(%dma_wait3A_151 : memref<80xi32, #tpu.memory_space<vmem>>)
      %dma_wait3A_153 = arith.constant 0 : i32
      %dma_wait3A_154 = tpu.memref_slice %arg7[%add3A_138, %dma_wait3A_153] : memref<126x80xi32, #tpu.memory_space<vmem>> -> memref<1x80xi32, #tpu.memory_space<vmem>>
      %dma_wait3A_155 = tpu.memref_squeeze %dma_wait3A_154 : memref<1x80xi32, #tpu.memory_space<vmem>> -> memref<80xi32, #tpu.memory_space<vmem>>
      %dma_wait3A_156 = arith.constant 0 : i32
      %dma_wait3A_157 = arith.constant 0 : i32
      %dma_wait3A_158 = tpu.memref_slice %arg2[%dma_wait3A_156, %dma_wait3A_157] : memref<10000x128xf32, #tpu.memory_space<hbm>> -> memref<10000x128xf32, #tpu.memory_space<hbm>>
      tpu.wait_indirect_dma semaphore(%arg13 : memref<!tpu.dma_semaphore, #tpu.memory_space<semaphore_mem>>) src(%dma_wait3A_158 : memref<10000x128xf32, #tpu.memory_space<hbm>>) dst(%arg9 : memref<80x128xf32, #tpu.memory_space<vmem>>)
      %run_scoped3A_159 = arith.constant 0 : i32
      "tpu.region"() ({
        %run_scoped3A_278 = tpu.sem_alloc : memref<!tpu.dma_semaphore, #tpu.memory_space<semaphore_mem>>
        %dma_start3A_279 = arith.constant 0 : i32
        %dma_start3A_280 = tpu.memref_slice %arg8[%run_scoped3A_159, %dma_start3A_279] : memref<3x80xi32, #tpu.memory_space<vmem>> -> memref<1x80xi32, #tpu.memory_space<vmem>>
        %dma_start3A_281 = tpu.memref_squeeze %dma_start3A_280 : memref<1x80xi32, #tpu.memory_space<vmem>> -> memref<80xi32, #tpu.memory_space<vmem>>
        %dma_start3A_282 = arith.constant 0 : i32
        %dma_start3A_283 = arith.constant 0 : i32
        %dma_start3A_284 = tpu.memref_slice %arg12[%dma_start3A_282, %dma_start3A_283] : memref<10240x128xf32, #tpu.memory_space<vmem_shared>> -> memref<10240x128xf32, #tpu.memory_space<vmem_shared>>
        tpu.enqueue_indirect_dma source(%arg9 : memref<80x128xf32, #tpu.memory_space<vmem>>) target(%dma_start3A_284 : memref<10240x128xf32, #tpu.memory_space<vmem_shared>>) offsets(%dma_start3A_281 : memref<80xi32, #tpu.memory_space<vmem>>) semaphore(%run_scoped3A_278 : memref<!tpu.dma_semaphore, #tpu.memory_space<semaphore_mem>>) {add = true}
        %dma_wait3A_285 = arith.constant 0 : i32
        %dma_wait3A_286 = tpu.memref_slice %arg8[%run_scoped3A_159, %dma_wait3A_285] : memref<3x80xi32, #tpu.memory_space<vmem>> -> memref<1x80xi32, #tpu.memory_space<vmem>>
        %dma_wait3A_287 = tpu.memref_squeeze %dma_wait3A_286 : memref<1x80xi32, #tpu.memory_space<vmem>> -> memref<80xi32, #tpu.memory_space<vmem>>
        %dma_wait3A_288 = arith.constant 0 : i32
        %dma_wait3A_289 = arith.constant 0 : i32
        %dma_wait3A_290 = tpu.memref_slice %arg12[%dma_wait3A_288, %dma_wait3A_289] : memref<10240x128xf32, #tpu.memory_space<vmem_shared>> -> memref<10240x128xf32, #tpu.memory_space<vmem_shared>>
        tpu.wait_indirect_dma semaphore(%run_scoped3A_278 : memref<!tpu.dma_semaphore, #tpu.memory_space<semaphore_mem>>) src(%arg9 : memref<80x128xf32, #tpu.memory_space<vmem>>) dst(%dma_wait3A_290 : memref<10240x128xf32, #tpu.memory_space<vmem_shared>>)
        tpu.yield
      }) : () -> ()
      %add3A_160 = arith.constant 0 : i32
      %add3A_161 = arith.addi %add3A_136, %add3A_160 : i32
      %add3A_162 = arith.constant 3 : i32
      %add3A_163 = arith.addi %add3A_161, %add3A_162 : i32
      %mul3A_164 = arith.constant 10080 : i32
      %mul3A_165 = arith.muli %add3A, %mul3A_164 : i32
      %mul3A_166 = arith.constant 80 : i32
      %mul3A_167 = arith.muli %add3A_163, %mul3A_166 : i32
      %add3A_168 = arith.addi %mul3A_165, %mul3A_167 : i32
      %dma_start3A_169 = arith.constant 0 : i32
      %dma_start3A_170 = arith.constant 0 : i32
      %dma_start3A_171 = tpu.memref_slice %arg8[%dma_start3A_169, %dma_start3A_170] : memref<3x80xi32, #tpu.memory_space<vmem>> -> memref<1x80xi32, #tpu.memory_space<vmem>>
      %dma_start3A_172 = tpu.memref_squeeze %dma_start3A_171 : memref<1x80xi32, #tpu.memory_space<vmem>> -> memref<80xi32, #tpu.memory_space<vmem>>
      %dma_start3A_173 = tpu.memref_slice %arg4[%add3A_168] : memref<322560xi32, #tpu.memory_space<hbm>> -> memref<80xi32, #tpu.memory_space<hbm>>
      %dma_start3A_174 = arith.constant 0 : i32
      %dma_start3A_175 = tpu.memref_slice %arg8[%dma_start3A_169, %dma_start3A_174] : memref<3x80xi32, #tpu.memory_space<vmem>> -> memref<1x80xi32, #tpu.memory_space<vmem>>
      %dma_start3A_176 = tpu.memref_squeeze %dma_start3A_175 : memref<1x80xi32, #tpu.memory_space<vmem>> -> memref<80xi32, #tpu.memory_space<vmem>>
      %dma_start3A_177 = tpu.memref_slice %arg4[%add3A_168] : memref<322560xi32, #tpu.memory_space<hbm>> -> memref<80xi32, #tpu.memory_space<hbm>>
      tpu.enqueue_dma source(%dma_start3A_177 : memref<80xi32, #tpu.memory_space<hbm>>) target(%dma_start3A_176 : memref<80xi32, #tpu.memory_space<vmem>>) target_semaphore(%arg13 : memref<!tpu.dma_semaphore, #tpu.memory_space<semaphore_mem>>)
      %dma_start3A_178 = arith.constant 0 : i32
      %dma_start3A_179 = tpu.memref_slice %arg7[%add3A_163, %dma_start3A_178] : memref<126x80xi32, #tpu.memory_space<vmem>> -> memref<1x80xi32, #tpu.memory_space<vmem>>
      %dma_start3A_180 = tpu.memref_squeeze %dma_start3A_179 : memref<1x80xi32, #tpu.memory_space<vmem>> -> memref<80xi32, #tpu.memory_space<vmem>>
      %dma_start3A_181 = arith.constant 0 : i32
      %dma_start3A_182 = arith.constant 0 : i32
      %dma_start3A_183 = tpu.memref_slice %arg2[%dma_start3A_181, %dma_start3A_182] : memref<10000x128xf32, #tpu.memory_space<hbm>> -> memref<10000x128xf32, #tpu.memory_space<hbm>>
      tpu.enqueue_indirect_dma source(%dma_start3A_183 : memref<10000x128xf32, #tpu.memory_space<hbm>>) target(%arg9 : memref<80x128xf32, #tpu.memory_space<vmem>>) offsets(%dma_start3A_180 : memref<80xi32, #tpu.memory_space<vmem>>) semaphore(%arg13 : memref<!tpu.dma_semaphore, #tpu.memory_space<semaphore_mem>>)
      %add3A_184 = arith.constant 1 : i32
      %add3A_185 = arith.addi %add3A_136, %add3A_184 : i32
      %mul3A_186 = arith.constant 10080 : i32
      %mul3A_187 = arith.muli %add3A, %mul3A_186 : i32
      %mul3A_188 = arith.constant 80 : i32
      %mul3A_189 = arith.muli %add3A_185, %mul3A_188 : i32
      %add3A_190 = arith.addi %mul3A_187, %mul3A_189 : i32
      %dma_wait3A_191 = arith.constant 1 : i32
      %dma_wait3A_192 = arith.constant 0 : i32
      %dma_wait3A_193 = tpu.memref_slice %arg8[%dma_wait3A_191, %dma_wait3A_192] : memref<3x80xi32, #tpu.memory_space<vmem>> -> memref<1x80xi32, #tpu.memory_space<vmem>>
      %dma_wait3A_194 = tpu.memref_squeeze %dma_wait3A_193 : memref<1x80xi32, #tpu.memory_space<vmem>> -> memref<80xi32, #tpu.memory_space<vmem>>
      %dma_wait3A_195 = tpu.memref_slice %arg4[%add3A_190] : memref<322560xi32, #tpu.memory_space<hbm>> -> memref<80xi32, #tpu.memory_space<hbm>>
      %dma_wait3A_196 = arith.constant 0 : i32
      %dma_wait3A_197 = tpu.memref_slice %arg8[%dma_wait3A_191, %dma_wait3A_196] : memref<3x80xi32, #tpu.memory_space<vmem>> -> memref<1x80xi32, #tpu.memory_space<vmem>>
      %dma_wait3A_198 = tpu.memref_squeeze %dma_wait3A_197 : memref<1x80xi32, #tpu.memory_space<vmem>> -> memref<80xi32, #tpu.memory_space<vmem>>
      %dma_wait3A_199 = tpu.memref_slice %arg4[%add3A_190] : memref<322560xi32, #tpu.memory_space<hbm>> -> memref<80xi32, #tpu.memory_space<hbm>>
      tpu.wait_dma2 semaphore(%arg14 : memref<!tpu.dma_semaphore, #tpu.memory_space<semaphore_mem>>) src(%dma_wait3A_199 : memref<80xi32, #tpu.memory_space<hbm>>) dst(%dma_wait3A_198 : memref<80xi32, #tpu.memory_space<vmem>>)
      %dma_wait3A_200 = arith.constant 0 : i32
      %dma_wait3A_201 = tpu.memref_slice %arg7[%add3A_185, %dma_wait3A_200] : memref<126x80xi32, #tpu.memory_space<vmem>> -> memref<1x80xi32, #tpu.memory_space<vmem>>
      %dma_wait3A_202 = tpu.memref_squeeze %dma_wait3A_201 : memref<1x80xi32, #tpu.memory_space<vmem>> -> memref<80xi32, #tpu.memory_space<vmem>>
      %dma_wait3A_203 = arith.constant 0 : i32
      %dma_wait3A_204 = arith.constant 0 : i32
      %dma_wait3A_205 = tpu.memref_slice %arg2[%dma_wait3A_203, %dma_wait3A_204] : memref<10000x128xf32, #tpu.memory_space<hbm>> -> memref<10000x128xf32, #tpu.memory_space<hbm>>
      tpu.wait_indirect_dma semaphore(%arg14 : memref<!tpu.dma_semaphore, #tpu.memory_space<semaphore_mem>>) src(%dma_wait3A_205 : memref<10000x128xf32, #tpu.memory_space<hbm>>) dst(%arg10 : memref<80x128xf32, #tpu.memory_space<vmem>>)
      %run_scoped3A_206 = arith.constant 1 : i32
      "tpu.region"() ({
        %run_scoped3A_278 = tpu.sem_alloc : memref<!tpu.dma_semaphore, #tpu.memory_space<semaphore_mem>>
        %dma_start3A_279 = arith.constant 0 : i32
        %dma_start3A_280 = tpu.memref_slice %arg8[%run_scoped3A_206, %dma_start3A_279] : memref<3x80xi32, #tpu.memory_space<vmem>> -> memref<1x80xi32, #tpu.memory_space<vmem>>
        %dma_start3A_281 = tpu.memref_squeeze %dma_start3A_280 : memref<1x80xi32, #tpu.memory_space<vmem>> -> memref<80xi32, #tpu.memory_space<vmem>>
        %dma_start3A_282 = arith.constant 0 : i32
        %dma_start3A_283 = arith.constant 0 : i32
        %dma_start3A_284 = tpu.memref_slice %arg12[%dma_start3A_282, %dma_start3A_283] : memref<10240x128xf32, #tpu.memory_space<vmem_shared>> -> memref<10240x128xf32, #tpu.memory_space<vmem_shared>>
        tpu.enqueue_indirect_dma source(%arg10 : memref<80x128xf32, #tpu.memory_space<vmem>>) target(%dma_start3A_284 : memref<10240x128xf32, #tpu.memory_space<vmem_shared>>) offsets(%dma_start3A_281 : memref<80xi32, #tpu.memory_space<vmem>>) semaphore(%run_scoped3A_278 : memref<!tpu.dma_semaphore, #tpu.memory_space<semaphore_mem>>) {add = true}
        %dma_wait3A_285 = arith.constant 0 : i32
        %dma_wait3A_286 = tpu.memref_slice %arg8[%run_scoped3A_206, %dma_wait3A_285] : memref<3x80xi32, #tpu.memory_space<vmem>> -> memref<1x80xi32, #tpu.memory_space<vmem>>
        %dma_wait3A_287 = tpu.memref_squeeze %dma_wait3A_286 : memref<1x80xi32, #tpu.memory_space<vmem>> -> memref<80xi32, #tpu.memory_space<vmem>>
        %dma_wait3A_288 = arith.constant 0 : i32
        %dma_wait3A_289 = arith.constant 0 : i32
        %dma_wait3A_290 = tpu.memref_slice %arg12[%dma_wait3A_288, %dma_wait3A_289] : memref<10240x128xf32, #tpu.memory_space<vmem_shared>> -> memref<10240x128xf32, #tpu.memory_space<vmem_shared>>
        tpu.wait_indirect_dma semaphore(%run_scoped3A_278 : memref<!tpu.dma_semaphore, #tpu.memory_space<semaphore_mem>>) src(%arg10 : memref<80x128xf32, #tpu.memory_space<vmem>>) dst(%dma_wait3A_290 : memref<10240x128xf32, #tpu.memory_space<vmem_shared>>)
        tpu.yield
      }) : () -> ()
      %add3A_207 = arith.constant 1 : i32
      %add3A_208 = arith.addi %add3A_136, %add3A_207 : i32
      %add3A_209 = arith.constant 3 : i32
      %add3A_210 = arith.addi %add3A_208, %add3A_209 : i32
      %mul3A_211 = arith.constant 10080 : i32
      %mul3A_212 = arith.muli %add3A, %mul3A_211 : i32
      %mul3A_213 = arith.constant 80 : i32
      %mul3A_214 = arith.muli %add3A_210, %mul3A_213 : i32
      %add3A_215 = arith.addi %mul3A_212, %mul3A_214 : i32
      %dma_start3A_216 = arith.constant 1 : i32
      %dma_start3A_217 = arith.constant 0 : i32
      %dma_start3A_218 = tpu.memref_slice %arg8[%dma_start3A_216, %dma_start3A_217] : memref<3x80xi32, #tpu.memory_space<vmem>> -> memref<1x80xi32, #tpu.memory_space<vmem>>
      %dma_start3A_219 = tpu.memref_squeeze %dma_start3A_218 : memref<1x80xi32, #tpu.memory_space<vmem>> -> memref<80xi32, #tpu.memory_space<vmem>>
      %dma_start3A_220 = tpu.memref_slice %arg4[%add3A_215] : memref<322560xi32, #tpu.memory_space<hbm>> -> memref<80xi32, #tpu.memory_space<hbm>>
      %dma_start3A_221 = arith.constant 0 : i32
      %dma_start3A_222 = tpu.memref_slice %arg8[%dma_start3A_216, %dma_start3A_221] : memref<3x80xi32, #tpu.memory_space<vmem>> -> memref<1x80xi32, #tpu.memory_space<vmem>>
      %dma_start3A_223 = tpu.memref_squeeze %dma_start3A_222 : memref<1x80xi32, #tpu.memory_space<vmem>> -> memref<80xi32, #tpu.memory_space<vmem>>
      %dma_start3A_224 = tpu.memref_slice %arg4[%add3A_215] : memref<322560xi32, #tpu.memory_space<hbm>> -> memref<80xi32, #tpu.memory_space<hbm>>
      tpu.enqueue_dma source(%dma_start3A_224 : memref<80xi32, #tpu.memory_space<hbm>>) target(%dma_start3A_223 : memref<80xi32, #tpu.memory_space<vmem>>) target_semaphore(%arg14 : memref<!tpu.dma_semaphore, #tpu.memory_space<semaphore_mem>>)
      %dma_start3A_225 = arith.constant 0 : i32
      %dma_start3A_226 = tpu.memref_slice %arg7[%add3A_210, %dma_start3A_225] : memref<126x80xi32, #tpu.memory_space<vmem>> -> memref<1x80xi32, #tpu.memory_space<vmem>>
      %dma_start3A_227 = tpu.memref_squeeze %dma_start3A_226 : memref<1x80xi32, #tpu.memory_space<vmem>> -> memref<80xi32, #tpu.memory_space<vmem>>
      %dma_start3A_228 = arith.constant 0 : i32
      %dma_start3A_229 = arith.constant 0 : i32
      %dma_start3A_230 = tpu.memref_slice %arg2[%dma_start3A_228, %dma_start3A_229] : memref<10000x128xf32, #tpu.memory_space<hbm>> -> memref<10000x128xf32, #tpu.memory_space<hbm>>
      tpu.enqueue_indirect_dma source(%dma_start3A_230 : memref<10000x128xf32, #tpu.memory_space<hbm>>) target(%arg10 : memref<80x128xf32, #tpu.memory_space<vmem>>) offsets(%dma_start3A_227 : memref<80xi32, #tpu.memory_space<vmem>>) semaphore(%arg14 : memref<!tpu.dma_semaphore, #tpu.memory_space<semaphore_mem>>)
      %add3A_231 = arith.constant 2 : i32
      %add3A_232 = arith.addi %add3A_136, %add3A_231 : i32
      %mul3A_233 = arith.constant 10080 : i32
      %mul3A_234 = arith.muli %add3A, %mul3A_233 : i32
      %mul3A_235 = arith.constant 80 : i32
      %mul3A_236 = arith.muli %add3A_232, %mul3A_235 : i32
      %add3A_237 = arith.addi %mul3A_234, %mul3A_236 : i32
      %dma_wait3A_238 = arith.constant 2 : i32
      %dma_wait3A_239 = arith.constant 0 : i32
      %dma_wait3A_240 = tpu.memref_slice %arg8[%dma_wait3A_238, %dma_wait3A_239] : memref<3x80xi32, #tpu.memory_space<vmem>> -> memref<1x80xi32, #tpu.memory_space<vmem>>
      %dma_wait3A_241 = tpu.memref_squeeze %dma_wait3A_240 : memref<1x80xi32, #tpu.memory_space<vmem>> -> memref<80xi32, #tpu.memory_space<vmem>>
      %dma_wait3A_242 = tpu.memref_slice %arg4[%add3A_237] : memref<322560xi32, #tpu.memory_space<hbm>> -> memref<80xi32, #tpu.memory_space<hbm>>
      %dma_wait3A_243 = arith.constant 0 : i32
      %dma_wait3A_244 = tpu.memref_slice %arg8[%dma_wait3A_238, %dma_wait3A_243] : memref<3x80xi32, #tpu.memory_space<vmem>> -> memref<1x80xi32, #tpu.memory_space<vmem>>
      %dma_wait3A_245 = tpu.memref_squeeze %dma_wait3A_244 : memref<1x80xi32, #tpu.memory_space<vmem>> -> memref<80xi32, #tpu.memory_space<vmem>>
      %dma_wait3A_246 = tpu.memref_slice %arg4[%add3A_237] : memref<322560xi32, #tpu.memory_space<hbm>> -> memref<80xi32, #tpu.memory_space<hbm>>
      tpu.wait_dma2 semaphore(%arg15 : memref<!tpu.dma_semaphore, #tpu.memory_space<semaphore_mem>>) src(%dma_wait3A_246 : memref<80xi32, #tpu.memory_space<hbm>>) dst(%dma_wait3A_245 : memref<80xi32, #tpu.memory_space<vmem>>)
      %dma_wait3A_247 = arith.constant 0 : i32
      %dma_wait3A_248 = tpu.memref_slice %arg7[%add3A_232, %dma_wait3A_247] : memref<126x80xi32, #tpu.memory_space<vmem>> -> memref<1x80xi32, #tpu.memory_space<vmem>>
      %dma_wait3A_249 = tpu.memref_squeeze %dma_wait3A_248 : memref<1x80xi32, #tpu.memory_space<vmem>> -> memref<80xi32, #tpu.memory_space<vmem>>
      %dma_wait3A_250 = arith.constant 0 : i32
      %dma_wait3A_251 = arith.constant 0 : i32
      %dma_wait3A_252 = tpu.memref_slice %arg2[%dma_wait3A_250, %dma_wait3A_251] : memref<10000x128xf32, #tpu.memory_space<hbm>> -> memref<10000x128xf32, #tpu.memory_space<hbm>>
      tpu.wait_indirect_dma semaphore(%arg15 : memref<!tpu.dma_semaphore, #tpu.memory_space<semaphore_mem>>) src(%dma_wait3A_252 : memref<10000x128xf32, #tpu.memory_space<hbm>>) dst(%arg11 : memref<80x128xf32, #tpu.memory_space<vmem>>)
      %run_scoped3A_253 = arith.constant 2 : i32
      "tpu.region"() ({
        %run_scoped3A_278 = tpu.sem_alloc : memref<!tpu.dma_semaphore, #tpu.memory_space<semaphore_mem>>
        %dma_start3A_279 = arith.constant 0 : i32
        %dma_start3A_280 = tpu.memref_slice %arg8[%run_scoped3A_253, %dma_start3A_279] : memref<3x80xi32, #tpu.memory_space<vmem>> -> memref<1x80xi32, #tpu.memory_space<vmem>>
        %dma_start3A_281 = tpu.memref_squeeze %dma_start3A_280 : memref<1x80xi32, #tpu.memory_space<vmem>> -> memref<80xi32, #tpu.memory_space<vmem>>
        %dma_start3A_282 = arith.constant 0 : i32
        %dma_start3A_283 = arith.constant 0 : i32
        %dma_start3A_284 = tpu.memref_slice %arg12[%dma_start3A_282, %dma_start3A_283] : memref<10240x128xf32, #tpu.memory_space<vmem_shared>> -> memref<10240x128xf32, #tpu.memory_space<vmem_shared>>
        tpu.enqueue_indirect_dma source(%arg11 : memref<80x128xf32, #tpu.memory_space<vmem>>) target(%dma_start3A_284 : memref<10240x128xf32, #tpu.memory_space<vmem_shared>>) offsets(%dma_start3A_281 : memref<80xi32, #tpu.memory_space<vmem>>) semaphore(%run_scoped3A_278 : memref<!tpu.dma_semaphore, #tpu.memory_space<semaphore_mem>>) {add = true}
        %dma_wait3A_285 = arith.constant 0 : i32
        %dma_wait3A_286 = tpu.memref_slice %arg8[%run_scoped3A_253, %dma_wait3A_285] : memref<3x80xi32, #tpu.memory_space<vmem>> -> memref<1x80xi32, #tpu.memory_space<vmem>>
        %dma_wait3A_287 = tpu.memref_squeeze %dma_wait3A_286 : memref<1x80xi32, #tpu.memory_space<vmem>> -> memref<80xi32, #tpu.memory_space<vmem>>
        %dma_wait3A_288 = arith.constant 0 : i32
        %dma_wait3A_289 = arith.constant 0 : i32
        %dma_wait3A_290 = tpu.memref_slice %arg12[%dma_wait3A_288, %dma_wait3A_289] : memref<10240x128xf32, #tpu.memory_space<vmem_shared>> -> memref<10240x128xf32, #tpu.memory_space<vmem_shared>>
        tpu.wait_indirect_dma semaphore(%run_scoped3A_278 : memref<!tpu.dma_semaphore, #tpu.memory_space<semaphore_mem>>) src(%arg11 : memref<80x128xf32, #tpu.memory_space<vmem>>) dst(%dma_wait3A_290 : memref<10240x128xf32, #tpu.memory_space<vmem_shared>>)
        tpu.yield
      }) : () -> ()
      %add3A_254 = arith.constant 2 : i32
      %add3A_255 = arith.addi %add3A_136, %add3A_254 : i32
      %add3A_256 = arith.constant 3 : i32
      %add3A_257 = arith.addi %add3A_255, %add3A_256 : i32
      %mul3A_258 = arith.constant 10080 : i32
      %mul3A_259 = arith.muli %add3A, %mul3A_258 : i32
      %mul3A_260 = arith.constant 80 : i32
      %mul3A_261 = arith.muli %add3A_257, %mul3A_260 : i32
      %add3A_262 = arith.addi %mul3A_259, %mul3A_261 : i32
      %dma_start3A_263 = arith.constant 2 : i32
      %dma_start3A_264 = arith.constant 0 : i32
      %dma_start3A_265 = tpu.memref_slice %arg8[%dma_start3A_263, %dma_start3A_264] : memref<3x80xi32, #tpu.memory_space<vmem>> -> memref<1x80xi32, #tpu.memory_space<vmem>>
      %dma_start3A_266 = tpu.memref_squeeze %dma_start3A_265 : memref<1x80xi32, #tpu.memory_space<vmem>> -> memref<80xi32, #tpu.memory_space<vmem>>
      %dma_start3A_267 = tpu.memref_slice %arg4[%add3A_262] : memref<322560xi32, #tpu.memory_space<hbm>> -> memref<80xi32, #tpu.memory_space<hbm>>
      %dma_start3A_268 = arith.constant 0 : i32
      %dma_start3A_269 = tpu.memref_slice %arg8[%dma_start3A_263, %dma_start3A_268] : memref<3x80xi32, #tpu.memory_space<vmem>> -> memref<1x80xi32, #tpu.memory_space<vmem>>
      %dma_start3A_270 = tpu.memref_squeeze %dma_start3A_269 : memref<1x80xi32, #tpu.memory_space<vmem>> -> memref<80xi32, #tpu.memory_space<vmem>>
      %dma_start3A_271 = tpu.memref_slice %arg4[%add3A_262] : memref<322560xi32, #tpu.memory_space<hbm>> -> memref<80xi32, #tpu.memory_space<hbm>>
      tpu.enqueue_dma source(%dma_start3A_271 : memref<80xi32, #tpu.memory_space<hbm>>) target(%dma_start3A_270 : memref<80xi32, #tpu.memory_space<vmem>>) target_semaphore(%arg15 : memref<!tpu.dma_semaphore, #tpu.memory_space<semaphore_mem>>)
      %dma_start3A_272 = arith.constant 0 : i32
      %dma_start3A_273 = tpu.memref_slice %arg7[%add3A_257, %dma_start3A_272] : memref<126x80xi32, #tpu.memory_space<vmem>> -> memref<1x80xi32, #tpu.memory_space<vmem>>
      %dma_start3A_274 = tpu.memref_squeeze %dma_start3A_273 : memref<1x80xi32, #tpu.memory_space<vmem>> -> memref<80xi32, #tpu.memory_space<vmem>>
      %dma_start3A_275 = arith.constant 0 : i32
      %dma_start3A_276 = arith.constant 0 : i32
      %dma_start3A_277 = tpu.memref_slice %arg2[%dma_start3A_275, %dma_start3A_276] : memref<10000x128xf32, #tpu.memory_space<hbm>> -> memref<10000x128xf32, #tpu.memory_space<hbm>>
      tpu.enqueue_indirect_dma source(%dma_start3A_277 : memref<10000x128xf32, #tpu.memory_space<hbm>>) target(%arg11 : memref<80x128xf32, #tpu.memory_space<vmem>>) offsets(%dma_start3A_274 : memref<80xi32, #tpu.memory_space<vmem>>) semaphore(%arg15 : memref<!tpu.dma_semaphore, #tpu.memory_space<semaphore_mem>>)
    }
    %scan3A_65 = arith.constant 41 : i32
    %mul3A_66 = arith.constant 10080 : i32
    %mul3A_67 = arith.muli %add3A, %mul3A_66 : i32
    %add3A_68 = arith.constant 9840 : i32
    %add3A_69 = arith.addi %mul3A_67, %add3A_68 : i32
    %dma_wait3A = arith.constant 0 : i32
    %dma_wait3A_70 = arith.constant 0 : i32
    %dma_wait3A_71 = tpu.memref_slice %arg8[%dma_wait3A, %dma_wait3A_70] : memref<3x80xi32, #tpu.memory_space<vmem>> -> memref<1x80xi32, #tpu.memory_space<vmem>>
    %dma_wait3A_72 = tpu.memref_squeeze %dma_wait3A_71 : memref<1x80xi32, #tpu.memory_space<vmem>> -> memref<80xi32, #tpu.memory_space<vmem>>
    %dma_wait3A_73 = tpu.memref_slice %arg4[%add3A_69] : memref<322560xi32, #tpu.memory_space<hbm>> -> memref<80xi32, #tpu.memory_space<hbm>>
    %dma_wait3A_74 = arith.constant 0 : i32
    %dma_wait3A_75 = tpu.memref_slice %arg8[%dma_wait3A, %dma_wait3A_74] : memref<3x80xi32, #tpu.memory_space<vmem>> -> memref<1x80xi32, #tpu.memory_space<vmem>>
    %dma_wait3A_76 = tpu.memref_squeeze %dma_wait3A_75 : memref<1x80xi32, #tpu.memory_space<vmem>> -> memref<80xi32, #tpu.memory_space<vmem>>
    %dma_wait3A_77 = tpu.memref_slice %arg4[%add3A_69] : memref<322560xi32, #tpu.memory_space<hbm>> -> memref<80xi32, #tpu.memory_space<hbm>>
    tpu.wait_dma2 semaphore(%arg13 : memref<!tpu.dma_semaphore, #tpu.memory_space<semaphore_mem>>) src(%dma_wait3A_77 : memref<80xi32, #tpu.memory_space<hbm>>) dst(%dma_wait3A_76 : memref<80xi32, #tpu.memory_space<vmem>>)
    %dma_wait3A_78 = arith.constant 123 : i32
    %dma_wait3A_79 = arith.constant 0 : i32
    %dma_wait3A_80 = tpu.memref_slice %arg7[%dma_wait3A_78, %dma_wait3A_79] : memref<126x80xi32, #tpu.memory_space<vmem>> -> memref<1x80xi32, #tpu.memory_space<vmem>>
    %dma_wait3A_81 = tpu.memref_squeeze %dma_wait3A_80 : memref<1x80xi32, #tpu.memory_space<vmem>> -> memref<80xi32, #tpu.memory_space<vmem>>
    %dma_wait3A_82 = arith.constant 0 : i32
    %dma_wait3A_83 = arith.constant 0 : i32
    %dma_wait3A_84 = tpu.memref_slice %arg2[%dma_wait3A_82, %dma_wait3A_83] : memref<10000x128xf32, #tpu.memory_space<hbm>> -> memref<10000x128xf32, #tpu.memory_space<hbm>>
    tpu.wait_indirect_dma semaphore(%arg13 : memref<!tpu.dma_semaphore, #tpu.memory_space<semaphore_mem>>) src(%dma_wait3A_84 : memref<10000x128xf32, #tpu.memory_space<hbm>>) dst(%arg9 : memref<80x128xf32, #tpu.memory_space<vmem>>)
    %run_scoped3A = arith.constant 0 : i32
    "tpu.region"() ({
      %run_scoped3A_132 = tpu.sem_alloc : memref<!tpu.dma_semaphore, #tpu.memory_space<semaphore_mem>>
      %dma_start3A_133 = arith.constant 0 : i32
      %dma_start3A_134 = tpu.memref_slice %arg8[%run_scoped3A, %dma_start3A_133] : memref<3x80xi32, #tpu.memory_space<vmem>> -> memref<1x80xi32, #tpu.memory_space<vmem>>
      %dma_start3A_135 = tpu.memref_squeeze %dma_start3A_134 : memref<1x80xi32, #tpu.memory_space<vmem>> -> memref<80xi32, #tpu.memory_space<vmem>>
      %dma_start3A_136 = arith.constant 0 : i32
      %dma_start3A_137 = arith.constant 0 : i32
      %dma_start3A_138 = tpu.memref_slice %arg12[%dma_start3A_136, %dma_start3A_137] : memref<10240x128xf32, #tpu.memory_space<vmem_shared>> -> memref<10240x128xf32, #tpu.memory_space<vmem_shared>>
      tpu.enqueue_indirect_dma source(%arg9 : memref<80x128xf32, #tpu.memory_space<vmem>>) target(%dma_start3A_138 : memref<10240x128xf32, #tpu.memory_space<vmem_shared>>) offsets(%dma_start3A_135 : memref<80xi32, #tpu.memory_space<vmem>>) semaphore(%run_scoped3A_132 : memref<!tpu.dma_semaphore, #tpu.memory_space<semaphore_mem>>) {add = true}
      %dma_wait3A_139 = arith.constant 0 : i32
      %dma_wait3A_140 = tpu.memref_slice %arg8[%run_scoped3A, %dma_wait3A_139] : memref<3x80xi32, #tpu.memory_space<vmem>> -> memref<1x80xi32, #tpu.memory_space<vmem>>
      %dma_wait3A_141 = tpu.memref_squeeze %dma_wait3A_140 : memref<1x80xi32, #tpu.memory_space<vmem>> -> memref<80xi32, #tpu.memory_space<vmem>>
      %dma_wait3A_142 = arith.constant 0 : i32
      %dma_wait3A_143 = arith.constant 0 : i32
      %dma_wait3A_144 = tpu.memref_slice %arg12[%dma_wait3A_142, %dma_wait3A_143] : memref<10240x128xf32, #tpu.memory_space<vmem_shared>> -> memref<10240x128xf32, #tpu.memory_space<vmem_shared>>
      tpu.wait_indirect_dma semaphore(%run_scoped3A_132 : memref<!tpu.dma_semaphore, #tpu.memory_space<semaphore_mem>>) src(%arg9 : memref<80x128xf32, #tpu.memory_space<vmem>>) dst(%dma_wait3A_144 : memref<10240x128xf32, #tpu.memory_space<vmem_shared>>)
      tpu.yield
    }) : () -> ()
    %mul3A_85 = arith.constant 10080 : i32
    %mul3A_86 = arith.muli %add3A, %mul3A_85 : i32
    %add3A_87 = arith.constant 9920 : i32
    %add3A_88 = arith.addi %mul3A_86, %add3A_87 : i32
    %dma_wait3A_89 = arith.constant 1 : i32
    %dma_wait3A_90 = arith.constant 0 : i32
    %dma_wait3A_91 = tpu.memref_slice %arg8[%dma_wait3A_89, %dma_wait3A_90] : memref<3x80xi32, #tpu.memory_space<vmem>> -> memref<1x80xi32, #tpu.memory_space<vmem>>
    %dma_wait3A_92 = tpu.memref_squeeze %dma_wait3A_91 : memref<1x80xi32, #tpu.memory_space<vmem>> -> memref<80xi32, #tpu.memory_space<vmem>>
    %dma_wait3A_93 = tpu.memref_slice %arg4[%add3A_88] : memref<322560xi32, #tpu.memory_space<hbm>> -> memref<80xi32, #tpu.memory_space<hbm>>
    %dma_wait3A_94 = arith.constant 0 : i32
    %dma_wait3A_95 = tpu.memref_slice %arg8[%dma_wait3A_89, %dma_wait3A_94] : memref<3x80xi32, #tpu.memory_space<vmem>> -> memref<1x80xi32, #tpu.memory_space<vmem>>
    %dma_wait3A_96 = tpu.memref_squeeze %dma_wait3A_95 : memref<1x80xi32, #tpu.memory_space<vmem>> -> memref<80xi32, #tpu.memory_space<vmem>>
    %dma_wait3A_97 = tpu.memref_slice %arg4[%add3A_88] : memref<322560xi32, #tpu.memory_space<hbm>> -> memref<80xi32, #tpu.memory_space<hbm>>
    tpu.wait_dma2 semaphore(%arg14 : memref<!tpu.dma_semaphore, #tpu.memory_space<semaphore_mem>>) src(%dma_wait3A_97 : memref<80xi32, #tpu.memory_space<hbm>>) dst(%dma_wait3A_96 : memref<80xi32, #tpu.memory_space<vmem>>)
    %dma_wait3A_98 = arith.constant 124 : i32
    %dma_wait3A_99 = arith.constant 0 : i32
    %dma_wait3A_100 = tpu.memref_slice %arg7[%dma_wait3A_98, %dma_wait3A_99] : memref<126x80xi32, #tpu.memory_space<vmem>> -> memref<1x80xi32, #tpu.memory_space<vmem>>
    %dma_wait3A_101 = tpu.memref_squeeze %dma_wait3A_100 : memref<1x80xi32, #tpu.memory_space<vmem>> -> memref<80xi32, #tpu.memory_space<vmem>>
    %dma_wait3A_102 = arith.constant 0 : i32
    %dma_wait3A_103 = arith.constant 0 : i32
    %dma_wait3A_104 = tpu.memref_slice %arg2[%dma_wait3A_102, %dma_wait3A_103] : memref<10000x128xf32, #tpu.memory_space<hbm>> -> memref<10000x128xf32, #tpu.memory_space<hbm>>
    tpu.wait_indirect_dma semaphore(%arg14 : memref<!tpu.dma_semaphore, #tpu.memory_space<semaphore_mem>>) src(%dma_wait3A_104 : memref<10000x128xf32, #tpu.memory_space<hbm>>) dst(%arg10 : memref<80x128xf32, #tpu.memory_space<vmem>>)
    %run_scoped3A_105 = arith.constant 1 : i32
    "tpu.region"() ({
      %run_scoped3A_132 = tpu.sem_alloc : memref<!tpu.dma_semaphore, #tpu.memory_space<semaphore_mem>>
      %dma_start3A_133 = arith.constant 0 : i32
      %dma_start3A_134 = tpu.memref_slice %arg8[%run_scoped3A_105, %dma_start3A_133] : memref<3x80xi32, #tpu.memory_space<vmem>> -> memref<1x80xi32, #tpu.memory_space<vmem>>
      %dma_start3A_135 = tpu.memref_squeeze %dma_start3A_134 : memref<1x80xi32, #tpu.memory_space<vmem>> -> memref<80xi32, #tpu.memory_space<vmem>>
      %dma_start3A_136 = arith.constant 0 : i32
      %dma_start3A_137 = arith.constant 0 : i32
      %dma_start3A_138 = tpu.memref_slice %arg12[%dma_start3A_136, %dma_start3A_137] : memref<10240x128xf32, #tpu.memory_space<vmem_shared>> -> memref<10240x128xf32, #tpu.memory_space<vmem_shared>>
      tpu.enqueue_indirect_dma source(%arg10 : memref<80x128xf32, #tpu.memory_space<vmem>>) target(%dma_start3A_138 : memref<10240x128xf32, #tpu.memory_space<vmem_shared>>) offsets(%dma_start3A_135 : memref<80xi32, #tpu.memory_space<vmem>>) semaphore(%run_scoped3A_132 : memref<!tpu.dma_semaphore, #tpu.memory_space<semaphore_mem>>) {add = true}
      %dma_wait3A_139 = arith.constant 0 : i32
      %dma_wait3A_140 = tpu.memref_slice %arg8[%run_scoped3A_105, %dma_wait3A_139] : memref<3x80xi32, #tpu.memory_space<vmem>> -> memref<1x80xi32, #tpu.memory_space<vmem>>
      %dma_wait3A_141 = tpu.memref_squeeze %dma_wait3A_140 : memref<1x80xi32, #tpu.memory_space<vmem>> -> memref<80xi32, #tpu.memory_space<vmem>>
      %dma_wait3A_142 = arith.constant 0 : i32
      %dma_wait3A_143 = arith.constant 0 : i32
      %dma_wait3A_144 = tpu.memref_slice %arg12[%dma_wait3A_142, %dma_wait3A_143] : memref<10240x128xf32, #tpu.memory_space<vmem_shared>> -> memref<10240x128xf32, #tpu.memory_space<vmem_shared>>
      tpu.wait_indirect_dma semaphore(%run_scoped3A_132 : memref<!tpu.dma_semaphore, #tpu.memory_space<semaphore_mem>>) src(%arg10 : memref<80x128xf32, #tpu.memory_space<vmem>>) dst(%dma_wait3A_144 : memref<10240x128xf32, #tpu.memory_space<vmem_shared>>)
      tpu.yield
    }) : () -> ()
    %mul3A_106 = arith.constant 10080 : i32
    %mul3A_107 = arith.muli %add3A, %mul3A_106 : i32
    %add3A_108 = arith.constant 10000 : i32
    %add3A_109 = arith.addi %mul3A_107, %add3A_108 : i32
    %dma_wait3A_110 = arith.constant 2 : i32
    %dma_wait3A_111 = arith.constant 0 : i32
    %dma_wait3A_112 = tpu.memref_slice %arg8[%dma_wait3A_110, %dma_wait3A_111] : memref<3x80xi32, #tpu.memory_space<vmem>> -> memref<1x80xi32, #tpu.memory_space<vmem>>
    %dma_wait3A_113 = tpu.memref_squeeze %dma_wait3A_112 : memref<1x80xi32, #tpu.memory_space<vmem>> -> memref<80xi32, #tpu.memory_space<vmem>>
    %dma_wait3A_114 = tpu.memref_slice %arg4[%add3A_109] : memref<322560xi32, #tpu.memory_space<hbm>> -> memref<80xi32, #tpu.memory_space<hbm>>
    %dma_wait3A_115 = arith.constant 0 : i32
    %dma_wait3A_116 = tpu.memref_slice %arg8[%dma_wait3A_110, %dma_wait3A_115] : memref<3x80xi32, #tpu.memory_space<vmem>> -> memref<1x80xi32, #tpu.memory_space<vmem>>
    %dma_wait3A_117 = tpu.memref_squeeze %dma_wait3A_116 : memref<1x80xi32, #tpu.memory_space<vmem>> -> memref<80xi32, #tpu.memory_space<vmem>>
    %dma_wait3A_118 = tpu.memref_slice %arg4[%add3A_109] : memref<322560xi32, #tpu.memory_space<hbm>> -> memref<80xi32, #tpu.memory_space<hbm>>
    tpu.wait_dma2 semaphore(%arg15 : memref<!tpu.dma_semaphore, #tpu.memory_space<semaphore_mem>>) src(%dma_wait3A_118 : memref<80xi32, #tpu.memory_space<hbm>>) dst(%dma_wait3A_117 : memref<80xi32, #tpu.memory_space<vmem>>)
    %dma_wait3A_119 = arith.constant 125 : i32
    %dma_wait3A_120 = arith.constant 0 : i32
    %dma_wait3A_121 = tpu.memref_slice %arg7[%dma_wait3A_119, %dma_wait3A_120] : memref<126x80xi32, #tpu.memory_space<vmem>> -> memref<1x80xi32, #tpu.memory_space<vmem>>
    %dma_wait3A_122 = tpu.memref_squeeze %dma_wait3A_121 : memref<1x80xi32, #tpu.memory_space<vmem>> -> memref<80xi32, #tpu.memory_space<vmem>>
    %dma_wait3A_123 = arith.constant 0 : i32
    %dma_wait3A_124 = arith.constant 0 : i32
    %dma_wait3A_125 = tpu.memref_slice %arg2[%dma_wait3A_123, %dma_wait3A_124] : memref<10000x128xf32, #tpu.memory_space<hbm>> -> memref<10000x128xf32, #tpu.memory_space<hbm>>
    tpu.wait_indirect_dma semaphore(%arg15 : memref<!tpu.dma_semaphore, #tpu.memory_space<semaphore_mem>>) src(%dma_wait3A_125 : memref<10000x128xf32, #tpu.memory_space<hbm>>) dst(%arg11 : memref<80x128xf32, #tpu.memory_space<vmem>>)
    %run_scoped3A_126 = arith.constant 2 : i32
    "tpu.region"() ({
      %run_scoped3A_132 = tpu.sem_alloc : memref<!tpu.dma_semaphore, #tpu.memory_space<semaphore_mem>>
      %dma_start3A_133 = arith.constant 0 : i32
      %dma_start3A_134 = tpu.memref_slice %arg8[%run_scoped3A_126, %dma_start3A_133] : memref<3x80xi32, #tpu.memory_space<vmem>> -> memref<1x80xi32, #tpu.memory_space<vmem>>
      %dma_start3A_135 = tpu.memref_squeeze %dma_start3A_134 : memref<1x80xi32, #tpu.memory_space<vmem>> -> memref<80xi32, #tpu.memory_space<vmem>>
      %dma_start3A_136 = arith.constant 0 : i32
      %dma_start3A_137 = arith.constant 0 : i32
      %dma_start3A_138 = tpu.memref_slice %arg12[%dma_start3A_136, %dma_start3A_137] : memref<10240x128xf32, #tpu.memory_space<vmem_shared>> -> memref<10240x128xf32, #tpu.memory_space<vmem_shared>>
      tpu.enqueue_indirect_dma source(%arg11 : memref<80x128xf32, #tpu.memory_space<vmem>>) target(%dma_start3A_138 : memref<10240x128xf32, #tpu.memory_space<vmem_shared>>) offsets(%dma_start3A_135 : memref<80xi32, #tpu.memory_space<vmem>>) semaphore(%run_scoped3A_132 : memref<!tpu.dma_semaphore, #tpu.memory_space<semaphore_mem>>) {add = true}
      %dma_wait3A_139 = arith.constant 0 : i32
      %dma_wait3A_140 = tpu.memref_slice %arg8[%run_scoped3A_126, %dma_wait3A_139] : memref<3x80xi32, #tpu.memory_space<vmem>> -> memref<1x80xi32, #tpu.memory_space<vmem>>
      %dma_wait3A_141 = tpu.memref_squeeze %dma_wait3A_140 : memref<1x80xi32, #tpu.memory_space<vmem>> -> memref<80xi32, #tpu.memory_space<vmem>>
      %dma_wait3A_142 = arith.constant 0 : i32
      %dma_wait3A_143 = arith.constant 0 : i32
      %dma_wait3A_144 = tpu.memref_slice %arg12[%dma_wait3A_142, %dma_wait3A_143] : memref<10240x128xf32, #tpu.memory_space<vmem_shared>> -> memref<10240x128xf32, #tpu.memory_space<vmem_shared>>
      tpu.wait_indirect_dma semaphore(%run_scoped3A_132 : memref<!tpu.dma_semaphore, #tpu.memory_space<semaphore_mem>>) src(%arg11 : memref<80x128xf32, #tpu.memory_space<vmem>>) dst(%dma_wait3A_144 : memref<10240x128xf32, #tpu.memory_space<vmem_shared>>)
      tpu.yield
    }) : () -> ()
    %barrier3A_127 = arith.constant 0 : index
    tpu.barrier barrier_id(%barrier3A_127)
    %mul3A_128 = arith.constant 640 : i32
    %mul3A_129 = arith.muli %arg1, %mul3A_128 : i32
    %mul3A_130 = arith.constant 640 : i32
    %mul3A_131 = arith.muli %arg1, %mul3A_130 : i32
    "tpu.region"() ({
      %run_scoped3A_132 = tpu.sem_alloc : memref<!tpu.dma_semaphore, #tpu.memory_space<semaphore_mem>>
      %dma_start3A_133 = arith.constant 0 : i32
      %dma_start3A_134 = tpu.memref_slice %arg6[%arg0, %mul3A_131, %dma_start3A_133] : memref<2x10240x128xf32, #tpu.memory_space<hbm>> -> memref<1x640x128xf32, #tpu.memory_space<hbm>>
      %dma_start3A_135 = tpu.memref_squeeze %dma_start3A_134 : memref<1x640x128xf32, #tpu.memory_space<hbm>> -> memref<640x128xf32, #tpu.memory_space<hbm>>
      %dma_start3A_136 = arith.constant 0 : i32
      %dma_start3A_137 = tpu.memref_slice %arg12[%mul3A_129, %dma_start3A_136] : memref<10240x128xf32, #tpu.memory_space<vmem_shared>> -> memref<640x128xf32, #tpu.memory_space<vmem_shared>>
      tpu.enqueue_dma source(%dma_start3A_137 : memref<640x128xf32, #tpu.memory_space<vmem_shared>>) target(%dma_start3A_135 : memref<640x128xf32, #tpu.memory_space<hbm>>) target_semaphore(%run_scoped3A_132 : memref<!tpu.dma_semaphore, #tpu.memory_space<semaphore_mem>>)
      %dma_wait3A_138 = arith.constant 0 : i32
      %dma_wait3A_139 = tpu.memref_slice %arg6[%arg0, %mul3A_131, %dma_wait3A_138] : memref<2x10240x128xf32, #tpu.memory_space<hbm>> -> memref<1x640x128xf32, #tpu.memory_space<hbm>>
      %dma_wait3A_140 = tpu.memref_squeeze %dma_wait3A_139 : memref<1x640x128xf32, #tpu.memory_space<hbm>> -> memref<640x128xf32, #tpu.memory_space<hbm>>
      %dma_wait3A_141 = arith.constant 0 : i32
      %dma_wait3A_142 = tpu.memref_slice %arg12[%mul3A_129, %dma_wait3A_141] : memref<10240x128xf32, #tpu.memory_space<vmem_shared>> -> memref<640x128xf32, #tpu.memory_space<vmem_shared>>
      tpu.wait_dma2 semaphore(%run_scoped3A_132 : memref<!tpu.dma_semaphore, #tpu.memory_space<semaphore_mem>>) src(%dma_wait3A_142 : memref<640x128xf32, #tpu.memory_space<vmem_shared>>) dst(%dma_wait3A_140 : memref<640x128xf32, #tpu.memory_space<hbm>>)
      tpu.yield
    }) : () -> ()
    return
  }
}

#map = affine_map<(d0, d1) -> (0, 0)>
#map1 = affine_map<(d0, d1) -> (0, 0, 0)>
#map2 = affine_map<(d0, d1) -> (0)>
module attributes {stable_mosaic.version = 14 : i64} {
  func.func @_sc_agg_body(%arg0: i32, %arg1: i32, %arg2: memref<10000x128xf32, #tpu.memory_space<hbm>>, %arg3: memref<32x126x80xi32, #tpu.memory_space<hbm>>, %arg4: memref<322560xi32, #tpu.memory_space<hbm>>, %arg5: memref<640x128xf32, #tpu.memory_space<hbm>>, %arg6: memref<2x10240x128xf32, #tpu.memory_space<hbm>>, %arg7: memref<126x80xi32, #tpu.memory_space<vmem>>, %arg8: memref<3x80xi32, #tpu.memory_space<vmem>>, %arg9: memref<80x128xf32, #tpu.memory_space<vmem>>, %arg10: memref<80x128xf32, #tpu.memory_space<vmem>>, %arg11: memref<80x128xf32, #tpu.memory_space<vmem>>, %arg12: memref<10240x128xf32, #tpu.memory_space<vmem_shared>>, %arg13: memref<!tpu.dma_semaphore, #tpu.memory_space<semaphore_mem>>, %arg14: memref<!tpu.dma_semaphore, #tpu.memory_space<semaphore_mem>>, %arg15: memref<!tpu.dma_semaphore, #tpu.memory_space<semaphore_mem>>) attributes {dimension_semantics = [#tpu.dimension_semantics<core_parallel>, #tpu.dimension_semantics<subcore_parallel>], iteration_bounds = array<i64: 2, 16>, scalar_prefetch = 0 : i64, scratch_operands = 9 : i64, tpu.core_type = #tpu.core_type<sc_vector_subcore>, window_params = [{transform_indices = #map}, {transform_indices = #map1}, {transform_indices = #map2}, {transform_indices = #map}, {transform_indices = #map1}]} {
    %mul3A = arith.constant 2 : i32
    %mul3A_0 = arith.muli %arg1, %mul3A : i32
    %add3A = arith.addi %mul3A_0, %arg0 : i32
    "tpu.region"() ({
      %run_scoped3A_132 = tpu.sem_alloc : memref<!tpu.dma_semaphore, #tpu.memory_space<semaphore_mem>>
      %dma_start3A_133 = arith.constant 0 : i32
      %dma_start3A_134 = arith.constant 0 : i32
      %dma_start3A_135 = tpu.memref_slice %arg3[%add3A, %dma_start3A_133, %dma_start3A_134] : memref<32x126x80xi32, #tpu.memory_space<hbm>> -> memref<1x126x80xi32, #tpu.memory_space<hbm>>
      %dma_start3A_136 = tpu.memref_squeeze %dma_start3A_135 : memref<1x126x80xi32, #tpu.memory_space<hbm>> -> memref<126x80xi32, #tpu.memory_space<hbm>>
      %dma_start3A_137 = arith.constant 0 : i32
      %dma_start3A_138 = arith.constant 0 : i32
      %dma_start3A_139 = tpu.memref_slice %arg3[%add3A, %dma_start3A_137, %dma_start3A_138] : memref<32x126x80xi32, #tpu.memory_space<hbm>> -> memref<1x126x80xi32, #tpu.memory_space<hbm>>
      %dma_start3A_140 = tpu.memref_squeeze %dma_start3A_139 : memref<1x126x80xi32, #tpu.memory_space<hbm>> -> memref<126x80xi32, #tpu.memory_space<hbm>>
      tpu.enqueue_dma source(%dma_start3A_140 : memref<126x80xi32, #tpu.memory_space<hbm>>) target(%arg7 : memref<126x80xi32, #tpu.memory_space<vmem>>) target_semaphore(%run_scoped3A_132 : memref<!tpu.dma_semaphore, #tpu.memory_space<semaphore_mem>>)
      %dma_wait3A_141 = arith.constant 0 : i32
      %dma_wait3A_142 = arith.constant 0 : i32
      %dma_wait3A_143 = tpu.memref_slice %arg3[%add3A, %dma_wait3A_141, %dma_wait3A_142] : memref<32x126x80xi32, #tpu.memory_space<hbm>> -> memref<1x126x80xi32, #tpu.memory_space<hbm>>
      %dma_wait3A_144 = tpu.memref_squeeze %dma_wait3A_143 : memref<1x126x80xi32, #tpu.memory_space<hbm>> -> memref<126x80xi32, #tpu.memory_space<hbm>>
      %dma_wait3A_145 = arith.constant 0 : i32
      %dma_wait3A_146 = arith.constant 0 : i32
      %dma_wait3A_147 = tpu.memref_slice %arg3[%add3A, %dma_wait3A_145, %dma_wait3A_146] : memref<32x126x80xi32, #tpu.memory_space<hbm>> -> memref<1x126x80xi32, #tpu.memory_space<hbm>>
      %dma_wait3A_148 = tpu.memref_squeeze %dma_wait3A_147 : memref<1x126x80xi32, #tpu.memory_space<hbm>> -> memref<126x80xi32, #tpu.memory_space<hbm>>
      tpu.wait_dma2 semaphore(%run_scoped3A_132 : memref<!tpu.dma_semaphore, #tpu.memory_space<semaphore_mem>>) src(%dma_wait3A_148 : memref<126x80xi32, #tpu.memory_space<hbm>>) dst(%arg7 : memref<126x80xi32, #tpu.memory_space<vmem>>)
      tpu.yield
    }) : () -> ()
    %mul3A_1 = arith.constant 640 : i32
    %mul3A_2 = arith.muli %arg1, %mul3A_1 : i32
    "tpu.region"() ({
      %run_scoped3A_132 = tpu.sem_alloc : memref<!tpu.dma_semaphore, #tpu.memory_space<semaphore_mem>>
      %dma_start3A_133 = arith.constant 0 : i32
      %dma_start3A_134 = tpu.memref_slice %arg12[%mul3A_2, %dma_start3A_133] : memref<10240x128xf32, #tpu.memory_space<vmem_shared>> -> memref<640x128xf32, #tpu.memory_space<vmem_shared>>
      tpu.enqueue_dma source(%arg5 : memref<640x128xf32, #tpu.memory_space<hbm>>) target(%dma_start3A_134 : memref<640x128xf32, #tpu.memory_space<vmem_shared>>) target_semaphore(%run_scoped3A_132 : memref<!tpu.dma_semaphore, #tpu.memory_space<semaphore_mem>>)
      %dma_wait3A_135 = arith.constant 0 : i32
      %dma_wait3A_136 = tpu.memref_slice %arg12[%mul3A_2, %dma_wait3A_135] : memref<10240x128xf32, #tpu.memory_space<vmem_shared>> -> memref<640x128xf32, #tpu.memory_space<vmem_shared>>
      tpu.wait_dma2 semaphore(%run_scoped3A_132 : memref<!tpu.dma_semaphore, #tpu.memory_space<semaphore_mem>>) src(%arg5 : memref<640x128xf32, #tpu.memory_space<hbm>>) dst(%dma_wait3A_136 : memref<640x128xf32, #tpu.memory_space<vmem_shared>>)
      tpu.yield
    }) : () -> ()
    %barrier3A = arith.constant 0 : index
    tpu.barrier barrier_id(%barrier3A)
    %mul3A_3 = arith.constant 10080 : i32
    %mul3A_4 = arith.muli %add3A, %mul3A_3 : i32
    %add3A_5 = arith.constant 0 : i32
    %add3A_6 = arith.addi %mul3A_4, %add3A_5 : i32
    %dma_start3A = arith.constant 0 : i32
    %dma_start3A_7 = arith.constant 0 : i32
    %dma_start3A_8 = tpu.memref_slice %arg8[%dma_start3A, %dma_start3A_7] : memref<3x80xi32, #tpu.memory_space<vmem>> -> memref<1x80xi32, #tpu.memory_space<vmem>>
    %dma_start3A_9 = tpu.memref_squeeze %dma_start3A_8 : memref<1x80xi32, #tpu.memory_space<vmem>> -> memref<80xi32, #tpu.memory_space<vmem>>
    %dma_start3A_10 = tpu.memref_slice %arg4[%add3A_6] : memref<322560xi32, #tpu.memory_space<hbm>> -> memref<80xi32, #tpu.memory_space<hbm>>
    %dma_start3A_11 = arith.constant 0 : i32
    %dma_start3A_12 = tpu.memref_slice %arg8[%dma_start3A, %dma_start3A_11] : memref<3x80xi32, #tpu.memory_space<vmem>> -> memref<1x80xi32, #tpu.memory_space<vmem>>
    %dma_start3A_13 = tpu.memref_squeeze %dma_start3A_12 : memref<1x80xi32, #tpu.memory_space<vmem>> -> memref<80xi32, #tpu.memory_space<vmem>>
    %dma_start3A_14 = tpu.memref_slice %arg4[%add3A_6] : memref<322560xi32, #tpu.memory_space<hbm>> -> memref<80xi32, #tpu.memory_space<hbm>>
    tpu.enqueue_dma source(%dma_start3A_14 : memref<80xi32, #tpu.memory_space<hbm>>) target(%dma_start3A_13 : memref<80xi32, #tpu.memory_space<vmem>>) target_semaphore(%arg13 : memref<!tpu.dma_semaphore, #tpu.memory_space<semaphore_mem>>)
    %dma_start3A_15 = arith.constant 0 : i32
    %dma_start3A_16 = arith.constant 0 : i32
    %dma_start3A_17 = tpu.memref_slice %arg7[%dma_start3A_15, %dma_start3A_16] : memref<126x80xi32, #tpu.memory_space<vmem>> -> memref<1x80xi32, #tpu.memory_space<vmem>>
    %dma_start3A_18 = tpu.memref_squeeze %dma_start3A_17 : memref<1x80xi32, #tpu.memory_space<vmem>> -> memref<80xi32, #tpu.memory_space<vmem>>
    %dma_start3A_19 = arith.constant 0 : i32
    %dma_start3A_20 = arith.constant 0 : i32
    %dma_start3A_21 = tpu.memref_slice %arg2[%dma_start3A_19, %dma_start3A_20] : memref<10000x128xf32, #tpu.memory_space<hbm>> -> memref<10000x128xf32, #tpu.memory_space<hbm>>
    tpu.enqueue_indirect_dma source(%dma_start3A_21 : memref<10000x128xf32, #tpu.memory_space<hbm>>) target(%arg9 : memref<80x128xf32, #tpu.memory_space<vmem>>) offsets(%dma_start3A_18 : memref<80xi32, #tpu.memory_space<vmem>>) semaphore(%arg13 : memref<!tpu.dma_semaphore, #tpu.memory_space<semaphore_mem>>)
    %mul3A_22 = arith.constant 10080 : i32
    %mul3A_23 = arith.muli %add3A, %mul3A_22 : i32
    %add3A_24 = arith.constant 80 : i32
    %add3A_25 = arith.addi %mul3A_23, %add3A_24 : i32
    %dma_start3A_26 = arith.constant 1 : i32
    %dma_start3A_27 = arith.constant 0 : i32
    %dma_start3A_28 = tpu.memref_slice %arg8[%dma_start3A_26, %dma_start3A_27] : memref<3x80xi32, #tpu.memory_space<vmem>> -> memref<1x80xi32, #tpu.memory_space<vmem>>
    %dma_start3A_29 = tpu.memref_squeeze %dma_start3A_28 : memref<1x80xi32, #tpu.memory_space<vmem>> -> memref<80xi32, #tpu.memory_space<vmem>>
    %dma_start3A_30 = tpu.memref_slice %arg4[%add3A_25] : memref<322560xi32, #tpu.memory_space<hbm>> -> memref<80xi32, #tpu.memory_space<hbm>>
    %dma_start3A_31 = arith.constant 0 : i32
    %dma_start3A_32 = tpu.memref_slice %arg8[%dma_start3A_26, %dma_start3A_31] : memref<3x80xi32, #tpu.memory_space<vmem>> -> memref<1x80xi32, #tpu.memory_space<vmem>>
    %dma_start3A_33 = tpu.memref_squeeze %dma_start3A_32 : memref<1x80xi32, #tpu.memory_space<vmem>> -> memref<80xi32, #tpu.memory_space<vmem>>
    %dma_start3A_34 = tpu.memref_slice %arg4[%add3A_25] : memref<322560xi32, #tpu.memory_space<hbm>> -> memref<80xi32, #tpu.memory_space<hbm>>
    tpu.enqueue_dma source(%dma_start3A_34 : memref<80xi32, #tpu.memory_space<hbm>>) target(%dma_start3A_33 : memref<80xi32, #tpu.memory_space<vmem>>) target_semaphore(%arg14 : memref<!tpu.dma_semaphore, #tpu.memory_space<semaphore_mem>>)
    %dma_start3A_35 = arith.constant 1 : i32
    %dma_start3A_36 = arith.constant 0 : i32
    %dma_start3A_37 = tpu.memref_slice %arg7[%dma_start3A_35, %dma_start3A_36] : memref<126x80xi32, #tpu.memory_space<vmem>> -> memref<1x80xi32, #tpu.memory_space<vmem>>
    %dma_start3A_38 = tpu.memref_squeeze %dma_start3A_37 : memref<1x80xi32, #tpu.memory_space<vmem>> -> memref<80xi32, #tpu.memory_space<vmem>>
    %dma_start3A_39 = arith.constant 0 : i32
    %dma_start3A_40 = arith.constant 0 : i32
    %dma_start3A_41 = tpu.memref_slice %arg2[%dma_start3A_39, %dma_start3A_40] : memref<10000x128xf32, #tpu.memory_space<hbm>> -> memref<10000x128xf32, #tpu.memory_space<hbm>>
    tpu.enqueue_indirect_dma source(%dma_start3A_41 : memref<10000x128xf32, #tpu.memory_space<hbm>>) target(%arg10 : memref<80x128xf32, #tpu.memory_space<vmem>>) offsets(%dma_start3A_38 : memref<80xi32, #tpu.memory_space<vmem>>) semaphore(%arg14 : memref<!tpu.dma_semaphore, #tpu.memory_space<semaphore_mem>>)
    %mul3A_42 = arith.constant 10080 : i32
    %mul3A_43 = arith.muli %add3A, %mul3A_42 : i32
    %add3A_44 = arith.constant 160 : i32
    %add3A_45 = arith.addi %mul3A_43, %add3A_44 : i32
    %dma_start3A_46 = arith.constant 2 : i32
    %dma_start3A_47 = arith.constant 0 : i32
    %dma_start3A_48 = tpu.memref_slice %arg8[%dma_start3A_46, %dma_start3A_47] : memref<3x80xi32, #tpu.memory_space<vmem>> -> memref<1x80xi32, #tpu.memory_space<vmem>>
    %dma_start3A_49 = tpu.memref_squeeze %dma_start3A_48 : memref<1x80xi32, #tpu.memory_space<vmem>> -> memref<80xi32, #tpu.memory_space<vmem>>
    %dma_start3A_50 = tpu.memref_slice %arg4[%add3A_45] : memref<322560xi32, #tpu.memory_space<hbm>> -> memref<80xi32, #tpu.memory_space<hbm>>
    %dma_start3A_51 = arith.constant 0 : i32
    %dma_start3A_52 = tpu.memref_slice %arg8[%dma_start3A_46, %dma_start3A_51] : memref<3x80xi32, #tpu.memory_space<vmem>> -> memref<1x80xi32, #tpu.memory_space<vmem>>
    %dma_start3A_53 = tpu.memref_squeeze %dma_start3A_52 : memref<1x80xi32, #tpu.memory_space<vmem>> -> memref<80xi32, #tpu.memory_space<vmem>>
    %dma_start3A_54 = tpu.memref_slice %arg4[%add3A_45] : memref<322560xi32, #tpu.memory_space<hbm>> -> memref<80xi32, #tpu.memory_space<hbm>>
    tpu.enqueue_dma source(%dma_start3A_54 : memref<80xi32, #tpu.memory_space<hbm>>) target(%dma_start3A_53 : memref<80xi32, #tpu.memory_space<vmem>>) target_semaphore(%arg15 : memref<!tpu.dma_semaphore, #tpu.memory_space<semaphore_mem>>)
    %dma_start3A_55 = arith.constant 2 : i32
    %dma_start3A_56 = arith.constant 0 : i32
    %dma_start3A_57 = tpu.memref_slice %arg7[%dma_start3A_55, %dma_start3A_56] : memref<126x80xi32, #tpu.memory_space<vmem>> -> memref<1x80xi32, #tpu.memory_space<vmem>>
    %dma_start3A_58 = tpu.memref_squeeze %dma_start3A_57 : memref<1x80xi32, #tpu.memory_space<vmem>> -> memref<80xi32, #tpu.memory_space<vmem>>
    %dma_start3A_59 = arith.constant 0 : i32
    %dma_start3A_60 = arith.constant 0 : i32
    %dma_start3A_61 = tpu.memref_slice %arg2[%dma_start3A_59, %dma_start3A_60] : memref<10000x128xf32, #tpu.memory_space<hbm>> -> memref<10000x128xf32, #tpu.memory_space<hbm>>
    tpu.enqueue_indirect_dma source(%dma_start3A_61 : memref<10000x128xf32, #tpu.memory_space<hbm>>) target(%arg11 : memref<80x128xf32, #tpu.memory_space<vmem>>) offsets(%dma_start3A_58 : memref<80xi32, #tpu.memory_space<vmem>>) semaphore(%arg15 : memref<!tpu.dma_semaphore, #tpu.memory_space<semaphore_mem>>)
    %scan3A = arith.constant 0 : i32
    %scan3A_62 = arith.constant 41 : i32
    %scan3A_63 = arith.addi %scan3A, %scan3A_62 : i32
    %scan3A_64 = arith.constant 1 : i32
    scf.for %scan3A_132 = %scan3A to %scan3A_63 step %scan3A_64  : i32 {
      %mul3A_133 = arith.constant 3 : i32
      %mul3A_134 = arith.muli %scan3A_132, %mul3A_133 : i32
      %add3A_135 = arith.constant 0 : i32
      %add3A_136 = arith.addi %add3A_135, %mul3A_134 : i32
      %add3A_137 = arith.constant 0 : i32
      %add3A_138 = arith.addi %add3A_136, %add3A_137 : i32
      %mul3A_139 = arith.constant 10080 : i32
      %mul3A_140 = arith.muli %add3A, %mul3A_139 : i32
      %mul3A_141 = arith.constant 80 : i32
      %mul3A_142 = arith.muli %add3A_138, %mul3A_141 : i32
      %add3A_143 = arith.addi %mul3A_140, %mul3A_142 : i32
      %dma_wait3A_144 = arith.constant 0 : i32
      %dma_wait3A_145 = arith.constant 0 : i32
      %dma_wait3A_146 = tpu.memref_slice %arg8[%dma_wait3A_144, %dma_wait3A_145] : memref<3x80xi32, #tpu.memory_space<vmem>> -> memref<1x80xi32, #tpu.memory_space<vmem>>
      %dma_wait3A_147 = tpu.memref_squeeze %dma_wait3A_146 : memref<1x80xi32, #tpu.memory_space<vmem>> -> memref<80xi32, #tpu.memory_space<vmem>>
      %dma_wait3A_148 = tpu.memref_slice %arg4[%add3A_143] : memref<322560xi32, #tpu.memory_space<hbm>> -> memref<80xi32, #tpu.memory_space<hbm>>
      %dma_wait3A_149 = arith.constant 0 : i32
      %dma_wait3A_150 = tpu.memref_slice %arg8[%dma_wait3A_144, %dma_wait3A_149] : memref<3x80xi32, #tpu.memory_space<vmem>> -> memref<1x80xi32, #tpu.memory_space<vmem>>
      %dma_wait3A_151 = tpu.memref_squeeze %dma_wait3A_150 : memref<1x80xi32, #tpu.memory_space<vmem>> -> memref<80xi32, #tpu.memory_space<vmem>>
      %dma_wait3A_152 = tpu.memref_slice %arg4[%add3A_143] : memref<322560xi32, #tpu.memory_space<hbm>> -> memref<80xi32, #tpu.memory_space<hbm>>
      tpu.wait_dma2 semaphore(%arg13 : memref<!tpu.dma_semaphore, #tpu.memory_space<semaphore_mem>>) src(%dma_wait3A_152 : memref<80xi32, #tpu.memory_space<hbm>>) dst(%dma_wait3A_151 : memref<80xi32, #tpu.memory_space<vmem>>)
      %dma_wait3A_153 = arith.constant 0 : i32
      %dma_wait3A_154 = tpu.memref_slice %arg7[%add3A_138, %dma_wait3A_153] : memref<126x80xi32, #tpu.memory_space<vmem>> -> memref<1x80xi32, #tpu.memory_space<vmem>>
      %dma_wait3A_155 = tpu.memref_squeeze %dma_wait3A_154 : memref<1x80xi32, #tpu.memory_space<vmem>> -> memref<80xi32, #tpu.memory_space<vmem>>
      %dma_wait3A_156 = arith.constant 0 : i32
      %dma_wait3A_157 = arith.constant 0 : i32
      %dma_wait3A_158 = tpu.memref_slice %arg2[%dma_wait3A_156, %dma_wait3A_157] : memref<10000x128xf32, #tpu.memory_space<hbm>> -> memref<10000x128xf32, #tpu.memory_space<hbm>>
      tpu.wait_indirect_dma semaphore(%arg13 : memref<!tpu.dma_semaphore, #tpu.memory_space<semaphore_mem>>) src(%dma_wait3A_158 : memref<10000x128xf32, #tpu.memory_space<hbm>>) dst(%arg9 : memref<80x128xf32, #tpu.memory_space<vmem>>)
      %run_scoped3A_159 = arith.constant 0 : i32
      "tpu.region"() ({
        %run_scoped3A_278 = tpu.sem_alloc : memref<!tpu.dma_semaphore, #tpu.memory_space<semaphore_mem>>
        %dma_start3A_279 = arith.constant 0 : i32
        %dma_start3A_280 = tpu.memref_slice %arg8[%run_scoped3A_159, %dma_start3A_279] : memref<3x80xi32, #tpu.memory_space<vmem>> -> memref<1x80xi32, #tpu.memory_space<vmem>>
        %dma_start3A_281 = tpu.memref_squeeze %dma_start3A_280 : memref<1x80xi32, #tpu.memory_space<vmem>> -> memref<80xi32, #tpu.memory_space<vmem>>
        %dma_start3A_282 = arith.constant 0 : i32
        %dma_start3A_283 = arith.constant 0 : i32
        %dma_start3A_284 = tpu.memref_slice %arg12[%dma_start3A_282, %dma_start3A_283] : memref<10240x128xf32, #tpu.memory_space<vmem_shared>> -> memref<10240x128xf32, #tpu.memory_space<vmem_shared>>
        tpu.enqueue_indirect_dma source(%arg9 : memref<80x128xf32, #tpu.memory_space<vmem>>) target(%dma_start3A_284 : memref<10240x128xf32, #tpu.memory_space<vmem_shared>>) offsets(%dma_start3A_281 : memref<80xi32, #tpu.memory_space<vmem>>) semaphore(%run_scoped3A_278 : memref<!tpu.dma_semaphore, #tpu.memory_space<semaphore_mem>>) {add = true}
        %dma_wait3A_285 = arith.constant 0 : i32
        %dma_wait3A_286 = tpu.memref_slice %arg8[%run_scoped3A_159, %dma_wait3A_285] : memref<3x80xi32, #tpu.memory_space<vmem>> -> memref<1x80xi32, #tpu.memory_space<vmem>>
        %dma_wait3A_287 = tpu.memref_squeeze %dma_wait3A_286 : memref<1x80xi32, #tpu.memory_space<vmem>> -> memref<80xi32, #tpu.memory_space<vmem>>
        %dma_wait3A_288 = arith.constant 0 : i32
        %dma_wait3A_289 = arith.constant 0 : i32
        %dma_wait3A_290 = tpu.memref_slice %arg12[%dma_wait3A_288, %dma_wait3A_289] : memref<10240x128xf32, #tpu.memory_space<vmem_shared>> -> memref<10240x128xf32, #tpu.memory_space<vmem_shared>>
        tpu.wait_indirect_dma semaphore(%run_scoped3A_278 : memref<!tpu.dma_semaphore, #tpu.memory_space<semaphore_mem>>) src(%arg9 : memref<80x128xf32, #tpu.memory_space<vmem>>) dst(%dma_wait3A_290 : memref<10240x128xf32, #tpu.memory_space<vmem_shared>>)
        tpu.yield
      }) : () -> ()
      %add3A_160 = arith.constant 0 : i32
      %add3A_161 = arith.addi %add3A_136, %add3A_160 : i32
      %add3A_162 = arith.constant 3 : i32
      %add3A_163 = arith.addi %add3A_161, %add3A_162 : i32
      %mul3A_164 = arith.constant 10080 : i32
      %mul3A_165 = arith.muli %add3A, %mul3A_164 : i32
      %mul3A_166 = arith.constant 80 : i32
      %mul3A_167 = arith.muli %add3A_163, %mul3A_166 : i32
      %add3A_168 = arith.addi %mul3A_165, %mul3A_167 : i32
      %dma_start3A_169 = arith.constant 0 : i32
      %dma_start3A_170 = arith.constant 0 : i32
      %dma_start3A_171 = tpu.memref_slice %arg8[%dma_start3A_169, %dma_start3A_170] : memref<3x80xi32, #tpu.memory_space<vmem>> -> memref<1x80xi32, #tpu.memory_space<vmem>>
      %dma_start3A_172 = tpu.memref_squeeze %dma_start3A_171 : memref<1x80xi32, #tpu.memory_space<vmem>> -> memref<80xi32, #tpu.memory_space<vmem>>
      %dma_start3A_173 = tpu.memref_slice %arg4[%add3A_168] : memref<322560xi32, #tpu.memory_space<hbm>> -> memref<80xi32, #tpu.memory_space<hbm>>
      %dma_start3A_174 = arith.constant 0 : i32
      %dma_start3A_175 = tpu.memref_slice %arg8[%dma_start3A_169, %dma_start3A_174] : memref<3x80xi32, #tpu.memory_space<vmem>> -> memref<1x80xi32, #tpu.memory_space<vmem>>
      %dma_start3A_176 = tpu.memref_squeeze %dma_start3A_175 : memref<1x80xi32, #tpu.memory_space<vmem>> -> memref<80xi32, #tpu.memory_space<vmem>>
      %dma_start3A_177 = tpu.memref_slice %arg4[%add3A_168] : memref<322560xi32, #tpu.memory_space<hbm>> -> memref<80xi32, #tpu.memory_space<hbm>>
      tpu.enqueue_dma source(%dma_start3A_177 : memref<80xi32, #tpu.memory_space<hbm>>) target(%dma_start3A_176 : memref<80xi32, #tpu.memory_space<vmem>>) target_semaphore(%arg13 : memref<!tpu.dma_semaphore, #tpu.memory_space<semaphore_mem>>)
      %dma_start3A_178 = arith.constant 0 : i32
      %dma_start3A_179 = tpu.memref_slice %arg7[%add3A_163, %dma_start3A_178] : memref<126x80xi32, #tpu.memory_space<vmem>> -> memref<1x80xi32, #tpu.memory_space<vmem>>
      %dma_start3A_180 = tpu.memref_squeeze %dma_start3A_179 : memref<1x80xi32, #tpu.memory_space<vmem>> -> memref<80xi32, #tpu.memory_space<vmem>>
      %dma_start3A_181 = arith.constant 0 : i32
      %dma_start3A_182 = arith.constant 0 : i32
      %dma_start3A_183 = tpu.memref_slice %arg2[%dma_start3A_181, %dma_start3A_182] : memref<10000x128xf32, #tpu.memory_space<hbm>> -> memref<10000x128xf32, #tpu.memory_space<hbm>>
      tpu.enqueue_indirect_dma source(%dma_start3A_183 : memref<10000x128xf32, #tpu.memory_space<hbm>>) target(%arg9 : memref<80x128xf32, #tpu.memory_space<vmem>>) offsets(%dma_start3A_180 : memref<80xi32, #tpu.memory_space<vmem>>) semaphore(%arg13 : memref<!tpu.dma_semaphore, #tpu.memory_space<semaphore_mem>>)
      %add3A_184 = arith.constant 1 : i32
      %add3A_185 = arith.addi %add3A_136, %add3A_184 : i32
      %mul3A_186 = arith.constant 10080 : i32
      %mul3A_187 = arith.muli %add3A, %mul3A_186 : i32
      %mul3A_188 = arith.constant 80 : i32
      %mul3A_189 = arith.muli %add3A_185, %mul3A_188 : i32
      %add3A_190 = arith.addi %mul3A_187, %mul3A_189 : i32
      %dma_wait3A_191 = arith.constant 1 : i32
      %dma_wait3A_192 = arith.constant 0 : i32
      %dma_wait3A_193 = tpu.memref_slice %arg8[%dma_wait3A_191, %dma_wait3A_192] : memref<3x80xi32, #tpu.memory_space<vmem>> -> memref<1x80xi32, #tpu.memory_space<vmem>>
      %dma_wait3A_194 = tpu.memref_squeeze %dma_wait3A_193 : memref<1x80xi32, #tpu.memory_space<vmem>> -> memref<80xi32, #tpu.memory_space<vmem>>
      %dma_wait3A_195 = tpu.memref_slice %arg4[%add3A_190] : memref<322560xi32, #tpu.memory_space<hbm>> -> memref<80xi32, #tpu.memory_space<hbm>>
      %dma_wait3A_196 = arith.constant 0 : i32
      %dma_wait3A_197 = tpu.memref_slice %arg8[%dma_wait3A_191, %dma_wait3A_196] : memref<3x80xi32, #tpu.memory_space<vmem>> -> memref<1x80xi32, #tpu.memory_space<vmem>>
      %dma_wait3A_198 = tpu.memref_squeeze %dma_wait3A_197 : memref<1x80xi32, #tpu.memory_space<vmem>> -> memref<80xi32, #tpu.memory_space<vmem>>
      %dma_wait3A_199 = tpu.memref_slice %arg4[%add3A_190] : memref<322560xi32, #tpu.memory_space<hbm>> -> memref<80xi32, #tpu.memory_space<hbm>>
      tpu.wait_dma2 semaphore(%arg14 : memref<!tpu.dma_semaphore, #tpu.memory_space<semaphore_mem>>) src(%dma_wait3A_199 : memref<80xi32, #tpu.memory_space<hbm>>) dst(%dma_wait3A_198 : memref<80xi32, #tpu.memory_space<vmem>>)
      %dma_wait3A_200 = arith.constant 0 : i32
      %dma_wait3A_201 = tpu.memref_slice %arg7[%add3A_185, %dma_wait3A_200] : memref<126x80xi32, #tpu.memory_space<vmem>> -> memref<1x80xi32, #tpu.memory_space<vmem>>
      %dma_wait3A_202 = tpu.memref_squeeze %dma_wait3A_201 : memref<1x80xi32, #tpu.memory_space<vmem>> -> memref<80xi32, #tpu.memory_space<vmem>>
      %dma_wait3A_203 = arith.constant 0 : i32
      %dma_wait3A_204 = arith.constant 0 : i32
      %dma_wait3A_205 = tpu.memref_slice %arg2[%dma_wait3A_203, %dma_wait3A_204] : memref<10000x128xf32, #tpu.memory_space<hbm>> -> memref<10000x128xf32, #tpu.memory_space<hbm>>
      tpu.wait_indirect_dma semaphore(%arg14 : memref<!tpu.dma_semaphore, #tpu.memory_space<semaphore_mem>>) src(%dma_wait3A_205 : memref<10000x128xf32, #tpu.memory_space<hbm>>) dst(%arg10 : memref<80x128xf32, #tpu.memory_space<vmem>>)
      %run_scoped3A_206 = arith.constant 1 : i32
      "tpu.region"() ({
        %run_scoped3A_278 = tpu.sem_alloc : memref<!tpu.dma_semaphore, #tpu.memory_space<semaphore_mem>>
        %dma_start3A_279 = arith.constant 0 : i32
        %dma_start3A_280 = tpu.memref_slice %arg8[%run_scoped3A_206, %dma_start3A_279] : memref<3x80xi32, #tpu.memory_space<vmem>> -> memref<1x80xi32, #tpu.memory_space<vmem>>
        %dma_start3A_281 = tpu.memref_squeeze %dma_start3A_280 : memref<1x80xi32, #tpu.memory_space<vmem>> -> memref<80xi32, #tpu.memory_space<vmem>>
        %dma_start3A_282 = arith.constant 0 : i32
        %dma_start3A_283 = arith.constant 0 : i32
        %dma_start3A_284 = tpu.memref_slice %arg12[%dma_start3A_282, %dma_start3A_283] : memref<10240x128xf32, #tpu.memory_space<vmem_shared>> -> memref<10240x128xf32, #tpu.memory_space<vmem_shared>>
        tpu.enqueue_indirect_dma source(%arg10 : memref<80x128xf32, #tpu.memory_space<vmem>>) target(%dma_start3A_284 : memref<10240x128xf32, #tpu.memory_space<vmem_shared>>) offsets(%dma_start3A_281 : memref<80xi32, #tpu.memory_space<vmem>>) semaphore(%run_scoped3A_278 : memref<!tpu.dma_semaphore, #tpu.memory_space<semaphore_mem>>) {add = true}
        %dma_wait3A_285 = arith.constant 0 : i32
        %dma_wait3A_286 = tpu.memref_slice %arg8[%run_scoped3A_206, %dma_wait3A_285] : memref<3x80xi32, #tpu.memory_space<vmem>> -> memref<1x80xi32, #tpu.memory_space<vmem>>
        %dma_wait3A_287 = tpu.memref_squeeze %dma_wait3A_286 : memref<1x80xi32, #tpu.memory_space<vmem>> -> memref<80xi32, #tpu.memory_space<vmem>>
        %dma_wait3A_288 = arith.constant 0 : i32
        %dma_wait3A_289 = arith.constant 0 : i32
        %dma_wait3A_290 = tpu.memref_slice %arg12[%dma_wait3A_288, %dma_wait3A_289] : memref<10240x128xf32, #tpu.memory_space<vmem_shared>> -> memref<10240x128xf32, #tpu.memory_space<vmem_shared>>
        tpu.wait_indirect_dma semaphore(%run_scoped3A_278 : memref<!tpu.dma_semaphore, #tpu.memory_space<semaphore_mem>>) src(%arg10 : memref<80x128xf32, #tpu.memory_space<vmem>>) dst(%dma_wait3A_290 : memref<10240x128xf32, #tpu.memory_space<vmem_shared>>)
        tpu.yield
      }) : () -> ()
      %add3A_207 = arith.constant 1 : i32
      %add3A_208 = arith.addi %add3A_136, %add3A_207 : i32
      %add3A_209 = arith.constant 3 : i32
      %add3A_210 = arith.addi %add3A_208, %add3A_209 : i32
      %mul3A_211 = arith.constant 10080 : i32
      %mul3A_212 = arith.muli %add3A, %mul3A_211 : i32
      %mul3A_213 = arith.constant 80 : i32
      %mul3A_214 = arith.muli %add3A_210, %mul3A_213 : i32
      %add3A_215 = arith.addi %mul3A_212, %mul3A_214 : i32
      %dma_start3A_216 = arith.constant 1 : i32
      %dma_start3A_217 = arith.constant 0 : i32
      %dma_start3A_218 = tpu.memref_slice %arg8[%dma_start3A_216, %dma_start3A_217] : memref<3x80xi32, #tpu.memory_space<vmem>> -> memref<1x80xi32, #tpu.memory_space<vmem>>
      %dma_start3A_219 = tpu.memref_squeeze %dma_start3A_218 : memref<1x80xi32, #tpu.memory_space<vmem>> -> memref<80xi32, #tpu.memory_space<vmem>>
      %dma_start3A_220 = tpu.memref_slice %arg4[%add3A_215] : memref<322560xi32, #tpu.memory_space<hbm>> -> memref<80xi32, #tpu.memory_space<hbm>>
      %dma_start3A_221 = arith.constant 0 : i32
      %dma_start3A_222 = tpu.memref_slice %arg8[%dma_start3A_216, %dma_start3A_221] : memref<3x80xi32, #tpu.memory_space<vmem>> -> memref<1x80xi32, #tpu.memory_space<vmem>>
      %dma_start3A_223 = tpu.memref_squeeze %dma_start3A_222 : memref<1x80xi32, #tpu.memory_space<vmem>> -> memref<80xi32, #tpu.memory_space<vmem>>
      %dma_start3A_224 = tpu.memref_slice %arg4[%add3A_215] : memref<322560xi32, #tpu.memory_space<hbm>> -> memref<80xi32, #tpu.memory_space<hbm>>
      tpu.enqueue_dma source(%dma_start3A_224 : memref<80xi32, #tpu.memory_space<hbm>>) target(%dma_start3A_223 : memref<80xi32, #tpu.memory_space<vmem>>) target_semaphore(%arg14 : memref<!tpu.dma_semaphore, #tpu.memory_space<semaphore_mem>>)
      %dma_start3A_225 = arith.constant 0 : i32
      %dma_start3A_226 = tpu.memref_slice %arg7[%add3A_210, %dma_start3A_225] : memref<126x80xi32, #tpu.memory_space<vmem>> -> memref<1x80xi32, #tpu.memory_space<vmem>>
      %dma_start3A_227 = tpu.memref_squeeze %dma_start3A_226 : memref<1x80xi32, #tpu.memory_space<vmem>> -> memref<80xi32, #tpu.memory_space<vmem>>
      %dma_start3A_228 = arith.constant 0 : i32
      %dma_start3A_229 = arith.constant 0 : i32
      %dma_start3A_230 = tpu.memref_slice %arg2[%dma_start3A_228, %dma_start3A_229] : memref<10000x128xf32, #tpu.memory_space<hbm>> -> memref<10000x128xf32, #tpu.memory_space<hbm>>
      tpu.enqueue_indirect_dma source(%dma_start3A_230 : memref<10000x128xf32, #tpu.memory_space<hbm>>) target(%arg10 : memref<80x128xf32, #tpu.memory_space<vmem>>) offsets(%dma_start3A_227 : memref<80xi32, #tpu.memory_space<vmem>>) semaphore(%arg14 : memref<!tpu.dma_semaphore, #tpu.memory_space<semaphore_mem>>)
      %add3A_231 = arith.constant 2 : i32
      %add3A_232 = arith.addi %add3A_136, %add3A_231 : i32
      %mul3A_233 = arith.constant 10080 : i32
      %mul3A_234 = arith.muli %add3A, %mul3A_233 : i32
      %mul3A_235 = arith.constant 80 : i32
      %mul3A_236 = arith.muli %add3A_232, %mul3A_235 : i32
      %add3A_237 = arith.addi %mul3A_234, %mul3A_236 : i32
      %dma_wait3A_238 = arith.constant 2 : i32
      %dma_wait3A_239 = arith.constant 0 : i32
      %dma_wait3A_240 = tpu.memref_slice %arg8[%dma_wait3A_238, %dma_wait3A_239] : memref<3x80xi32, #tpu.memory_space<vmem>> -> memref<1x80xi32, #tpu.memory_space<vmem>>
      %dma_wait3A_241 = tpu.memref_squeeze %dma_wait3A_240 : memref<1x80xi32, #tpu.memory_space<vmem>> -> memref<80xi32, #tpu.memory_space<vmem>>
      %dma_wait3A_242 = tpu.memref_slice %arg4[%add3A_237] : memref<322560xi32, #tpu.memory_space<hbm>> -> memref<80xi32, #tpu.memory_space<hbm>>
      %dma_wait3A_243 = arith.constant 0 : i32
      %dma_wait3A_244 = tpu.memref_slice %arg8[%dma_wait3A_238, %dma_wait3A_243] : memref<3x80xi32, #tpu.memory_space<vmem>> -> memref<1x80xi32, #tpu.memory_space<vmem>>
      %dma_wait3A_245 = tpu.memref_squeeze %dma_wait3A_244 : memref<1x80xi32, #tpu.memory_space<vmem>> -> memref<80xi32, #tpu.memory_space<vmem>>
      %dma_wait3A_246 = tpu.memref_slice %arg4[%add3A_237] : memref<322560xi32, #tpu.memory_space<hbm>> -> memref<80xi32, #tpu.memory_space<hbm>>
      tpu.wait_dma2 semaphore(%arg15 : memref<!tpu.dma_semaphore, #tpu.memory_space<semaphore_mem>>) src(%dma_wait3A_246 : memref<80xi32, #tpu.memory_space<hbm>>) dst(%dma_wait3A_245 : memref<80xi32, #tpu.memory_space<vmem>>)
      %dma_wait3A_247 = arith.constant 0 : i32
      %dma_wait3A_248 = tpu.memref_slice %arg7[%add3A_232, %dma_wait3A_247] : memref<126x80xi32, #tpu.memory_space<vmem>> -> memref<1x80xi32, #tpu.memory_space<vmem>>
      %dma_wait3A_249 = tpu.memref_squeeze %dma_wait3A_248 : memref<1x80xi32, #tpu.memory_space<vmem>> -> memref<80xi32, #tpu.memory_space<vmem>>
      %dma_wait3A_250 = arith.constant 0 : i32
      %dma_wait3A_251 = arith.constant 0 : i32
      %dma_wait3A_252 = tpu.memref_slice %arg2[%dma_wait3A_250, %dma_wait3A_251] : memref<10000x128xf32, #tpu.memory_space<hbm>> -> memref<10000x128xf32, #tpu.memory_space<hbm>>
      tpu.wait_indirect_dma semaphore(%arg15 : memref<!tpu.dma_semaphore, #tpu.memory_space<semaphore_mem>>) src(%dma_wait3A_252 : memref<10000x128xf32, #tpu.memory_space<hbm>>) dst(%arg11 : memref<80x128xf32, #tpu.memory_space<vmem>>)
      %run_scoped3A_253 = arith.constant 2 : i32
      "tpu.region"() ({
        %run_scoped3A_278 = tpu.sem_alloc : memref<!tpu.dma_semaphore, #tpu.memory_space<semaphore_mem>>
        %dma_start3A_279 = arith.constant 0 : i32
        %dma_start3A_280 = tpu.memref_slice %arg8[%run_scoped3A_253, %dma_start3A_279] : memref<3x80xi32, #tpu.memory_space<vmem>> -> memref<1x80xi32, #tpu.memory_space<vmem>>
        %dma_start3A_281 = tpu.memref_squeeze %dma_start3A_280 : memref<1x80xi32, #tpu.memory_space<vmem>> -> memref<80xi32, #tpu.memory_space<vmem>>
        %dma_start3A_282 = arith.constant 0 : i32
        %dma_start3A_283 = arith.constant 0 : i32
        %dma_start3A_284 = tpu.memref_slice %arg12[%dma_start3A_282, %dma_start3A_283] : memref<10240x128xf32, #tpu.memory_space<vmem_shared>> -> memref<10240x128xf32, #tpu.memory_space<vmem_shared>>
        tpu.enqueue_indirect_dma source(%arg11 : memref<80x128xf32, #tpu.memory_space<vmem>>) target(%dma_start3A_284 : memref<10240x128xf32, #tpu.memory_space<vmem_shared>>) offsets(%dma_start3A_281 : memref<80xi32, #tpu.memory_space<vmem>>) semaphore(%run_scoped3A_278 : memref<!tpu.dma_semaphore, #tpu.memory_space<semaphore_mem>>) {add = true}
        %dma_wait3A_285 = arith.constant 0 : i32
        %dma_wait3A_286 = tpu.memref_slice %arg8[%run_scoped3A_253, %dma_wait3A_285] : memref<3x80xi32, #tpu.memory_space<vmem>> -> memref<1x80xi32, #tpu.memory_space<vmem>>
        %dma_wait3A_287 = tpu.memref_squeeze %dma_wait3A_286 : memref<1x80xi32, #tpu.memory_space<vmem>> -> memref<80xi32, #tpu.memory_space<vmem>>
        %dma_wait3A_288 = arith.constant 0 : i32
        %dma_wait3A_289 = arith.constant 0 : i32
        %dma_wait3A_290 = tpu.memref_slice %arg12[%dma_wait3A_288, %dma_wait3A_289] : memref<10240x128xf32, #tpu.memory_space<vmem_shared>> -> memref<10240x128xf32, #tpu.memory_space<vmem_shared>>
        tpu.wait_indirect_dma semaphore(%run_scoped3A_278 : memref<!tpu.dma_semaphore, #tpu.memory_space<semaphore_mem>>) src(%arg11 : memref<80x128xf32, #tpu.memory_space<vmem>>) dst(%dma_wait3A_290 : memref<10240x128xf32, #tpu.memory_space<vmem_shared>>)
        tpu.yield
      }) : () -> ()
      %add3A_254 = arith.constant 2 : i32
      %add3A_255 = arith.addi %add3A_136, %add3A_254 : i32
      %add3A_256 = arith.constant 3 : i32
      %add3A_257 = arith.addi %add3A_255, %add3A_256 : i32
      %mul3A_258 = arith.constant 10080 : i32
      %mul3A_259 = arith.muli %add3A, %mul3A_258 : i32
      %mul3A_260 = arith.constant 80 : i32
      %mul3A_261 = arith.muli %add3A_257, %mul3A_260 : i32
      %add3A_262 = arith.addi %mul3A_259, %mul3A_261 : i32
      %dma_start3A_263 = arith.constant 2 : i32
      %dma_start3A_264 = arith.constant 0 : i32
      %dma_start3A_265 = tpu.memref_slice %arg8[%dma_start3A_263, %dma_start3A_264] : memref<3x80xi32, #tpu.memory_space<vmem>> -> memref<1x80xi32, #tpu.memory_space<vmem>>
      %dma_start3A_266 = tpu.memref_squeeze %dma_start3A_265 : memref<1x80xi32, #tpu.memory_space<vmem>> -> memref<80xi32, #tpu.memory_space<vmem>>
      %dma_start3A_267 = tpu.memref_slice %arg4[%add3A_262] : memref<322560xi32, #tpu.memory_space<hbm>> -> memref<80xi32, #tpu.memory_space<hbm>>
      %dma_start3A_268 = arith.constant 0 : i32
      %dma_start3A_269 = tpu.memref_slice %arg8[%dma_start3A_263, %dma_start3A_268] : memref<3x80xi32, #tpu.memory_space<vmem>> -> memref<1x80xi32, #tpu.memory_space<vmem>>
      %dma_start3A_270 = tpu.memref_squeeze %dma_start3A_269 : memref<1x80xi32, #tpu.memory_space<vmem>> -> memref<80xi32, #tpu.memory_space<vmem>>
      %dma_start3A_271 = tpu.memref_slice %arg4[%add3A_262] : memref<322560xi32, #tpu.memory_space<hbm>> -> memref<80xi32, #tpu.memory_space<hbm>>
      tpu.enqueue_dma source(%dma_start3A_271 : memref<80xi32, #tpu.memory_space<hbm>>) target(%dma_start3A_270 : memref<80xi32, #tpu.memory_space<vmem>>) target_semaphore(%arg15 : memref<!tpu.dma_semaphore, #tpu.memory_space<semaphore_mem>>)
      %dma_start3A_272 = arith.constant 0 : i32
      %dma_start3A_273 = tpu.memref_slice %arg7[%add3A_257, %dma_start3A_272] : memref<126x80xi32, #tpu.memory_space<vmem>> -> memref<1x80xi32, #tpu.memory_space<vmem>>
      %dma_start3A_274 = tpu.memref_squeeze %dma_start3A_273 : memref<1x80xi32, #tpu.memory_space<vmem>> -> memref<80xi32, #tpu.memory_space<vmem>>
      %dma_start3A_275 = arith.constant 0 : i32
      %dma_start3A_276 = arith.constant 0 : i32
      %dma_start3A_277 = tpu.memref_slice %arg2[%dma_start3A_275, %dma_start3A_276] : memref<10000x128xf32, #tpu.memory_space<hbm>> -> memref<10000x128xf32, #tpu.memory_space<hbm>>
      tpu.enqueue_indirect_dma source(%dma_start3A_277 : memref<10000x128xf32, #tpu.memory_space<hbm>>) target(%arg11 : memref<80x128xf32, #tpu.memory_space<vmem>>) offsets(%dma_start3A_274 : memref<80xi32, #tpu.memory_space<vmem>>) semaphore(%arg15 : memref<!tpu.dma_semaphore, #tpu.memory_space<semaphore_mem>>)
    }
    %scan3A_65 = arith.constant 41 : i32
    %mul3A_66 = arith.constant 10080 : i32
    %mul3A_67 = arith.muli %add3A, %mul3A_66 : i32
    %add3A_68 = arith.constant 9840 : i32
    %add3A_69 = arith.addi %mul3A_67, %add3A_68 : i32
    %dma_wait3A = arith.constant 0 : i32
    %dma_wait3A_70 = arith.constant 0 : i32
    %dma_wait3A_71 = tpu.memref_slice %arg8[%dma_wait3A, %dma_wait3A_70] : memref<3x80xi32, #tpu.memory_space<vmem>> -> memref<1x80xi32, #tpu.memory_space<vmem>>
    %dma_wait3A_72 = tpu.memref_squeeze %dma_wait3A_71 : memref<1x80xi32, #tpu.memory_space<vmem>> -> memref<80xi32, #tpu.memory_space<vmem>>
    %dma_wait3A_73 = tpu.memref_slice %arg4[%add3A_69] : memref<322560xi32, #tpu.memory_space<hbm>> -> memref<80xi32, #tpu.memory_space<hbm>>
    %dma_wait3A_74 = arith.constant 0 : i32
    %dma_wait3A_75 = tpu.memref_slice %arg8[%dma_wait3A, %dma_wait3A_74] : memref<3x80xi32, #tpu.memory_space<vmem>> -> memref<1x80xi32, #tpu.memory_space<vmem>>
    %dma_wait3A_76 = tpu.memref_squeeze %dma_wait3A_75 : memref<1x80xi32, #tpu.memory_space<vmem>> -> memref<80xi32, #tpu.memory_space<vmem>>
    %dma_wait3A_77 = tpu.memref_slice %arg4[%add3A_69] : memref<322560xi32, #tpu.memory_space<hbm>> -> memref<80xi32, #tpu.memory_space<hbm>>
    tpu.wait_dma2 semaphore(%arg13 : memref<!tpu.dma_semaphore, #tpu.memory_space<semaphore_mem>>) src(%dma_wait3A_77 : memref<80xi32, #tpu.memory_space<hbm>>) dst(%dma_wait3A_76 : memref<80xi32, #tpu.memory_space<vmem>>)
    %dma_wait3A_78 = arith.constant 123 : i32
    %dma_wait3A_79 = arith.constant 0 : i32
    %dma_wait3A_80 = tpu.memref_slice %arg7[%dma_wait3A_78, %dma_wait3A_79] : memref<126x80xi32, #tpu.memory_space<vmem>> -> memref<1x80xi32, #tpu.memory_space<vmem>>
    %dma_wait3A_81 = tpu.memref_squeeze %dma_wait3A_80 : memref<1x80xi32, #tpu.memory_space<vmem>> -> memref<80xi32, #tpu.memory_space<vmem>>
    %dma_wait3A_82 = arith.constant 0 : i32
    %dma_wait3A_83 = arith.constant 0 : i32
    %dma_wait3A_84 = tpu.memref_slice %arg2[%dma_wait3A_82, %dma_wait3A_83] : memref<10000x128xf32, #tpu.memory_space<hbm>> -> memref<10000x128xf32, #tpu.memory_space<hbm>>
    tpu.wait_indirect_dma semaphore(%arg13 : memref<!tpu.dma_semaphore, #tpu.memory_space<semaphore_mem>>) src(%dma_wait3A_84 : memref<10000x128xf32, #tpu.memory_space<hbm>>) dst(%arg9 : memref<80x128xf32, #tpu.memory_space<vmem>>)
    %run_scoped3A = arith.constant 0 : i32
    "tpu.region"() ({
      %run_scoped3A_132 = tpu.sem_alloc : memref<!tpu.dma_semaphore, #tpu.memory_space<semaphore_mem>>
      %dma_start3A_133 = arith.constant 0 : i32
      %dma_start3A_134 = tpu.memref_slice %arg8[%run_scoped3A, %dma_start3A_133] : memref<3x80xi32, #tpu.memory_space<vmem>> -> memref<1x80xi32, #tpu.memory_space<vmem>>
      %dma_start3A_135 = tpu.memref_squeeze %dma_start3A_134 : memref<1x80xi32, #tpu.memory_space<vmem>> -> memref<80xi32, #tpu.memory_space<vmem>>
      %dma_start3A_136 = arith.constant 0 : i32
      %dma_start3A_137 = arith.constant 0 : i32
      %dma_start3A_138 = tpu.memref_slice %arg12[%dma_start3A_136, %dma_start3A_137] : memref<10240x128xf32, #tpu.memory_space<vmem_shared>> -> memref<10240x128xf32, #tpu.memory_space<vmem_shared>>
      tpu.enqueue_indirect_dma source(%arg9 : memref<80x128xf32, #tpu.memory_space<vmem>>) target(%dma_start3A_138 : memref<10240x128xf32, #tpu.memory_space<vmem_shared>>) offsets(%dma_start3A_135 : memref<80xi32, #tpu.memory_space<vmem>>) semaphore(%run_scoped3A_132 : memref<!tpu.dma_semaphore, #tpu.memory_space<semaphore_mem>>) {add = true}
      %dma_wait3A_139 = arith.constant 0 : i32
      %dma_wait3A_140 = tpu.memref_slice %arg8[%run_scoped3A, %dma_wait3A_139] : memref<3x80xi32, #tpu.memory_space<vmem>> -> memref<1x80xi32, #tpu.memory_space<vmem>>
      %dma_wait3A_141 = tpu.memref_squeeze %dma_wait3A_140 : memref<1x80xi32, #tpu.memory_space<vmem>> -> memref<80xi32, #tpu.memory_space<vmem>>
      %dma_wait3A_142 = arith.constant 0 : i32
      %dma_wait3A_143 = arith.constant 0 : i32
      %dma_wait3A_144 = tpu.memref_slice %arg12[%dma_wait3A_142, %dma_wait3A_143] : memref<10240x128xf32, #tpu.memory_space<vmem_shared>> -> memref<10240x128xf32, #tpu.memory_space<vmem_shared>>
      tpu.wait_indirect_dma semaphore(%run_scoped3A_132 : memref<!tpu.dma_semaphore, #tpu.memory_space<semaphore_mem>>) src(%arg9 : memref<80x128xf32, #tpu.memory_space<vmem>>) dst(%dma_wait3A_144 : memref<10240x128xf32, #tpu.memory_space<vmem_shared>>)
      tpu.yield
    }) : () -> ()
    %mul3A_85 = arith.constant 10080 : i32
    %mul3A_86 = arith.muli %add3A, %mul3A_85 : i32
    %add3A_87 = arith.constant 9920 : i32
    %add3A_88 = arith.addi %mul3A_86, %add3A_87 : i32
    %dma_wait3A_89 = arith.constant 1 : i32
    %dma_wait3A_90 = arith.constant 0 : i32
    %dma_wait3A_91 = tpu.memref_slice %arg8[%dma_wait3A_89, %dma_wait3A_90] : memref<3x80xi32, #tpu.memory_space<vmem>> -> memref<1x80xi32, #tpu.memory_space<vmem>>
    %dma_wait3A_92 = tpu.memref_squeeze %dma_wait3A_91 : memref<1x80xi32, #tpu.memory_space<vmem>> -> memref<80xi32, #tpu.memory_space<vmem>>
    %dma_wait3A_93 = tpu.memref_slice %arg4[%add3A_88] : memref<322560xi32, #tpu.memory_space<hbm>> -> memref<80xi32, #tpu.memory_space<hbm>>
    %dma_wait3A_94 = arith.constant 0 : i32
    %dma_wait3A_95 = tpu.memref_slice %arg8[%dma_wait3A_89, %dma_wait3A_94] : memref<3x80xi32, #tpu.memory_space<vmem>> -> memref<1x80xi32, #tpu.memory_space<vmem>>
    %dma_wait3A_96 = tpu.memref_squeeze %dma_wait3A_95 : memref<1x80xi32, #tpu.memory_space<vmem>> -> memref<80xi32, #tpu.memory_space<vmem>>
    %dma_wait3A_97 = tpu.memref_slice %arg4[%add3A_88] : memref<322560xi32, #tpu.memory_space<hbm>> -> memref<80xi32, #tpu.memory_space<hbm>>
    tpu.wait_dma2 semaphore(%arg14 : memref<!tpu.dma_semaphore, #tpu.memory_space<semaphore_mem>>) src(%dma_wait3A_97 : memref<80xi32, #tpu.memory_space<hbm>>) dst(%dma_wait3A_96 : memref<80xi32, #tpu.memory_space<vmem>>)
    %dma_wait3A_98 = arith.constant 124 : i32
    %dma_wait3A_99 = arith.constant 0 : i32
    %dma_wait3A_100 = tpu.memref_slice %arg7[%dma_wait3A_98, %dma_wait3A_99] : memref<126x80xi32, #tpu.memory_space<vmem>> -> memref<1x80xi32, #tpu.memory_space<vmem>>
    %dma_wait3A_101 = tpu.memref_squeeze %dma_wait3A_100 : memref<1x80xi32, #tpu.memory_space<vmem>> -> memref<80xi32, #tpu.memory_space<vmem>>
    %dma_wait3A_102 = arith.constant 0 : i32
    %dma_wait3A_103 = arith.constant 0 : i32
    %dma_wait3A_104 = tpu.memref_slice %arg2[%dma_wait3A_102, %dma_wait3A_103] : memref<10000x128xf32, #tpu.memory_space<hbm>> -> memref<10000x128xf32, #tpu.memory_space<hbm>>
    tpu.wait_indirect_dma semaphore(%arg14 : memref<!tpu.dma_semaphore, #tpu.memory_space<semaphore_mem>>) src(%dma_wait3A_104 : memref<10000x128xf32, #tpu.memory_space<hbm>>) dst(%arg10 : memref<80x128xf32, #tpu.memory_space<vmem>>)
    %run_scoped3A_105 = arith.constant 1 : i32
    "tpu.region"() ({
      %run_scoped3A_132 = tpu.sem_alloc : memref<!tpu.dma_semaphore, #tpu.memory_space<semaphore_mem>>
      %dma_start3A_133 = arith.constant 0 : i32
      %dma_start3A_134 = tpu.memref_slice %arg8[%run_scoped3A_105, %dma_start3A_133] : memref<3x80xi32, #tpu.memory_space<vmem>> -> memref<1x80xi32, #tpu.memory_space<vmem>>
      %dma_start3A_135 = tpu.memref_squeeze %dma_start3A_134 : memref<1x80xi32, #tpu.memory_space<vmem>> -> memref<80xi32, #tpu.memory_space<vmem>>
      %dma_start3A_136 = arith.constant 0 : i32
      %dma_start3A_137 = arith.constant 0 : i32
      %dma_start3A_138 = tpu.memref_slice %arg12[%dma_start3A_136, %dma_start3A_137] : memref<10240x128xf32, #tpu.memory_space<vmem_shared>> -> memref<10240x128xf32, #tpu.memory_space<vmem_shared>>
      tpu.enqueue_indirect_dma source(%arg10 : memref<80x128xf32, #tpu.memory_space<vmem>>) target(%dma_start3A_138 : memref<10240x128xf32, #tpu.memory_space<vmem_shared>>) offsets(%dma_start3A_135 : memref<80xi32, #tpu.memory_space<vmem>>) semaphore(%run_scoped3A_132 : memref<!tpu.dma_semaphore, #tpu.memory_space<semaphore_mem>>) {add = true}
      %dma_wait3A_139 = arith.constant 0 : i32
      %dma_wait3A_140 = tpu.memref_slice %arg8[%run_scoped3A_105, %dma_wait3A_139] : memref<3x80xi32, #tpu.memory_space<vmem>> -> memref<1x80xi32, #tpu.memory_space<vmem>>
      %dma_wait3A_141 = tpu.memref_squeeze %dma_wait3A_140 : memref<1x80xi32, #tpu.memory_space<vmem>> -> memref<80xi32, #tpu.memory_space<vmem>>
      %dma_wait3A_142 = arith.constant 0 : i32
      %dma_wait3A_143 = arith.constant 0 : i32
      %dma_wait3A_144 = tpu.memref_slice %arg12[%dma_wait3A_142, %dma_wait3A_143] : memref<10240x128xf32, #tpu.memory_space<vmem_shared>> -> memref<10240x128xf32, #tpu.memory_space<vmem_shared>>
      tpu.wait_indirect_dma semaphore(%run_scoped3A_132 : memref<!tpu.dma_semaphore, #tpu.memory_space<semaphore_mem>>) src(%arg10 : memref<80x128xf32, #tpu.memory_space<vmem>>) dst(%dma_wait3A_144 : memref<10240x128xf32, #tpu.memory_space<vmem_shared>>)
      tpu.yield
    }) : () -> ()
    %mul3A_106 = arith.constant 10080 : i32
    %mul3A_107 = arith.muli %add3A, %mul3A_106 : i32
    %add3A_108 = arith.constant 10000 : i32
    %add3A_109 = arith.addi %mul3A_107, %add3A_108 : i32
    %dma_wait3A_110 = arith.constant 2 : i32
    %dma_wait3A_111 = arith.constant 0 : i32
    %dma_wait3A_112 = tpu.memref_slice %arg8[%dma_wait3A_110, %dma_wait3A_111] : memref<3x80xi32, #tpu.memory_space<vmem>> -> memref<1x80xi32, #tpu.memory_space<vmem>>
    %dma_wait3A_113 = tpu.memref_squeeze %dma_wait3A_112 : memref<1x80xi32, #tpu.memory_space<vmem>> -> memref<80xi32, #tpu.memory_space<vmem>>
    %dma_wait3A_114 = tpu.memref_slice %arg4[%add3A_109] : memref<322560xi32, #tpu.memory_space<hbm>> -> memref<80xi32, #tpu.memory_space<hbm>>
    %dma_wait3A_115 = arith.constant 0 : i32
    %dma_wait3A_116 = tpu.memref_slice %arg8[%dma_wait3A_110, %dma_wait3A_115] : memref<3x80xi32, #tpu.memory_space<vmem>> -> memref<1x80xi32, #tpu.memory_space<vmem>>
    %dma_wait3A_117 = tpu.memref_squeeze %dma_wait3A_116 : memref<1x80xi32, #tpu.memory_space<vmem>> -> memref<80xi32, #tpu.memory_space<vmem>>
    %dma_wait3A_118 = tpu.memref_slice %arg4[%add3A_109] : memref<322560xi32, #tpu.memory_space<hbm>> -> memref<80xi32, #tpu.memory_space<hbm>>
    tpu.wait_dma2 semaphore(%arg15 : memref<!tpu.dma_semaphore, #tpu.memory_space<semaphore_mem>>) src(%dma_wait3A_118 : memref<80xi32, #tpu.memory_space<hbm>>) dst(%dma_wait3A_117 : memref<80xi32, #tpu.memory_space<vmem>>)
    %dma_wait3A_119 = arith.constant 125 : i32
    %dma_wait3A_120 = arith.constant 0 : i32
    %dma_wait3A_121 = tpu.memref_slice %arg7[%dma_wait3A_119, %dma_wait3A_120] : memref<126x80xi32, #tpu.memory_space<vmem>> -> memref<1x80xi32, #tpu.memory_space<vmem>>
    %dma_wait3A_122 = tpu.memref_squeeze %dma_wait3A_121 : memref<1x80xi32, #tpu.memory_space<vmem>> -> memref<80xi32, #tpu.memory_space<vmem>>
    %dma_wait3A_123 = arith.constant 0 : i32
    %dma_wait3A_124 = arith.constant 0 : i32
    %dma_wait3A_125 = tpu.memref_slice %arg2[%dma_wait3A_123, %dma_wait3A_124] : memref<10000x128xf32, #tpu.memory_space<hbm>> -> memref<10000x128xf32, #tpu.memory_space<hbm>>
    tpu.wait_indirect_dma semaphore(%arg15 : memref<!tpu.dma_semaphore, #tpu.memory_space<semaphore_mem>>) src(%dma_wait3A_125 : memref<10000x128xf32, #tpu.memory_space<hbm>>) dst(%arg11 : memref<80x128xf32, #tpu.memory_space<vmem>>)
    %run_scoped3A_126 = arith.constant 2 : i32
    "tpu.region"() ({
      %run_scoped3A_132 = tpu.sem_alloc : memref<!tpu.dma_semaphore, #tpu.memory_space<semaphore_mem>>
      %dma_start3A_133 = arith.constant 0 : i32
      %dma_start3A_134 = tpu.memref_slice %arg8[%run_scoped3A_126, %dma_start3A_133] : memref<3x80xi32, #tpu.memory_space<vmem>> -> memref<1x80xi32, #tpu.memory_space<vmem>>
      %dma_start3A_135 = tpu.memref_squeeze %dma_start3A_134 : memref<1x80xi32, #tpu.memory_space<vmem>> -> memref<80xi32, #tpu.memory_space<vmem>>
      %dma_start3A_136 = arith.constant 0 : i32
      %dma_start3A_137 = arith.constant 0 : i32
      %dma_start3A_138 = tpu.memref_slice %arg12[%dma_start3A_136, %dma_start3A_137] : memref<10240x128xf32, #tpu.memory_space<vmem_shared>> -> memref<10240x128xf32, #tpu.memory_space<vmem_shared>>
      tpu.enqueue_indirect_dma source(%arg11 : memref<80x128xf32, #tpu.memory_space<vmem>>) target(%dma_start3A_138 : memref<10240x128xf32, #tpu.memory_space<vmem_shared>>) offsets(%dma_start3A_135 : memref<80xi32, #tpu.memory_space<vmem>>) semaphore(%run_scoped3A_132 : memref<!tpu.dma_semaphore, #tpu.memory_space<semaphore_mem>>) {add = true}
      %dma_wait3A_139 = arith.constant 0 : i32
      %dma_wait3A_140 = tpu.memref_slice %arg8[%run_scoped3A_126, %dma_wait3A_139] : memref<3x80xi32, #tpu.memory_space<vmem>> -> memref<1x80xi32, #tpu.memory_space<vmem>>
      %dma_wait3A_141 = tpu.memref_squeeze %dma_wait3A_140 : memref<1x80xi32, #tpu.memory_space<vmem>> -> memref<80xi32, #tpu.memory_space<vmem>>
      %dma_wait3A_142 = arith.constant 0 : i32
      %dma_wait3A_143 = arith.constant 0 : i32
      %dma_wait3A_144 = tpu.memref_slice %arg12[%dma_wait3A_142, %dma_wait3A_143] : memref<10240x128xf32, #tpu.memory_space<vmem_shared>> -> memref<10240x128xf32, #tpu.memory_space<vmem_shared>>
      tpu.wait_indirect_dma semaphore(%run_scoped3A_132 : memref<!tpu.dma_semaphore, #tpu.memory_space<semaphore_mem>>) src(%arg11 : memref<80x128xf32, #tpu.memory_space<vmem>>) dst(%dma_wait3A_144 : memref<10240x128xf32, #tpu.memory_space<vmem_shared>>)
      tpu.yield
    }) : () -> ()
    %barrier3A_127 = arith.constant 0 : index
    tpu.barrier barrier_id(%barrier3A_127)
    %mul3A_128 = arith.constant 640 : i32
    %mul3A_129 = arith.muli %arg1, %mul3A_128 : i32
    %mul3A_130 = arith.constant 640 : i32
    %mul3A_131 = arith.muli %arg1, %mul3A_130 : i32
    "tpu.region"() ({
      %run_scoped3A_132 = tpu.sem_alloc : memref<!tpu.dma_semaphore, #tpu.memory_space<semaphore_mem>>
      %dma_start3A_133 = arith.constant 0 : i32
      %dma_start3A_134 = tpu.memref_slice %arg6[%arg0, %mul3A_131, %dma_start3A_133] : memref<2x10240x128xf32, #tpu.memory_space<hbm>> -> memref<1x640x128xf32, #tpu.memory_space<hbm>>
      %dma_start3A_135 = tpu.memref_squeeze %dma_start3A_134 : memref<1x640x128xf32, #tpu.memory_space<hbm>> -> memref<640x128xf32, #tpu.memory_space<hbm>>
      %dma_start3A_136 = arith.constant 0 : i32
      %dma_start3A_137 = tpu.memref_slice %arg12[%mul3A_129, %dma_start3A_136] : memref<10240x128xf32, #tpu.memory_space<vmem_shared>> -> memref<640x128xf32, #tpu.memory_space<vmem_shared>>
      tpu.enqueue_dma source(%dma_start3A_137 : memref<640x128xf32, #tpu.memory_space<vmem_shared>>) target(%dma_start3A_135 : memref<640x128xf32, #tpu.memory_space<hbm>>) target_semaphore(%run_scoped3A_132 : memref<!tpu.dma_semaphore, #tpu.memory_space<semaphore_mem>>)
      %dma_wait3A_138 = arith.constant 0 : i32
      %dma_wait3A_139 = tpu.memref_slice %arg6[%arg0, %mul3A_131, %dma_wait3A_138] : memref<2x10240x128xf32, #tpu.memory_space<hbm>> -> memref<1x640x128xf32, #tpu.memory_space<hbm>>
      %dma_wait3A_140 = tpu.memref_squeeze %dma_wait3A_139 : memref<1x640x128xf32, #tpu.memory_space<hbm>> -> memref<640x128xf32, #tpu.memory_space<hbm>>
      %dma_wait3A_141 = arith.constant 0 : i32
      %dma_wait3A_142 = tpu.memref_slice %arg12[%mul3A_129, %dma_wait3A_141] : memref<10240x128xf32, #tpu.memory_space<vmem_shared>> -> memref<640x128xf32, #tpu.memory_space<vmem_shared>>
      tpu.wait_dma2 semaphore(%run_scoped3A_132 : memref<!tpu.dma_semaphore, #tpu.memory_space<semaphore_mem>>) src(%dma_wait3A_142 : memref<640x128xf32, #tpu.memory_space<vmem_shared>>) dst(%dma_wait3A_140 : memref<640x128xf32, #tpu.memory_space<hbm>>)
      tpu.yield
    }) : () -> ()
    return
  }
}

#map = affine_map<(d0, d1) -> (0, 0)>
#map1 = affine_map<(d0, d1) -> (0, 0, 0)>
#map2 = affine_map<(d0, d1) -> (0)>
module attributes {stable_mosaic.version = 14 : i64} {
  func.func @_sc_agg_body(%arg0: i32, %arg1: i32, %arg2: memref<10000x128xf32, #tpu.memory_space<hbm>>, %arg3: memref<32x126x80xi32, #tpu.memory_space<hbm>>, %arg4: memref<322560xi32, #tpu.memory_space<hbm>>, %arg5: memref<640x128xf32, #tpu.memory_space<hbm>>, %arg6: memref<2x10240x128xf32, #tpu.memory_space<hbm>>, %arg7: memref<126x80xi32, #tpu.memory_space<vmem>>, %arg8: memref<3x80xi32, #tpu.memory_space<vmem>>, %arg9: memref<80x128xf32, #tpu.memory_space<vmem>>, %arg10: memref<80x128xf32, #tpu.memory_space<vmem>>, %arg11: memref<80x128xf32, #tpu.memory_space<vmem>>, %arg12: memref<10240x128xf32, #tpu.memory_space<vmem_shared>>, %arg13: memref<!tpu.dma_semaphore, #tpu.memory_space<semaphore_mem>>, %arg14: memref<!tpu.dma_semaphore, #tpu.memory_space<semaphore_mem>>, %arg15: memref<!tpu.dma_semaphore, #tpu.memory_space<semaphore_mem>>) attributes {dimension_semantics = [#tpu.dimension_semantics<core_parallel>, #tpu.dimension_semantics<subcore_parallel>], iteration_bounds = array<i64: 2, 16>, scalar_prefetch = 0 : i64, scratch_operands = 9 : i64, tpu.core_type = #tpu.core_type<sc_vector_subcore>, window_params = [{transform_indices = #map}, {transform_indices = #map1}, {transform_indices = #map2}, {transform_indices = #map}, {transform_indices = #map1}]} {
    %mul3A = arith.constant 2 : i32
    %mul3A_0 = arith.muli %arg1, %mul3A : i32
    %add3A = arith.addi %mul3A_0, %arg0 : i32
    "tpu.region"() ({
      %run_scoped3A_132 = tpu.sem_alloc : memref<!tpu.dma_semaphore, #tpu.memory_space<semaphore_mem>>
      %dma_start3A_133 = arith.constant 0 : i32
      %dma_start3A_134 = arith.constant 0 : i32
      %dma_start3A_135 = tpu.memref_slice %arg3[%add3A, %dma_start3A_133, %dma_start3A_134] : memref<32x126x80xi32, #tpu.memory_space<hbm>> -> memref<1x126x80xi32, #tpu.memory_space<hbm>>
      %dma_start3A_136 = tpu.memref_squeeze %dma_start3A_135 : memref<1x126x80xi32, #tpu.memory_space<hbm>> -> memref<126x80xi32, #tpu.memory_space<hbm>>
      %dma_start3A_137 = arith.constant 0 : i32
      %dma_start3A_138 = arith.constant 0 : i32
      %dma_start3A_139 = tpu.memref_slice %arg3[%add3A, %dma_start3A_137, %dma_start3A_138] : memref<32x126x80xi32, #tpu.memory_space<hbm>> -> memref<1x126x80xi32, #tpu.memory_space<hbm>>
      %dma_start3A_140 = tpu.memref_squeeze %dma_start3A_139 : memref<1x126x80xi32, #tpu.memory_space<hbm>> -> memref<126x80xi32, #tpu.memory_space<hbm>>
      tpu.enqueue_dma source(%dma_start3A_140 : memref<126x80xi32, #tpu.memory_space<hbm>>) target(%arg7 : memref<126x80xi32, #tpu.memory_space<vmem>>) target_semaphore(%run_scoped3A_132 : memref<!tpu.dma_semaphore, #tpu.memory_space<semaphore_mem>>)
      %dma_wait3A_141 = arith.constant 0 : i32
      %dma_wait3A_142 = arith.constant 0 : i32
      %dma_wait3A_143 = tpu.memref_slice %arg3[%add3A, %dma_wait3A_141, %dma_wait3A_142] : memref<32x126x80xi32, #tpu.memory_space<hbm>> -> memref<1x126x80xi32, #tpu.memory_space<hbm>>
      %dma_wait3A_144 = tpu.memref_squeeze %dma_wait3A_143 : memref<1x126x80xi32, #tpu.memory_space<hbm>> -> memref<126x80xi32, #tpu.memory_space<hbm>>
      %dma_wait3A_145 = arith.constant 0 : i32
      %dma_wait3A_146 = arith.constant 0 : i32
      %dma_wait3A_147 = tpu.memref_slice %arg3[%add3A, %dma_wait3A_145, %dma_wait3A_146] : memref<32x126x80xi32, #tpu.memory_space<hbm>> -> memref<1x126x80xi32, #tpu.memory_space<hbm>>
      %dma_wait3A_148 = tpu.memref_squeeze %dma_wait3A_147 : memref<1x126x80xi32, #tpu.memory_space<hbm>> -> memref<126x80xi32, #tpu.memory_space<hbm>>
      tpu.wait_dma2 semaphore(%run_scoped3A_132 : memref<!tpu.dma_semaphore, #tpu.memory_space<semaphore_mem>>) src(%dma_wait3A_148 : memref<126x80xi32, #tpu.memory_space<hbm>>) dst(%arg7 : memref<126x80xi32, #tpu.memory_space<vmem>>)
      tpu.yield
    }) : () -> ()
    %mul3A_1 = arith.constant 640 : i32
    %mul3A_2 = arith.muli %arg1, %mul3A_1 : i32
    "tpu.region"() ({
      %run_scoped3A_132 = tpu.sem_alloc : memref<!tpu.dma_semaphore, #tpu.memory_space<semaphore_mem>>
      %dma_start3A_133 = arith.constant 0 : i32
      %dma_start3A_134 = tpu.memref_slice %arg12[%mul3A_2, %dma_start3A_133] : memref<10240x128xf32, #tpu.memory_space<vmem_shared>> -> memref<640x128xf32, #tpu.memory_space<vmem_shared>>
      tpu.enqueue_dma source(%arg5 : memref<640x128xf32, #tpu.memory_space<hbm>>) target(%dma_start3A_134 : memref<640x128xf32, #tpu.memory_space<vmem_shared>>) target_semaphore(%run_scoped3A_132 : memref<!tpu.dma_semaphore, #tpu.memory_space<semaphore_mem>>)
      %dma_wait3A_135 = arith.constant 0 : i32
      %dma_wait3A_136 = tpu.memref_slice %arg12[%mul3A_2, %dma_wait3A_135] : memref<10240x128xf32, #tpu.memory_space<vmem_shared>> -> memref<640x128xf32, #tpu.memory_space<vmem_shared>>
      tpu.wait_dma2 semaphore(%run_scoped3A_132 : memref<!tpu.dma_semaphore, #tpu.memory_space<semaphore_mem>>) src(%arg5 : memref<640x128xf32, #tpu.memory_space<hbm>>) dst(%dma_wait3A_136 : memref<640x128xf32, #tpu.memory_space<vmem_shared>>)
      tpu.yield
    }) : () -> ()
    %barrier3A = arith.constant 0 : index
    tpu.barrier barrier_id(%barrier3A)
    %mul3A_3 = arith.constant 10080 : i32
    %mul3A_4 = arith.muli %add3A, %mul3A_3 : i32
    %add3A_5 = arith.constant 0 : i32
    %add3A_6 = arith.addi %mul3A_4, %add3A_5 : i32
    %dma_start3A = arith.constant 0 : i32
    %dma_start3A_7 = arith.constant 0 : i32
    %dma_start3A_8 = tpu.memref_slice %arg8[%dma_start3A, %dma_start3A_7] : memref<3x80xi32, #tpu.memory_space<vmem>> -> memref<1x80xi32, #tpu.memory_space<vmem>>
    %dma_start3A_9 = tpu.memref_squeeze %dma_start3A_8 : memref<1x80xi32, #tpu.memory_space<vmem>> -> memref<80xi32, #tpu.memory_space<vmem>>
    %dma_start3A_10 = tpu.memref_slice %arg4[%add3A_6] : memref<322560xi32, #tpu.memory_space<hbm>> -> memref<80xi32, #tpu.memory_space<hbm>>
    %dma_start3A_11 = arith.constant 0 : i32
    %dma_start3A_12 = tpu.memref_slice %arg8[%dma_start3A, %dma_start3A_11] : memref<3x80xi32, #tpu.memory_space<vmem>> -> memref<1x80xi32, #tpu.memory_space<vmem>>
    %dma_start3A_13 = tpu.memref_squeeze %dma_start3A_12 : memref<1x80xi32, #tpu.memory_space<vmem>> -> memref<80xi32, #tpu.memory_space<vmem>>
    %dma_start3A_14 = tpu.memref_slice %arg4[%add3A_6] : memref<322560xi32, #tpu.memory_space<hbm>> -> memref<80xi32, #tpu.memory_space<hbm>>
    tpu.enqueue_dma source(%dma_start3A_14 : memref<80xi32, #tpu.memory_space<hbm>>) target(%dma_start3A_13 : memref<80xi32, #tpu.memory_space<vmem>>) target_semaphore(%arg13 : memref<!tpu.dma_semaphore, #tpu.memory_space<semaphore_mem>>)
    %dma_start3A_15 = arith.constant 0 : i32
    %dma_start3A_16 = arith.constant 0 : i32
    %dma_start3A_17 = tpu.memref_slice %arg7[%dma_start3A_15, %dma_start3A_16] : memref<126x80xi32, #tpu.memory_space<vmem>> -> memref<1x80xi32, #tpu.memory_space<vmem>>
    %dma_start3A_18 = tpu.memref_squeeze %dma_start3A_17 : memref<1x80xi32, #tpu.memory_space<vmem>> -> memref<80xi32, #tpu.memory_space<vmem>>
    %dma_start3A_19 = arith.constant 0 : i32
    %dma_start3A_20 = arith.constant 0 : i32
    %dma_start3A_21 = tpu.memref_slice %arg2[%dma_start3A_19, %dma_start3A_20] : memref<10000x128xf32, #tpu.memory_space<hbm>> -> memref<10000x128xf32, #tpu.memory_space<hbm>>
    tpu.enqueue_indirect_dma source(%dma_start3A_21 : memref<10000x128xf32, #tpu.memory_space<hbm>>) target(%arg9 : memref<80x128xf32, #tpu.memory_space<vmem>>) offsets(%dma_start3A_18 : memref<80xi32, #tpu.memory_space<vmem>>) semaphore(%arg13 : memref<!tpu.dma_semaphore, #tpu.memory_space<semaphore_mem>>)
    %mul3A_22 = arith.constant 10080 : i32
    %mul3A_23 = arith.muli %add3A, %mul3A_22 : i32
    %add3A_24 = arith.constant 80 : i32
    %add3A_25 = arith.addi %mul3A_23, %add3A_24 : i32
    %dma_start3A_26 = arith.constant 1 : i32
    %dma_start3A_27 = arith.constant 0 : i32
    %dma_start3A_28 = tpu.memref_slice %arg8[%dma_start3A_26, %dma_start3A_27] : memref<3x80xi32, #tpu.memory_space<vmem>> -> memref<1x80xi32, #tpu.memory_space<vmem>>
    %dma_start3A_29 = tpu.memref_squeeze %dma_start3A_28 : memref<1x80xi32, #tpu.memory_space<vmem>> -> memref<80xi32, #tpu.memory_space<vmem>>
    %dma_start3A_30 = tpu.memref_slice %arg4[%add3A_25] : memref<322560xi32, #tpu.memory_space<hbm>> -> memref<80xi32, #tpu.memory_space<hbm>>
    %dma_start3A_31 = arith.constant 0 : i32
    %dma_start3A_32 = tpu.memref_slice %arg8[%dma_start3A_26, %dma_start3A_31] : memref<3x80xi32, #tpu.memory_space<vmem>> -> memref<1x80xi32, #tpu.memory_space<vmem>>
    %dma_start3A_33 = tpu.memref_squeeze %dma_start3A_32 : memref<1x80xi32, #tpu.memory_space<vmem>> -> memref<80xi32, #tpu.memory_space<vmem>>
    %dma_start3A_34 = tpu.memref_slice %arg4[%add3A_25] : memref<322560xi32, #tpu.memory_space<hbm>> -> memref<80xi32, #tpu.memory_space<hbm>>
    tpu.enqueue_dma source(%dma_start3A_34 : memref<80xi32, #tpu.memory_space<hbm>>) target(%dma_start3A_33 : memref<80xi32, #tpu.memory_space<vmem>>) target_semaphore(%arg14 : memref<!tpu.dma_semaphore, #tpu.memory_space<semaphore_mem>>)
    %dma_start3A_35 = arith.constant 1 : i32
    %dma_start3A_36 = arith.constant 0 : i32
    %dma_start3A_37 = tpu.memref_slice %arg7[%dma_start3A_35, %dma_start3A_36] : memref<126x80xi32, #tpu.memory_space<vmem>> -> memref<1x80xi32, #tpu.memory_space<vmem>>
    %dma_start3A_38 = tpu.memref_squeeze %dma_start3A_37 : memref<1x80xi32, #tpu.memory_space<vmem>> -> memref<80xi32, #tpu.memory_space<vmem>>
    %dma_start3A_39 = arith.constant 0 : i32
    %dma_start3A_40 = arith.constant 0 : i32
    %dma_start3A_41 = tpu.memref_slice %arg2[%dma_start3A_39, %dma_start3A_40] : memref<10000x128xf32, #tpu.memory_space<hbm>> -> memref<10000x128xf32, #tpu.memory_space<hbm>>
    tpu.enqueue_indirect_dma source(%dma_start3A_41 : memref<10000x128xf32, #tpu.memory_space<hbm>>) target(%arg10 : memref<80x128xf32, #tpu.memory_space<vmem>>) offsets(%dma_start3A_38 : memref<80xi32, #tpu.memory_space<vmem>>) semaphore(%arg14 : memref<!tpu.dma_semaphore, #tpu.memory_space<semaphore_mem>>)
    %mul3A_42 = arith.constant 10080 : i32
    %mul3A_43 = arith.muli %add3A, %mul3A_42 : i32
    %add3A_44 = arith.constant 160 : i32
    %add3A_45 = arith.addi %mul3A_43, %add3A_44 : i32
    %dma_start3A_46 = arith.constant 2 : i32
    %dma_start3A_47 = arith.constant 0 : i32
    %dma_start3A_48 = tpu.memref_slice %arg8[%dma_start3A_46, %dma_start3A_47] : memref<3x80xi32, #tpu.memory_space<vmem>> -> memref<1x80xi32, #tpu.memory_space<vmem>>
    %dma_start3A_49 = tpu.memref_squeeze %dma_start3A_48 : memref<1x80xi32, #tpu.memory_space<vmem>> -> memref<80xi32, #tpu.memory_space<vmem>>
    %dma_start3A_50 = tpu.memref_slice %arg4[%add3A_45] : memref<322560xi32, #tpu.memory_space<hbm>> -> memref<80xi32, #tpu.memory_space<hbm>>
    %dma_start3A_51 = arith.constant 0 : i32
    %dma_start3A_52 = tpu.memref_slice %arg8[%dma_start3A_46, %dma_start3A_51] : memref<3x80xi32, #tpu.memory_space<vmem>> -> memref<1x80xi32, #tpu.memory_space<vmem>>
    %dma_start3A_53 = tpu.memref_squeeze %dma_start3A_52 : memref<1x80xi32, #tpu.memory_space<vmem>> -> memref<80xi32, #tpu.memory_space<vmem>>
    %dma_start3A_54 = tpu.memref_slice %arg4[%add3A_45] : memref<322560xi32, #tpu.memory_space<hbm>> -> memref<80xi32, #tpu.memory_space<hbm>>
    tpu.enqueue_dma source(%dma_start3A_54 : memref<80xi32, #tpu.memory_space<hbm>>) target(%dma_start3A_53 : memref<80xi32, #tpu.memory_space<vmem>>) target_semaphore(%arg15 : memref<!tpu.dma_semaphore, #tpu.memory_space<semaphore_mem>>)
    %dma_start3A_55 = arith.constant 2 : i32
    %dma_start3A_56 = arith.constant 0 : i32
    %dma_start3A_57 = tpu.memref_slice %arg7[%dma_start3A_55, %dma_start3A_56] : memref<126x80xi32, #tpu.memory_space<vmem>> -> memref<1x80xi32, #tpu.memory_space<vmem>>
    %dma_start3A_58 = tpu.memref_squeeze %dma_start3A_57 : memref<1x80xi32, #tpu.memory_space<vmem>> -> memref<80xi32, #tpu.memory_space<vmem>>
    %dma_start3A_59 = arith.constant 0 : i32
    %dma_start3A_60 = arith.constant 0 : i32
    %dma_start3A_61 = tpu.memref_slice %arg2[%dma_start3A_59, %dma_start3A_60] : memref<10000x128xf32, #tpu.memory_space<hbm>> -> memref<10000x128xf32, #tpu.memory_space<hbm>>
    tpu.enqueue_indirect_dma source(%dma_start3A_61 : memref<10000x128xf32, #tpu.memory_space<hbm>>) target(%arg11 : memref<80x128xf32, #tpu.memory_space<vmem>>) offsets(%dma_start3A_58 : memref<80xi32, #tpu.memory_space<vmem>>) semaphore(%arg15 : memref<!tpu.dma_semaphore, #tpu.memory_space<semaphore_mem>>)
    %scan3A = arith.constant 0 : i32
    %scan3A_62 = arith.constant 41 : i32
    %scan3A_63 = arith.addi %scan3A, %scan3A_62 : i32
    %scan3A_64 = arith.constant 1 : i32
    scf.for %scan3A_132 = %scan3A to %scan3A_63 step %scan3A_64  : i32 {
      %mul3A_133 = arith.constant 3 : i32
      %mul3A_134 = arith.muli %scan3A_132, %mul3A_133 : i32
      %add3A_135 = arith.constant 0 : i32
      %add3A_136 = arith.addi %add3A_135, %mul3A_134 : i32
      %add3A_137 = arith.constant 0 : i32
      %add3A_138 = arith.addi %add3A_136, %add3A_137 : i32
      %mul3A_139 = arith.constant 10080 : i32
      %mul3A_140 = arith.muli %add3A, %mul3A_139 : i32
      %mul3A_141 = arith.constant 80 : i32
      %mul3A_142 = arith.muli %add3A_138, %mul3A_141 : i32
      %add3A_143 = arith.addi %mul3A_140, %mul3A_142 : i32
      %dma_wait3A_144 = arith.constant 0 : i32
      %dma_wait3A_145 = arith.constant 0 : i32
      %dma_wait3A_146 = tpu.memref_slice %arg8[%dma_wait3A_144, %dma_wait3A_145] : memref<3x80xi32, #tpu.memory_space<vmem>> -> memref<1x80xi32, #tpu.memory_space<vmem>>
      %dma_wait3A_147 = tpu.memref_squeeze %dma_wait3A_146 : memref<1x80xi32, #tpu.memory_space<vmem>> -> memref<80xi32, #tpu.memory_space<vmem>>
      %dma_wait3A_148 = tpu.memref_slice %arg4[%add3A_143] : memref<322560xi32, #tpu.memory_space<hbm>> -> memref<80xi32, #tpu.memory_space<hbm>>
      %dma_wait3A_149 = arith.constant 0 : i32
      %dma_wait3A_150 = tpu.memref_slice %arg8[%dma_wait3A_144, %dma_wait3A_149] : memref<3x80xi32, #tpu.memory_space<vmem>> -> memref<1x80xi32, #tpu.memory_space<vmem>>
      %dma_wait3A_151 = tpu.memref_squeeze %dma_wait3A_150 : memref<1x80xi32, #tpu.memory_space<vmem>> -> memref<80xi32, #tpu.memory_space<vmem>>
      %dma_wait3A_152 = tpu.memref_slice %arg4[%add3A_143] : memref<322560xi32, #tpu.memory_space<hbm>> -> memref<80xi32, #tpu.memory_space<hbm>>
      tpu.wait_dma2 semaphore(%arg13 : memref<!tpu.dma_semaphore, #tpu.memory_space<semaphore_mem>>) src(%dma_wait3A_152 : memref<80xi32, #tpu.memory_space<hbm>>) dst(%dma_wait3A_151 : memref<80xi32, #tpu.memory_space<vmem>>)
      %dma_wait3A_153 = arith.constant 0 : i32
      %dma_wait3A_154 = tpu.memref_slice %arg7[%add3A_138, %dma_wait3A_153] : memref<126x80xi32, #tpu.memory_space<vmem>> -> memref<1x80xi32, #tpu.memory_space<vmem>>
      %dma_wait3A_155 = tpu.memref_squeeze %dma_wait3A_154 : memref<1x80xi32, #tpu.memory_space<vmem>> -> memref<80xi32, #tpu.memory_space<vmem>>
      %dma_wait3A_156 = arith.constant 0 : i32
      %dma_wait3A_157 = arith.constant 0 : i32
      %dma_wait3A_158 = tpu.memref_slice %arg2[%dma_wait3A_156, %dma_wait3A_157] : memref<10000x128xf32, #tpu.memory_space<hbm>> -> memref<10000x128xf32, #tpu.memory_space<hbm>>
      tpu.wait_indirect_dma semaphore(%arg13 : memref<!tpu.dma_semaphore, #tpu.memory_space<semaphore_mem>>) src(%dma_wait3A_158 : memref<10000x128xf32, #tpu.memory_space<hbm>>) dst(%arg9 : memref<80x128xf32, #tpu.memory_space<vmem>>)
      %run_scoped3A_159 = arith.constant 0 : i32
      "tpu.region"() ({
        %run_scoped3A_278 = tpu.sem_alloc : memref<!tpu.dma_semaphore, #tpu.memory_space<semaphore_mem>>
        %dma_start3A_279 = arith.constant 0 : i32
        %dma_start3A_280 = tpu.memref_slice %arg8[%run_scoped3A_159, %dma_start3A_279] : memref<3x80xi32, #tpu.memory_space<vmem>> -> memref<1x80xi32, #tpu.memory_space<vmem>>
        %dma_start3A_281 = tpu.memref_squeeze %dma_start3A_280 : memref<1x80xi32, #tpu.memory_space<vmem>> -> memref<80xi32, #tpu.memory_space<vmem>>
        %dma_start3A_282 = arith.constant 0 : i32
        %dma_start3A_283 = arith.constant 0 : i32
        %dma_start3A_284 = tpu.memref_slice %arg12[%dma_start3A_282, %dma_start3A_283] : memref<10240x128xf32, #tpu.memory_space<vmem_shared>> -> memref<10240x128xf32, #tpu.memory_space<vmem_shared>>
        tpu.enqueue_indirect_dma source(%arg9 : memref<80x128xf32, #tpu.memory_space<vmem>>) target(%dma_start3A_284 : memref<10240x128xf32, #tpu.memory_space<vmem_shared>>) offsets(%dma_start3A_281 : memref<80xi32, #tpu.memory_space<vmem>>) semaphore(%run_scoped3A_278 : memref<!tpu.dma_semaphore, #tpu.memory_space<semaphore_mem>>) {add = true}
        %dma_wait3A_285 = arith.constant 0 : i32
        %dma_wait3A_286 = tpu.memref_slice %arg8[%run_scoped3A_159, %dma_wait3A_285] : memref<3x80xi32, #tpu.memory_space<vmem>> -> memref<1x80xi32, #tpu.memory_space<vmem>>
        %dma_wait3A_287 = tpu.memref_squeeze %dma_wait3A_286 : memref<1x80xi32, #tpu.memory_space<vmem>> -> memref<80xi32, #tpu.memory_space<vmem>>
        %dma_wait3A_288 = arith.constant 0 : i32
        %dma_wait3A_289 = arith.constant 0 : i32
        %dma_wait3A_290 = tpu.memref_slice %arg12[%dma_wait3A_288, %dma_wait3A_289] : memref<10240x128xf32, #tpu.memory_space<vmem_shared>> -> memref<10240x128xf32, #tpu.memory_space<vmem_shared>>
        tpu.wait_indirect_dma semaphore(%run_scoped3A_278 : memref<!tpu.dma_semaphore, #tpu.memory_space<semaphore_mem>>) src(%arg9 : memref<80x128xf32, #tpu.memory_space<vmem>>) dst(%dma_wait3A_290 : memref<10240x128xf32, #tpu.memory_space<vmem_shared>>)
        tpu.yield
      }) : () -> ()
      %add3A_160 = arith.constant 0 : i32
      %add3A_161 = arith.addi %add3A_136, %add3A_160 : i32
      %add3A_162 = arith.constant 3 : i32
      %add3A_163 = arith.addi %add3A_161, %add3A_162 : i32
      %mul3A_164 = arith.constant 10080 : i32
      %mul3A_165 = arith.muli %add3A, %mul3A_164 : i32
      %mul3A_166 = arith.constant 80 : i32
      %mul3A_167 = arith.muli %add3A_163, %mul3A_166 : i32
      %add3A_168 = arith.addi %mul3A_165, %mul3A_167 : i32
      %dma_start3A_169 = arith.constant 0 : i32
      %dma_start3A_170 = arith.constant 0 : i32
      %dma_start3A_171 = tpu.memref_slice %arg8[%dma_start3A_169, %dma_start3A_170] : memref<3x80xi32, #tpu.memory_space<vmem>> -> memref<1x80xi32, #tpu.memory_space<vmem>>
      %dma_start3A_172 = tpu.memref_squeeze %dma_start3A_171 : memref<1x80xi32, #tpu.memory_space<vmem>> -> memref<80xi32, #tpu.memory_space<vmem>>
      %dma_start3A_173 = tpu.memref_slice %arg4[%add3A_168] : memref<322560xi32, #tpu.memory_space<hbm>> -> memref<80xi32, #tpu.memory_space<hbm>>
      %dma_start3A_174 = arith.constant 0 : i32
      %dma_start3A_175 = tpu.memref_slice %arg8[%dma_start3A_169, %dma_start3A_174] : memref<3x80xi32, #tpu.memory_space<vmem>> -> memref<1x80xi32, #tpu.memory_space<vmem>>
      %dma_start3A_176 = tpu.memref_squeeze %dma_start3A_175 : memref<1x80xi32, #tpu.memory_space<vmem>> -> memref<80xi32, #tpu.memory_space<vmem>>
      %dma_start3A_177 = tpu.memref_slice %arg4[%add3A_168] : memref<322560xi32, #tpu.memory_space<hbm>> -> memref<80xi32, #tpu.memory_space<hbm>>
      tpu.enqueue_dma source(%dma_start3A_177 : memref<80xi32, #tpu.memory_space<hbm>>) target(%dma_start3A_176 : memref<80xi32, #tpu.memory_space<vmem>>) target_semaphore(%arg13 : memref<!tpu.dma_semaphore, #tpu.memory_space<semaphore_mem>>)
      %dma_start3A_178 = arith.constant 0 : i32
      %dma_start3A_179 = tpu.memref_slice %arg7[%add3A_163, %dma_start3A_178] : memref<126x80xi32, #tpu.memory_space<vmem>> -> memref<1x80xi32, #tpu.memory_space<vmem>>
      %dma_start3A_180 = tpu.memref_squeeze %dma_start3A_179 : memref<1x80xi32, #tpu.memory_space<vmem>> -> memref<80xi32, #tpu.memory_space<vmem>>
      %dma_start3A_181 = arith.constant 0 : i32
      %dma_start3A_182 = arith.constant 0 : i32
      %dma_start3A_183 = tpu.memref_slice %arg2[%dma_start3A_181, %dma_start3A_182] : memref<10000x128xf32, #tpu.memory_space<hbm>> -> memref<10000x128xf32, #tpu.memory_space<hbm>>
      tpu.enqueue_indirect_dma source(%dma_start3A_183 : memref<10000x128xf32, #tpu.memory_space<hbm>>) target(%arg9 : memref<80x128xf32, #tpu.memory_space<vmem>>) offsets(%dma_start3A_180 : memref<80xi32, #tpu.memory_space<vmem>>) semaphore(%arg13 : memref<!tpu.dma_semaphore, #tpu.memory_space<semaphore_mem>>)
      %add3A_184 = arith.constant 1 : i32
      %add3A_185 = arith.addi %add3A_136, %add3A_184 : i32
      %mul3A_186 = arith.constant 10080 : i32
      %mul3A_187 = arith.muli %add3A, %mul3A_186 : i32
      %mul3A_188 = arith.constant 80 : i32
      %mul3A_189 = arith.muli %add3A_185, %mul3A_188 : i32
      %add3A_190 = arith.addi %mul3A_187, %mul3A_189 : i32
      %dma_wait3A_191 = arith.constant 1 : i32
      %dma_wait3A_192 = arith.constant 0 : i32
      %dma_wait3A_193 = tpu.memref_slice %arg8[%dma_wait3A_191, %dma_wait3A_192] : memref<3x80xi32, #tpu.memory_space<vmem>> -> memref<1x80xi32, #tpu.memory_space<vmem>>
      %dma_wait3A_194 = tpu.memref_squeeze %dma_wait3A_193 : memref<1x80xi32, #tpu.memory_space<vmem>> -> memref<80xi32, #tpu.memory_space<vmem>>
      %dma_wait3A_195 = tpu.memref_slice %arg4[%add3A_190] : memref<322560xi32, #tpu.memory_space<hbm>> -> memref<80xi32, #tpu.memory_space<hbm>>
      %dma_wait3A_196 = arith.constant 0 : i32
      %dma_wait3A_197 = tpu.memref_slice %arg8[%dma_wait3A_191, %dma_wait3A_196] : memref<3x80xi32, #tpu.memory_space<vmem>> -> memref<1x80xi32, #tpu.memory_space<vmem>>
      %dma_wait3A_198 = tpu.memref_squeeze %dma_wait3A_197 : memref<1x80xi32, #tpu.memory_space<vmem>> -> memref<80xi32, #tpu.memory_space<vmem>>
      %dma_wait3A_199 = tpu.memref_slice %arg4[%add3A_190] : memref<322560xi32, #tpu.memory_space<hbm>> -> memref<80xi32, #tpu.memory_space<hbm>>
      tpu.wait_dma2 semaphore(%arg14 : memref<!tpu.dma_semaphore, #tpu.memory_space<semaphore_mem>>) src(%dma_wait3A_199 : memref<80xi32, #tpu.memory_space<hbm>>) dst(%dma_wait3A_198 : memref<80xi32, #tpu.memory_space<vmem>>)
      %dma_wait3A_200 = arith.constant 0 : i32
      %dma_wait3A_201 = tpu.memref_slice %arg7[%add3A_185, %dma_wait3A_200] : memref<126x80xi32, #tpu.memory_space<vmem>> -> memref<1x80xi32, #tpu.memory_space<vmem>>
      %dma_wait3A_202 = tpu.memref_squeeze %dma_wait3A_201 : memref<1x80xi32, #tpu.memory_space<vmem>> -> memref<80xi32, #tpu.memory_space<vmem>>
      %dma_wait3A_203 = arith.constant 0 : i32
      %dma_wait3A_204 = arith.constant 0 : i32
      %dma_wait3A_205 = tpu.memref_slice %arg2[%dma_wait3A_203, %dma_wait3A_204] : memref<10000x128xf32, #tpu.memory_space<hbm>> -> memref<10000x128xf32, #tpu.memory_space<hbm>>
      tpu.wait_indirect_dma semaphore(%arg14 : memref<!tpu.dma_semaphore, #tpu.memory_space<semaphore_mem>>) src(%dma_wait3A_205 : memref<10000x128xf32, #tpu.memory_space<hbm>>) dst(%arg10 : memref<80x128xf32, #tpu.memory_space<vmem>>)
      %run_scoped3A_206 = arith.constant 1 : i32
      "tpu.region"() ({
        %run_scoped3A_278 = tpu.sem_alloc : memref<!tpu.dma_semaphore, #tpu.memory_space<semaphore_mem>>
        %dma_start3A_279 = arith.constant 0 : i32
        %dma_start3A_280 = tpu.memref_slice %arg8[%run_scoped3A_206, %dma_start3A_279] : memref<3x80xi32, #tpu.memory_space<vmem>> -> memref<1x80xi32, #tpu.memory_space<vmem>>
        %dma_start3A_281 = tpu.memref_squeeze %dma_start3A_280 : memref<1x80xi32, #tpu.memory_space<vmem>> -> memref<80xi32, #tpu.memory_space<vmem>>
        %dma_start3A_282 = arith.constant 0 : i32
        %dma_start3A_283 = arith.constant 0 : i32
        %dma_start3A_284 = tpu.memref_slice %arg12[%dma_start3A_282, %dma_start3A_283] : memref<10240x128xf32, #tpu.memory_space<vmem_shared>> -> memref<10240x128xf32, #tpu.memory_space<vmem_shared>>
        tpu.enqueue_indirect_dma source(%arg10 : memref<80x128xf32, #tpu.memory_space<vmem>>) target(%dma_start3A_284 : memref<10240x128xf32, #tpu.memory_space<vmem_shared>>) offsets(%dma_start3A_281 : memref<80xi32, #tpu.memory_space<vmem>>) semaphore(%run_scoped3A_278 : memref<!tpu.dma_semaphore, #tpu.memory_space<semaphore_mem>>) {add = true}
        %dma_wait3A_285 = arith.constant 0 : i32
        %dma_wait3A_286 = tpu.memref_slice %arg8[%run_scoped3A_206, %dma_wait3A_285] : memref<3x80xi32, #tpu.memory_space<vmem>> -> memref<1x80xi32, #tpu.memory_space<vmem>>
        %dma_wait3A_287 = tpu.memref_squeeze %dma_wait3A_286 : memref<1x80xi32, #tpu.memory_space<vmem>> -> memref<80xi32, #tpu.memory_space<vmem>>
        %dma_wait3A_288 = arith.constant 0 : i32
        %dma_wait3A_289 = arith.constant 0 : i32
        %dma_wait3A_290 = tpu.memref_slice %arg12[%dma_wait3A_288, %dma_wait3A_289] : memref<10240x128xf32, #tpu.memory_space<vmem_shared>> -> memref<10240x128xf32, #tpu.memory_space<vmem_shared>>
        tpu.wait_indirect_dma semaphore(%run_scoped3A_278 : memref<!tpu.dma_semaphore, #tpu.memory_space<semaphore_mem>>) src(%arg10 : memref<80x128xf32, #tpu.memory_space<vmem>>) dst(%dma_wait3A_290 : memref<10240x128xf32, #tpu.memory_space<vmem_shared>>)
        tpu.yield
      }) : () -> ()
      %add3A_207 = arith.constant 1 : i32
      %add3A_208 = arith.addi %add3A_136, %add3A_207 : i32
      %add3A_209 = arith.constant 3 : i32
      %add3A_210 = arith.addi %add3A_208, %add3A_209 : i32
      %mul3A_211 = arith.constant 10080 : i32
      %mul3A_212 = arith.muli %add3A, %mul3A_211 : i32
      %mul3A_213 = arith.constant 80 : i32
      %mul3A_214 = arith.muli %add3A_210, %mul3A_213 : i32
      %add3A_215 = arith.addi %mul3A_212, %mul3A_214 : i32
      %dma_start3A_216 = arith.constant 1 : i32
      %dma_start3A_217 = arith.constant 0 : i32
      %dma_start3A_218 = tpu.memref_slice %arg8[%dma_start3A_216, %dma_start3A_217] : memref<3x80xi32, #tpu.memory_space<vmem>> -> memref<1x80xi32, #tpu.memory_space<vmem>>
      %dma_start3A_219 = tpu.memref_squeeze %dma_start3A_218 : memref<1x80xi32, #tpu.memory_space<vmem>> -> memref<80xi32, #tpu.memory_space<vmem>>
      %dma_start3A_220 = tpu.memref_slice %arg4[%add3A_215] : memref<322560xi32, #tpu.memory_space<hbm>> -> memref<80xi32, #tpu.memory_space<hbm>>
      %dma_start3A_221 = arith.constant 0 : i32
      %dma_start3A_222 = tpu.memref_slice %arg8[%dma_start3A_216, %dma_start3A_221] : memref<3x80xi32, #tpu.memory_space<vmem>> -> memref<1x80xi32, #tpu.memory_space<vmem>>
      %dma_start3A_223 = tpu.memref_squeeze %dma_start3A_222 : memref<1x80xi32, #tpu.memory_space<vmem>> -> memref<80xi32, #tpu.memory_space<vmem>>
      %dma_start3A_224 = tpu.memref_slice %arg4[%add3A_215] : memref<322560xi32, #tpu.memory_space<hbm>> -> memref<80xi32, #tpu.memory_space<hbm>>
      tpu.enqueue_dma source(%dma_start3A_224 : memref<80xi32, #tpu.memory_space<hbm>>) target(%dma_start3A_223 : memref<80xi32, #tpu.memory_space<vmem>>) target_semaphore(%arg14 : memref<!tpu.dma_semaphore, #tpu.memory_space<semaphore_mem>>)
      %dma_start3A_225 = arith.constant 0 : i32
      %dma_start3A_226 = tpu.memref_slice %arg7[%add3A_210, %dma_start3A_225] : memref<126x80xi32, #tpu.memory_space<vmem>> -> memref<1x80xi32, #tpu.memory_space<vmem>>
      %dma_start3A_227 = tpu.memref_squeeze %dma_start3A_226 : memref<1x80xi32, #tpu.memory_space<vmem>> -> memref<80xi32, #tpu.memory_space<vmem>>
      %dma_start3A_228 = arith.constant 0 : i32
      %dma_start3A_229 = arith.constant 0 : i32
      %dma_start3A_230 = tpu.memref_slice %arg2[%dma_start3A_228, %dma_start3A_229] : memref<10000x128xf32, #tpu.memory_space<hbm>> -> memref<10000x128xf32, #tpu.memory_space<hbm>>
      tpu.enqueue_indirect_dma source(%dma_start3A_230 : memref<10000x128xf32, #tpu.memory_space<hbm>>) target(%arg10 : memref<80x128xf32, #tpu.memory_space<vmem>>) offsets(%dma_start3A_227 : memref<80xi32, #tpu.memory_space<vmem>>) semaphore(%arg14 : memref<!tpu.dma_semaphore, #tpu.memory_space<semaphore_mem>>)
      %add3A_231 = arith.constant 2 : i32
      %add3A_232 = arith.addi %add3A_136, %add3A_231 : i32
      %mul3A_233 = arith.constant 10080 : i32
      %mul3A_234 = arith.muli %add3A, %mul3A_233 : i32
      %mul3A_235 = arith.constant 80 : i32
      %mul3A_236 = arith.muli %add3A_232, %mul3A_235 : i32
      %add3A_237 = arith.addi %mul3A_234, %mul3A_236 : i32
      %dma_wait3A_238 = arith.constant 2 : i32
      %dma_wait3A_239 = arith.constant 0 : i32
      %dma_wait3A_240 = tpu.memref_slice %arg8[%dma_wait3A_238, %dma_wait3A_239] : memref<3x80xi32, #tpu.memory_space<vmem>> -> memref<1x80xi32, #tpu.memory_space<vmem>>
      %dma_wait3A_241 = tpu.memref_squeeze %dma_wait3A_240 : memref<1x80xi32, #tpu.memory_space<vmem>> -> memref<80xi32, #tpu.memory_space<vmem>>
      %dma_wait3A_242 = tpu.memref_slice %arg4[%add3A_237] : memref<322560xi32, #tpu.memory_space<hbm>> -> memref<80xi32, #tpu.memory_space<hbm>>
      %dma_wait3A_243 = arith.constant 0 : i32
      %dma_wait3A_244 = tpu.memref_slice %arg8[%dma_wait3A_238, %dma_wait3A_243] : memref<3x80xi32, #tpu.memory_space<vmem>> -> memref<1x80xi32, #tpu.memory_space<vmem>>
      %dma_wait3A_245 = tpu.memref_squeeze %dma_wait3A_244 : memref<1x80xi32, #tpu.memory_space<vmem>> -> memref<80xi32, #tpu.memory_space<vmem>>
      %dma_wait3A_246 = tpu.memref_slice %arg4[%add3A_237] : memref<322560xi32, #tpu.memory_space<hbm>> -> memref<80xi32, #tpu.memory_space<hbm>>
      tpu.wait_dma2 semaphore(%arg15 : memref<!tpu.dma_semaphore, #tpu.memory_space<semaphore_mem>>) src(%dma_wait3A_246 : memref<80xi32, #tpu.memory_space<hbm>>) dst(%dma_wait3A_245 : memref<80xi32, #tpu.memory_space<vmem>>)
      %dma_wait3A_247 = arith.constant 0 : i32
      %dma_wait3A_248 = tpu.memref_slice %arg7[%add3A_232, %dma_wait3A_247] : memref<126x80xi32, #tpu.memory_space<vmem>> -> memref<1x80xi32, #tpu.memory_space<vmem>>
      %dma_wait3A_249 = tpu.memref_squeeze %dma_wait3A_248 : memref<1x80xi32, #tpu.memory_space<vmem>> -> memref<80xi32, #tpu.memory_space<vmem>>
      %dma_wait3A_250 = arith.constant 0 : i32
      %dma_wait3A_251 = arith.constant 0 : i32
      %dma_wait3A_252 = tpu.memref_slice %arg2[%dma_wait3A_250, %dma_wait3A_251] : memref<10000x128xf32, #tpu.memory_space<hbm>> -> memref<10000x128xf32, #tpu.memory_space<hbm>>
      tpu.wait_indirect_dma semaphore(%arg15 : memref<!tpu.dma_semaphore, #tpu.memory_space<semaphore_mem>>) src(%dma_wait3A_252 : memref<10000x128xf32, #tpu.memory_space<hbm>>) dst(%arg11 : memref<80x128xf32, #tpu.memory_space<vmem>>)
      %run_scoped3A_253 = arith.constant 2 : i32
      "tpu.region"() ({
        %run_scoped3A_278 = tpu.sem_alloc : memref<!tpu.dma_semaphore, #tpu.memory_space<semaphore_mem>>
        %dma_start3A_279 = arith.constant 0 : i32
        %dma_start3A_280 = tpu.memref_slice %arg8[%run_scoped3A_253, %dma_start3A_279] : memref<3x80xi32, #tpu.memory_space<vmem>> -> memref<1x80xi32, #tpu.memory_space<vmem>>
        %dma_start3A_281 = tpu.memref_squeeze %dma_start3A_280 : memref<1x80xi32, #tpu.memory_space<vmem>> -> memref<80xi32, #tpu.memory_space<vmem>>
        %dma_start3A_282 = arith.constant 0 : i32
        %dma_start3A_283 = arith.constant 0 : i32
        %dma_start3A_284 = tpu.memref_slice %arg12[%dma_start3A_282, %dma_start3A_283] : memref<10240x128xf32, #tpu.memory_space<vmem_shared>> -> memref<10240x128xf32, #tpu.memory_space<vmem_shared>>
        tpu.enqueue_indirect_dma source(%arg11 : memref<80x128xf32, #tpu.memory_space<vmem>>) target(%dma_start3A_284 : memref<10240x128xf32, #tpu.memory_space<vmem_shared>>) offsets(%dma_start3A_281 : memref<80xi32, #tpu.memory_space<vmem>>) semaphore(%run_scoped3A_278 : memref<!tpu.dma_semaphore, #tpu.memory_space<semaphore_mem>>) {add = true}
        %dma_wait3A_285 = arith.constant 0 : i32
        %dma_wait3A_286 = tpu.memref_slice %arg8[%run_scoped3A_253, %dma_wait3A_285] : memref<3x80xi32, #tpu.memory_space<vmem>> -> memref<1x80xi32, #tpu.memory_space<vmem>>
        %dma_wait3A_287 = tpu.memref_squeeze %dma_wait3A_286 : memref<1x80xi32, #tpu.memory_space<vmem>> -> memref<80xi32, #tpu.memory_space<vmem>>
        %dma_wait3A_288 = arith.constant 0 : i32
        %dma_wait3A_289 = arith.constant 0 : i32
        %dma_wait3A_290 = tpu.memref_slice %arg12[%dma_wait3A_288, %dma_wait3A_289] : memref<10240x128xf32, #tpu.memory_space<vmem_shared>> -> memref<10240x128xf32, #tpu.memory_space<vmem_shared>>
        tpu.wait_indirect_dma semaphore(%run_scoped3A_278 : memref<!tpu.dma_semaphore, #tpu.memory_space<semaphore_mem>>) src(%arg11 : memref<80x128xf32, #tpu.memory_space<vmem>>) dst(%dma_wait3A_290 : memref<10240x128xf32, #tpu.memory_space<vmem_shared>>)
        tpu.yield
      }) : () -> ()
      %add3A_254 = arith.constant 2 : i32
      %add3A_255 = arith.addi %add3A_136, %add3A_254 : i32
      %add3A_256 = arith.constant 3 : i32
      %add3A_257 = arith.addi %add3A_255, %add3A_256 : i32
      %mul3A_258 = arith.constant 10080 : i32
      %mul3A_259 = arith.muli %add3A, %mul3A_258 : i32
      %mul3A_260 = arith.constant 80 : i32
      %mul3A_261 = arith.muli %add3A_257, %mul3A_260 : i32
      %add3A_262 = arith.addi %mul3A_259, %mul3A_261 : i32
      %dma_start3A_263 = arith.constant 2 : i32
      %dma_start3A_264 = arith.constant 0 : i32
      %dma_start3A_265 = tpu.memref_slice %arg8[%dma_start3A_263, %dma_start3A_264] : memref<3x80xi32, #tpu.memory_space<vmem>> -> memref<1x80xi32, #tpu.memory_space<vmem>>
      %dma_start3A_266 = tpu.memref_squeeze %dma_start3A_265 : memref<1x80xi32, #tpu.memory_space<vmem>> -> memref<80xi32, #tpu.memory_space<vmem>>
      %dma_start3A_267 = tpu.memref_slice %arg4[%add3A_262] : memref<322560xi32, #tpu.memory_space<hbm>> -> memref<80xi32, #tpu.memory_space<hbm>>
      %dma_start3A_268 = arith.constant 0 : i32
      %dma_start3A_269 = tpu.memref_slice %arg8[%dma_start3A_263, %dma_start3A_268] : memref<3x80xi32, #tpu.memory_space<vmem>> -> memref<1x80xi32, #tpu.memory_space<vmem>>
      %dma_start3A_270 = tpu.memref_squeeze %dma_start3A_269 : memref<1x80xi32, #tpu.memory_space<vmem>> -> memref<80xi32, #tpu.memory_space<vmem>>
      %dma_start3A_271 = tpu.memref_slice %arg4[%add3A_262] : memref<322560xi32, #tpu.memory_space<hbm>> -> memref<80xi32, #tpu.memory_space<hbm>>
      tpu.enqueue_dma source(%dma_start3A_271 : memref<80xi32, #tpu.memory_space<hbm>>) target(%dma_start3A_270 : memref<80xi32, #tpu.memory_space<vmem>>) target_semaphore(%arg15 : memref<!tpu.dma_semaphore, #tpu.memory_space<semaphore_mem>>)
      %dma_start3A_272 = arith.constant 0 : i32
      %dma_start3A_273 = tpu.memref_slice %arg7[%add3A_257, %dma_start3A_272] : memref<126x80xi32, #tpu.memory_space<vmem>> -> memref<1x80xi32, #tpu.memory_space<vmem>>
      %dma_start3A_274 = tpu.memref_squeeze %dma_start3A_273 : memref<1x80xi32, #tpu.memory_space<vmem>> -> memref<80xi32, #tpu.memory_space<vmem>>
      %dma_start3A_275 = arith.constant 0 : i32
      %dma_start3A_276 = arith.constant 0 : i32
      %dma_start3A_277 = tpu.memref_slice %arg2[%dma_start3A_275, %dma_start3A_276] : memref<10000x128xf32, #tpu.memory_space<hbm>> -> memref<10000x128xf32, #tpu.memory_space<hbm>>
      tpu.enqueue_indirect_dma source(%dma_start3A_277 : memref<10000x128xf32, #tpu.memory_space<hbm>>) target(%arg11 : memref<80x128xf32, #tpu.memory_space<vmem>>) offsets(%dma_start3A_274 : memref<80xi32, #tpu.memory_space<vmem>>) semaphore(%arg15 : memref<!tpu.dma_semaphore, #tpu.memory_space<semaphore_mem>>)
    }
    %scan3A_65 = arith.constant 41 : i32
    %mul3A_66 = arith.constant 10080 : i32
    %mul3A_67 = arith.muli %add3A, %mul3A_66 : i32
    %add3A_68 = arith.constant 9840 : i32
    %add3A_69 = arith.addi %mul3A_67, %add3A_68 : i32
    %dma_wait3A = arith.constant 0 : i32
    %dma_wait3A_70 = arith.constant 0 : i32
    %dma_wait3A_71 = tpu.memref_slice %arg8[%dma_wait3A, %dma_wait3A_70] : memref<3x80xi32, #tpu.memory_space<vmem>> -> memref<1x80xi32, #tpu.memory_space<vmem>>
    %dma_wait3A_72 = tpu.memref_squeeze %dma_wait3A_71 : memref<1x80xi32, #tpu.memory_space<vmem>> -> memref<80xi32, #tpu.memory_space<vmem>>
    %dma_wait3A_73 = tpu.memref_slice %arg4[%add3A_69] : memref<322560xi32, #tpu.memory_space<hbm>> -> memref<80xi32, #tpu.memory_space<hbm>>
    %dma_wait3A_74 = arith.constant 0 : i32
    %dma_wait3A_75 = tpu.memref_slice %arg8[%dma_wait3A, %dma_wait3A_74] : memref<3x80xi32, #tpu.memory_space<vmem>> -> memref<1x80xi32, #tpu.memory_space<vmem>>
    %dma_wait3A_76 = tpu.memref_squeeze %dma_wait3A_75 : memref<1x80xi32, #tpu.memory_space<vmem>> -> memref<80xi32, #tpu.memory_space<vmem>>
    %dma_wait3A_77 = tpu.memref_slice %arg4[%add3A_69] : memref<322560xi32, #tpu.memory_space<hbm>> -> memref<80xi32, #tpu.memory_space<hbm>>
    tpu.wait_dma2 semaphore(%arg13 : memref<!tpu.dma_semaphore, #tpu.memory_space<semaphore_mem>>) src(%dma_wait3A_77 : memref<80xi32, #tpu.memory_space<hbm>>) dst(%dma_wait3A_76 : memref<80xi32, #tpu.memory_space<vmem>>)
    %dma_wait3A_78 = arith.constant 123 : i32
    %dma_wait3A_79 = arith.constant 0 : i32
    %dma_wait3A_80 = tpu.memref_slice %arg7[%dma_wait3A_78, %dma_wait3A_79] : memref<126x80xi32, #tpu.memory_space<vmem>> -> memref<1x80xi32, #tpu.memory_space<vmem>>
    %dma_wait3A_81 = tpu.memref_squeeze %dma_wait3A_80 : memref<1x80xi32, #tpu.memory_space<vmem>> -> memref<80xi32, #tpu.memory_space<vmem>>
    %dma_wait3A_82 = arith.constant 0 : i32
    %dma_wait3A_83 = arith.constant 0 : i32
    %dma_wait3A_84 = tpu.memref_slice %arg2[%dma_wait3A_82, %dma_wait3A_83] : memref<10000x128xf32, #tpu.memory_space<hbm>> -> memref<10000x128xf32, #tpu.memory_space<hbm>>
    tpu.wait_indirect_dma semaphore(%arg13 : memref<!tpu.dma_semaphore, #tpu.memory_space<semaphore_mem>>) src(%dma_wait3A_84 : memref<10000x128xf32, #tpu.memory_space<hbm>>) dst(%arg9 : memref<80x128xf32, #tpu.memory_space<vmem>>)
    %run_scoped3A = arith.constant 0 : i32
    "tpu.region"() ({
      %run_scoped3A_132 = tpu.sem_alloc : memref<!tpu.dma_semaphore, #tpu.memory_space<semaphore_mem>>
      %dma_start3A_133 = arith.constant 0 : i32
      %dma_start3A_134 = tpu.memref_slice %arg8[%run_scoped3A, %dma_start3A_133] : memref<3x80xi32, #tpu.memory_space<vmem>> -> memref<1x80xi32, #tpu.memory_space<vmem>>
      %dma_start3A_135 = tpu.memref_squeeze %dma_start3A_134 : memref<1x80xi32, #tpu.memory_space<vmem>> -> memref<80xi32, #tpu.memory_space<vmem>>
      %dma_start3A_136 = arith.constant 0 : i32
      %dma_start3A_137 = arith.constant 0 : i32
      %dma_start3A_138 = tpu.memref_slice %arg12[%dma_start3A_136, %dma_start3A_137] : memref<10240x128xf32, #tpu.memory_space<vmem_shared>> -> memref<10240x128xf32, #tpu.memory_space<vmem_shared>>
      tpu.enqueue_indirect_dma source(%arg9 : memref<80x128xf32, #tpu.memory_space<vmem>>) target(%dma_start3A_138 : memref<10240x128xf32, #tpu.memory_space<vmem_shared>>) offsets(%dma_start3A_135 : memref<80xi32, #tpu.memory_space<vmem>>) semaphore(%run_scoped3A_132 : memref<!tpu.dma_semaphore, #tpu.memory_space<semaphore_mem>>) {add = true}
      %dma_wait3A_139 = arith.constant 0 : i32
      %dma_wait3A_140 = tpu.memref_slice %arg8[%run_scoped3A, %dma_wait3A_139] : memref<3x80xi32, #tpu.memory_space<vmem>> -> memref<1x80xi32, #tpu.memory_space<vmem>>
      %dma_wait3A_141 = tpu.memref_squeeze %dma_wait3A_140 : memref<1x80xi32, #tpu.memory_space<vmem>> -> memref<80xi32, #tpu.memory_space<vmem>>
      %dma_wait3A_142 = arith.constant 0 : i32
      %dma_wait3A_143 = arith.constant 0 : i32
      %dma_wait3A_144 = tpu.memref_slice %arg12[%dma_wait3A_142, %dma_wait3A_143] : memref<10240x128xf32, #tpu.memory_space<vmem_shared>> -> memref<10240x128xf32, #tpu.memory_space<vmem_shared>>
      tpu.wait_indirect_dma semaphore(%run_scoped3A_132 : memref<!tpu.dma_semaphore, #tpu.memory_space<semaphore_mem>>) src(%arg9 : memref<80x128xf32, #tpu.memory_space<vmem>>) dst(%dma_wait3A_144 : memref<10240x128xf32, #tpu.memory_space<vmem_shared>>)
      tpu.yield
    }) : () -> ()
    %mul3A_85 = arith.constant 10080 : i32
    %mul3A_86 = arith.muli %add3A, %mul3A_85 : i32
    %add3A_87 = arith.constant 9920 : i32
    %add3A_88 = arith.addi %mul3A_86, %add3A_87 : i32
    %dma_wait3A_89 = arith.constant 1 : i32
    %dma_wait3A_90 = arith.constant 0 : i32
    %dma_wait3A_91 = tpu.memref_slice %arg8[%dma_wait3A_89, %dma_wait3A_90] : memref<3x80xi32, #tpu.memory_space<vmem>> -> memref<1x80xi32, #tpu.memory_space<vmem>>
    %dma_wait3A_92 = tpu.memref_squeeze %dma_wait3A_91 : memref<1x80xi32, #tpu.memory_space<vmem>> -> memref<80xi32, #tpu.memory_space<vmem>>
    %dma_wait3A_93 = tpu.memref_slice %arg4[%add3A_88] : memref<322560xi32, #tpu.memory_space<hbm>> -> memref<80xi32, #tpu.memory_space<hbm>>
    %dma_wait3A_94 = arith.constant 0 : i32
    %dma_wait3A_95 = tpu.memref_slice %arg8[%dma_wait3A_89, %dma_wait3A_94] : memref<3x80xi32, #tpu.memory_space<vmem>> -> memref<1x80xi32, #tpu.memory_space<vmem>>
    %dma_wait3A_96 = tpu.memref_squeeze %dma_wait3A_95 : memref<1x80xi32, #tpu.memory_space<vmem>> -> memref<80xi32, #tpu.memory_space<vmem>>
    %dma_wait3A_97 = tpu.memref_slice %arg4[%add3A_88] : memref<322560xi32, #tpu.memory_space<hbm>> -> memref<80xi32, #tpu.memory_space<hbm>>
    tpu.wait_dma2 semaphore(%arg14 : memref<!tpu.dma_semaphore, #tpu.memory_space<semaphore_mem>>) src(%dma_wait3A_97 : memref<80xi32, #tpu.memory_space<hbm>>) dst(%dma_wait3A_96 : memref<80xi32, #tpu.memory_space<vmem>>)
    %dma_wait3A_98 = arith.constant 124 : i32
    %dma_wait3A_99 = arith.constant 0 : i32
    %dma_wait3A_100 = tpu.memref_slice %arg7[%dma_wait3A_98, %dma_wait3A_99] : memref<126x80xi32, #tpu.memory_space<vmem>> -> memref<1x80xi32, #tpu.memory_space<vmem>>
    %dma_wait3A_101 = tpu.memref_squeeze %dma_wait3A_100 : memref<1x80xi32, #tpu.memory_space<vmem>> -> memref<80xi32, #tpu.memory_space<vmem>>
    %dma_wait3A_102 = arith.constant 0 : i32
    %dma_wait3A_103 = arith.constant 0 : i32
    %dma_wait3A_104 = tpu.memref_slice %arg2[%dma_wait3A_102, %dma_wait3A_103] : memref<10000x128xf32, #tpu.memory_space<hbm>> -> memref<10000x128xf32, #tpu.memory_space<hbm>>
    tpu.wait_indirect_dma semaphore(%arg14 : memref<!tpu.dma_semaphore, #tpu.memory_space<semaphore_mem>>) src(%dma_wait3A_104 : memref<10000x128xf32, #tpu.memory_space<hbm>>) dst(%arg10 : memref<80x128xf32, #tpu.memory_space<vmem>>)
    %run_scoped3A_105 = arith.constant 1 : i32
    "tpu.region"() ({
      %run_scoped3A_132 = tpu.sem_alloc : memref<!tpu.dma_semaphore, #tpu.memory_space<semaphore_mem>>
      %dma_start3A_133 = arith.constant 0 : i32
      %dma_start3A_134 = tpu.memref_slice %arg8[%run_scoped3A_105, %dma_start3A_133] : memref<3x80xi32, #tpu.memory_space<vmem>> -> memref<1x80xi32, #tpu.memory_space<vmem>>
      %dma_start3A_135 = tpu.memref_squeeze %dma_start3A_134 : memref<1x80xi32, #tpu.memory_space<vmem>> -> memref<80xi32, #tpu.memory_space<vmem>>
      %dma_start3A_136 = arith.constant 0 : i32
      %dma_start3A_137 = arith.constant 0 : i32
      %dma_start3A_138 = tpu.memref_slice %arg12[%dma_start3A_136, %dma_start3A_137] : memref<10240x128xf32, #tpu.memory_space<vmem_shared>> -> memref<10240x128xf32, #tpu.memory_space<vmem_shared>>
      tpu.enqueue_indirect_dma source(%arg10 : memref<80x128xf32, #tpu.memory_space<vmem>>) target(%dma_start3A_138 : memref<10240x128xf32, #tpu.memory_space<vmem_shared>>) offsets(%dma_start3A_135 : memref<80xi32, #tpu.memory_space<vmem>>) semaphore(%run_scoped3A_132 : memref<!tpu.dma_semaphore, #tpu.memory_space<semaphore_mem>>) {add = true}
      %dma_wait3A_139 = arith.constant 0 : i32
      %dma_wait3A_140 = tpu.memref_slice %arg8[%run_scoped3A_105, %dma_wait3A_139] : memref<3x80xi32, #tpu.memory_space<vmem>> -> memref<1x80xi32, #tpu.memory_space<vmem>>
      %dma_wait3A_141 = tpu.memref_squeeze %dma_wait3A_140 : memref<1x80xi32, #tpu.memory_space<vmem>> -> memref<80xi32, #tpu.memory_space<vmem>>
      %dma_wait3A_142 = arith.constant 0 : i32
      %dma_wait3A_143 = arith.constant 0 : i32
      %dma_wait3A_144 = tpu.memref_slice %arg12[%dma_wait3A_142, %dma_wait3A_143] : memref<10240x128xf32, #tpu.memory_space<vmem_shared>> -> memref<10240x128xf32, #tpu.memory_space<vmem_shared>>
      tpu.wait_indirect_dma semaphore(%run_scoped3A_132 : memref<!tpu.dma_semaphore, #tpu.memory_space<semaphore_mem>>) src(%arg10 : memref<80x128xf32, #tpu.memory_space<vmem>>) dst(%dma_wait3A_144 : memref<10240x128xf32, #tpu.memory_space<vmem_shared>>)
      tpu.yield
    }) : () -> ()
    %mul3A_106 = arith.constant 10080 : i32
    %mul3A_107 = arith.muli %add3A, %mul3A_106 : i32
    %add3A_108 = arith.constant 10000 : i32
    %add3A_109 = arith.addi %mul3A_107, %add3A_108 : i32
    %dma_wait3A_110 = arith.constant 2 : i32
    %dma_wait3A_111 = arith.constant 0 : i32
    %dma_wait3A_112 = tpu.memref_slice %arg8[%dma_wait3A_110, %dma_wait3A_111] : memref<3x80xi32, #tpu.memory_space<vmem>> -> memref<1x80xi32, #tpu.memory_space<vmem>>
    %dma_wait3A_113 = tpu.memref_squeeze %dma_wait3A_112 : memref<1x80xi32, #tpu.memory_space<vmem>> -> memref<80xi32, #tpu.memory_space<vmem>>
    %dma_wait3A_114 = tpu.memref_slice %arg4[%add3A_109] : memref<322560xi32, #tpu.memory_space<hbm>> -> memref<80xi32, #tpu.memory_space<hbm>>
    %dma_wait3A_115 = arith.constant 0 : i32
    %dma_wait3A_116 = tpu.memref_slice %arg8[%dma_wait3A_110, %dma_wait3A_115] : memref<3x80xi32, #tpu.memory_space<vmem>> -> memref<1x80xi32, #tpu.memory_space<vmem>>
    %dma_wait3A_117 = tpu.memref_squeeze %dma_wait3A_116 : memref<1x80xi32, #tpu.memory_space<vmem>> -> memref<80xi32, #tpu.memory_space<vmem>>
    %dma_wait3A_118 = tpu.memref_slice %arg4[%add3A_109] : memref<322560xi32, #tpu.memory_space<hbm>> -> memref<80xi32, #tpu.memory_space<hbm>>
    tpu.wait_dma2 semaphore(%arg15 : memref<!tpu.dma_semaphore, #tpu.memory_space<semaphore_mem>>) src(%dma_wait3A_118 : memref<80xi32, #tpu.memory_space<hbm>>) dst(%dma_wait3A_117 : memref<80xi32, #tpu.memory_space<vmem>>)
    %dma_wait3A_119 = arith.constant 125 : i32
    %dma_wait3A_120 = arith.constant 0 : i32
    %dma_wait3A_121 = tpu.memref_slice %arg7[%dma_wait3A_119, %dma_wait3A_120] : memref<126x80xi32, #tpu.memory_space<vmem>> -> memref<1x80xi32, #tpu.memory_space<vmem>>
    %dma_wait3A_122 = tpu.memref_squeeze %dma_wait3A_121 : memref<1x80xi32, #tpu.memory_space<vmem>> -> memref<80xi32, #tpu.memory_space<vmem>>
    %dma_wait3A_123 = arith.constant 0 : i32
    %dma_wait3A_124 = arith.constant 0 : i32
    %dma_wait3A_125 = tpu.memref_slice %arg2[%dma_wait3A_123, %dma_wait3A_124] : memref<10000x128xf32, #tpu.memory_space<hbm>> -> memref<10000x128xf32, #tpu.memory_space<hbm>>
    tpu.wait_indirect_dma semaphore(%arg15 : memref<!tpu.dma_semaphore, #tpu.memory_space<semaphore_mem>>) src(%dma_wait3A_125 : memref<10000x128xf32, #tpu.memory_space<hbm>>) dst(%arg11 : memref<80x128xf32, #tpu.memory_space<vmem>>)
    %run_scoped3A_126 = arith.constant 2 : i32
    "tpu.region"() ({
      %run_scoped3A_132 = tpu.sem_alloc : memref<!tpu.dma_semaphore, #tpu.memory_space<semaphore_mem>>
      %dma_start3A_133 = arith.constant 0 : i32
      %dma_start3A_134 = tpu.memref_slice %arg8[%run_scoped3A_126, %dma_start3A_133] : memref<3x80xi32, #tpu.memory_space<vmem>> -> memref<1x80xi32, #tpu.memory_space<vmem>>
      %dma_start3A_135 = tpu.memref_squeeze %dma_start3A_134 : memref<1x80xi32, #tpu.memory_space<vmem>> -> memref<80xi32, #tpu.memory_space<vmem>>
      %dma_start3A_136 = arith.constant 0 : i32
      %dma_start3A_137 = arith.constant 0 : i32
      %dma_start3A_138 = tpu.memref_slice %arg12[%dma_start3A_136, %dma_start3A_137] : memref<10240x128xf32, #tpu.memory_space<vmem_shared>> -> memref<10240x128xf32, #tpu.memory_space<vmem_shared>>
      tpu.enqueue_indirect_dma source(%arg11 : memref<80x128xf32, #tpu.memory_space<vmem>>) target(%dma_start3A_138 : memref<10240x128xf32, #tpu.memory_space<vmem_shared>>) offsets(%dma_start3A_135 : memref<80xi32, #tpu.memory_space<vmem>>) semaphore(%run_scoped3A_132 : memref<!tpu.dma_semaphore, #tpu.memory_space<semaphore_mem>>) {add = true}
      %dma_wait3A_139 = arith.constant 0 : i32
      %dma_wait3A_140 = tpu.memref_slice %arg8[%run_scoped3A_126, %dma_wait3A_139] : memref<3x80xi32, #tpu.memory_space<vmem>> -> memref<1x80xi32, #tpu.memory_space<vmem>>
      %dma_wait3A_141 = tpu.memref_squeeze %dma_wait3A_140 : memref<1x80xi32, #tpu.memory_space<vmem>> -> memref<80xi32, #tpu.memory_space<vmem>>
      %dma_wait3A_142 = arith.constant 0 : i32
      %dma_wait3A_143 = arith.constant 0 : i32
      %dma_wait3A_144 = tpu.memref_slice %arg12[%dma_wait3A_142, %dma_wait3A_143] : memref<10240x128xf32, #tpu.memory_space<vmem_shared>> -> memref<10240x128xf32, #tpu.memory_space<vmem_shared>>
      tpu.wait_indirect_dma semaphore(%run_scoped3A_132 : memref<!tpu.dma_semaphore, #tpu.memory_space<semaphore_mem>>) src(%arg11 : memref<80x128xf32, #tpu.memory_space<vmem>>) dst(%dma_wait3A_144 : memref<10240x128xf32, #tpu.memory_space<vmem_shared>>)
      tpu.yield
    }) : () -> ()
    %barrier3A_127 = arith.constant 0 : index
    tpu.barrier barrier_id(%barrier3A_127)
    %mul3A_128 = arith.constant 640 : i32
    %mul3A_129 = arith.muli %arg1, %mul3A_128 : i32
    %mul3A_130 = arith.constant 640 : i32
    %mul3A_131 = arith.muli %arg1, %mul3A_130 : i32
    "tpu.region"() ({
      %run_scoped3A_132 = tpu.sem_alloc : memref<!tpu.dma_semaphore, #tpu.memory_space<semaphore_mem>>
      %dma_start3A_133 = arith.constant 0 : i32
      %dma_start3A_134 = tpu.memref_slice %arg6[%arg0, %mul3A_131, %dma_start3A_133] : memref<2x10240x128xf32, #tpu.memory_space<hbm>> -> memref<1x640x128xf32, #tpu.memory_space<hbm>>
      %dma_start3A_135 = tpu.memref_squeeze %dma_start3A_134 : memref<1x640x128xf32, #tpu.memory_space<hbm>> -> memref<640x128xf32, #tpu.memory_space<hbm>>
      %dma_start3A_136 = arith.constant 0 : i32
      %dma_start3A_137 = tpu.memref_slice %arg12[%mul3A_129, %dma_start3A_136] : memref<10240x128xf32, #tpu.memory_space<vmem_shared>> -> memref<640x128xf32, #tpu.memory_space<vmem_shared>>
      tpu.enqueue_dma source(%dma_start3A_137 : memref<640x128xf32, #tpu.memory_space<vmem_shared>>) target(%dma_start3A_135 : memref<640x128xf32, #tpu.memory_space<hbm>>) target_semaphore(%run_scoped3A_132 : memref<!tpu.dma_semaphore, #tpu.memory_space<semaphore_mem>>)
      %dma_wait3A_138 = arith.constant 0 : i32
      %dma_wait3A_139 = tpu.memref_slice %arg6[%arg0, %mul3A_131, %dma_wait3A_138] : memref<2x10240x128xf32, #tpu.memory_space<hbm>> -> memref<1x640x128xf32, #tpu.memory_space<hbm>>
      %dma_wait3A_140 = tpu.memref_squeeze %dma_wait3A_139 : memref<1x640x128xf32, #tpu.memory_space<hbm>> -> memref<640x128xf32, #tpu.memory_space<hbm>>
      %dma_wait3A_141 = arith.constant 0 : i32
      %dma_wait3A_142 = tpu.memref_slice %arg12[%mul3A_129, %dma_wait3A_141] : memref<10240x128xf32, #tpu.memory_space<vmem_shared>> -> memref<640x128xf32, #tpu.memory_space<vmem_shared>>
      tpu.wait_dma2 semaphore(%run_scoped3A_132 : memref<!tpu.dma_semaphore, #tpu.memory_space<semaphore_mem>>) src(%dma_wait3A_142 : memref<640x128xf32, #tpu.memory_space<vmem_shared>>) dst(%dma_wait3A_140 : memref<640x128xf32, #tpu.memory_space<hbm>>)
      tpu.yield
    }) : () -> ()
    return
  }
}

module attributes {stable_mosaic.version = 14 : i64} {
  func.func @_enc_body(%arg0: i32, %arg1: memref<1000x128xf32, #tpu.memory_space<vmem>>, %arg2: memref<128x128xf32, #tpu.memory_space<vmem>>, %arg3: memref<1x128xf32, #tpu.memory_space<vmem>>, %arg4: memref<1000x128xf32, #tpu.memory_space<vmem>>) attributes {dimension_semantics = [#tpu.dimension_semantics<arbitrary>], iteration_bounds = array<i64: 10>, scalar_prefetch = 0 : i64, scratch_operands = 0 : i64, tpu.core_type = #tpu.core_type<tc>, window_params = [{transform_indices = @transform_0, window_bounds = array<i64: 1000, 128>}, {pipeline_mode = #tpu.pipeline_mode<synchronous>, transform_indices = @transform_1, window_bounds = array<i64: 128, 128>}, {pipeline_mode = #tpu.pipeline_mode<synchronous>, transform_indices = @transform_2, window_bounds = array<i64: 1, 128>}, {transform_indices = @transform_3, window_bounds = array<i64: 1000, 128>}]} {
    %get3A = arith.constant 0 : index
    %get3A_0 = arith.constant 0 : index
    %get3A_1 = vector.load %arg1[%get3A, %get3A_0] : memref<1000x128xf32, #tpu.memory_space<vmem>>, vector<1000x128xf32>
    %get3A_2 = arith.constant 0 : index
    %get3A_3 = arith.constant 0 : index
    %get3A_4 = vector.load %arg2[%get3A_2, %get3A_3] : memref<128x128xf32, #tpu.memory_space<vmem>>, vector<128x128xf32>
    %dot_general3A = arith.constant dense<0.000000e+00> : vector<1000x128xf32>
    %dot_general3A_5 = tpu.matmul %get3A_1, %get3A_4, %dot_general3A {dimension_numbers = #tpu.dot_dimension_numbers<[1], [0], [0], [1], [0, 0, 1, 1], [], []>, transpose_lhs_hint = false} : vector<1000x128xf32>, vector<128x128xf32>, vector<1000x128xf32> -> vector<1000x128xf32>
    %get3A_6 = arith.constant 0 : index
    %get3A_7 = arith.constant 0 : index
    %get3A_8 = vector.load %arg3[%get3A_6, %get3A_7] : memref<1x128xf32, #tpu.memory_space<vmem>>, vector<1x128xf32>
    %add3A = vector.broadcast %get3A_8 : vector<1x128xf32> to vector<1000x128xf32>
    %add3A_9 = arith.addf %dot_general3A_5, %add3A : vector<1000x128xf32>
    %swap3A = arith.constant 0 : index
    %swap3A_10 = arith.constant 0 : index
    %swap3A_11 = vector.load %arg4[%swap3A, %swap3A_10] : memref<1000x128xf32, #tpu.memory_space<vmem>>, vector<1000x128xf32>
    tpu.vector_store %arg4[%swap3A, %swap3A_10], %add3A_9 {strides = array<i32>} : memref<1000x128xf32, #tpu.memory_space<vmem>>, vector<1000x128xf32>,
    return
  }
  func.func @transform_0(%arg0: i32) -> (i32, i32) {
    %c0_i32 = arith.constant 0 : i32
    %c0_i32_0 = arith.constant 0 : i32
    return %arg0, %c0_i32 : i32, i32
  }
  func.func @transform_1(%arg0: i32) -> (i32, i32) {
    %c0_i32 = arith.constant 0 : i32
    %c0_i32_0 = arith.constant 0 : i32
    %c0_i32_1 = arith.constant 0 : i32
    return %c0_i32, %c0_i32_0 : i32, i32
  }
  func.func @transform_2(%arg0: i32) -> (i32, i32) {
    %c0_i32 = arith.constant 0 : i32
    %c0_i32_0 = arith.constant 0 : i32
    %c0_i32_1 = arith.constant 0 : i32
    return %c0_i32, %c0_i32_0 : i32, i32
  }
  func.func @transform_3(%arg0: i32) -> (i32, i32) {
    %c0_i32 = arith.constant 0 : i32
    %c0_i32_0 = arith.constant 0 : i32
    return %arg0, %c0_i32 : i32, i32
  }
}

module attributes {stable_mosaic.version = 14 : i64} {
  func.func @_layer_body(%arg0: i32, %arg1: memref<1000x128xf32, #tpu.memory_space<vmem>>, %arg2: memref<1000x128xf32, #tpu.memory_space<vmem>>, %arg3: memref<1000x128xf32, #tpu.memory_space<vmem>>, %arg4: memref<1x1x1000xi32, #tpu.memory_space<vmem>>, %arg5: memref<128x128xf32, #tpu.memory_space<vmem>>, %arg6: memref<1x128xf32, #tpu.memory_space<vmem>>, %arg7: memref<128x128xf32, #tpu.memory_space<vmem>>, %arg8: memref<1x128xf32, #tpu.memory_space<vmem>>, %arg9: memref<1x128xf32, #tpu.memory_space<vmem>>, %arg10: memref<1x128xf32, #tpu.memory_space<vmem>>, %arg11: memref<1000x128xf32, #tpu.memory_space<vmem>>, %arg12: memref<64x128xf32, #tpu.memory_space<vmem>>, %arg13: memref<64x128xf32, #tpu.memory_space<vmem>>) attributes {dimension_semantics = [#tpu.dimension_semantics<arbitrary>], iteration_bounds = array<i64: 10>, scalar_prefetch = 0 : i64, scratch_operands = 1 : i64, tpu.core_type = #tpu.core_type<tc>, window_params = [{transform_indices = @transform_0, window_bounds = array<i64: 1000, 128>}, {transform_indices = @transform_1, window_bounds = array<i64: 1000, 128>}, {transform_indices = @transform_2, window_bounds = array<i64: 1000, 128>}, {transform_indices = @transform_3, window_bounds = array<i64: 1, 1, 1000>}, {pipeline_mode = #tpu.pipeline_mode<synchronous>, transform_indices = @transform_4, window_bounds = array<i64: 128, 128>}, {pipeline_mode = #tpu.pipeline_mode<synchronous>, transform_indices = @transform_5, window_bounds = array<i64: 1, 128>}, {pipeline_mode = #tpu.pipeline_mode<synchronous>, transform_indices = @transform_6, window_bounds = array<i64: 128, 128>}, {pipeline_mode = #tpu.pipeline_mode<synchronous>, transform_indices = @transform_7, window_bounds = array<i64: 1, 128>}, {pipeline_mode = #tpu.pipeline_mode<synchronous>, transform_indices = @transform_8, window_bounds = array<i64: 1, 128>}, {pipeline_mode = #tpu.pipeline_mode<synchronous>, transform_indices = @transform_9, window_bounds = array<i64: 1, 128>}, {transform_indices = @transform_10, window_bounds = array<i64: 1000, 128>}, {pipeline_mode = #tpu.pipeline_mode<synchronous>, transform_indices = @transform_11, window_bounds = array<i64: 64, 128>}]} {
    %get3A = arith.constant 0 : index
    %get3A_0 = arith.constant 0 : index
    %get3A_1 = vector.load %arg1[%get3A, %get3A_0] : memref<1000x128xf32, #tpu.memory_space<vmem>>, vector<1000x128xf32>
    %get3A_2 = arith.constant 0 : index
    %get3A_3 = arith.constant 0 : index
    %get3A_4 = vector.load %arg2[%get3A_2, %get3A_3] : memref<1000x128xf32, #tpu.memory_space<vmem>>, vector<1000x128xf32>
    %add3A = arith.addf %get3A_1, %get3A_4 : vector<1000x128xf32>
    %get3A_5 = arith.constant 0 : index
    %get3A_6 = arith.constant 0 : index
    %get3A_7 = vector.load %arg3[%get3A_5, %get3A_6] : memref<1000x128xf32, #tpu.memory_space<vmem>>, vector<1000x128xf32>
    %add3A_8 = arith.addf %add3A, %get3A_7 : vector<1000x128xf32>
    %get3A_9 = arith.constant 0 : index
    %get3A_10 = arith.constant 0 : index
    %get3A_11 = vector.load %arg5[%get3A_9, %get3A_10] : memref<128x128xf32, #tpu.memory_space<vmem>>, vector<128x128xf32>
    %dot_general3A = arith.constant dense<0.000000e+00> : vector<1000x128xf32>
    %dot_general3A_12 = tpu.matmul %add3A_8, %get3A_11, %dot_general3A {dimension_numbers = #tpu.dot_dimension_numbers<[1], [0], [0], [1], [0, 0, 1, 1], [], []>, transpose_lhs_hint = false} : vector<1000x128xf32>, vector<128x128xf32>, vector<1000x128xf32> -> vector<1000x128xf32>
    %get3A_13 = arith.constant 0 : index
    %get3A_14 = arith.constant 0 : index
    %get3A_15 = vector.load %arg6[%get3A_13, %get3A_14] : memref<1x128xf32, #tpu.memory_space<vmem>>, vector<1x128xf32>
    %add3A_16 = vector.broadcast %get3A_15 : vector<1x128xf32> to vector<1000x128xf32>
    %add3A_17 = arith.addf %dot_general3A_12, %add3A_16 : vector<1000x128xf32>
    %max3A = arith.constant 0.000000e+00 : f32
    %max3A_18 = vector.broadcast %max3A : f32 to vector<1000x128xf32>
    %max3A_19 = arith.maximumf %add3A_17, %max3A_18 : vector<1000x128xf32>
    %get3A_20 = arith.constant 0 : index
    %get3A_21 = arith.constant 0 : index
    %get3A_22 = vector.load %arg7[%get3A_20, %get3A_21] : memref<128x128xf32, #tpu.memory_space<vmem>>, vector<128x128xf32>
    %dot_general3A_23 = arith.constant dense<0.000000e+00> : vector<1000x128xf32>
    %dot_general3A_24 = tpu.matmul %max3A_19, %get3A_22, %dot_general3A_23 {dimension_numbers = #tpu.dot_dimension_numbers<[1], [0], [0], [1], [0, 0, 1, 1], [], []>, transpose_lhs_hint = false} : vector<1000x128xf32>, vector<128x128xf32>, vector<1000x128xf32> -> vector<1000x128xf32>
    %get3A_25 = arith.constant 0 : index
    %get3A_26 = arith.constant 0 : index
    %get3A_27 = vector.load %arg8[%get3A_25, %get3A_26] : memref<1x128xf32, #tpu.memory_space<vmem>>, vector<1x128xf32>
    %add3A_28 = vector.broadcast %get3A_27 : vector<1x128xf32> to vector<1000x128xf32>
    %add3A_29 = arith.addf %dot_general3A_24, %add3A_28 : vector<1000x128xf32>
    %get3A_30 = arith.constant 0 : index
    %get3A_31 = arith.constant 0 : index
    %get3A_32 = vector.load %arg9[%get3A_30, %get3A_31] : memref<1x128xf32, #tpu.memory_space<vmem>>, vector<1x128xf32>
    %mul3A = vector.broadcast %get3A_32 : vector<1x128xf32> to vector<1000x128xf32>
    %mul3A_33 = arith.mulf %add3A_29, %mul3A : vector<1000x128xf32>
    %get3A_34 = arith.constant 0 : index
    %get3A_35 = arith.constant 0 : index
    %get3A_36 = vector.load %arg10[%get3A_34, %get3A_35] : memref<1x128xf32, #tpu.memory_space<vmem>>, vector<1x128xf32>
    %add3A_37 = vector.broadcast %get3A_36 : vector<1x128xf32> to vector<1000x128xf32>
    %add3A_38 = arith.addf %mul3A_33, %add3A_37 : vector<1000x128xf32>
    %max3A_39 = arith.constant 0.000000e+00 : f32
    %max3A_40 = vector.broadcast %max3A_39 : f32 to vector<1000x128xf32>
    %max3A_41 = arith.maximumf %add3A_38, %max3A_40 : vector<1000x128xf32>
    %swap3A = arith.constant 0 : index
    %swap3A_42 = arith.constant 0 : index
    %swap3A_43 = vector.load %arg11[%swap3A, %swap3A_42] : memref<1000x128xf32, #tpu.memory_space<vmem>>, vector<1000x128xf32>
    tpu.vector_store %arg11[%swap3A, %swap3A_42], %max3A_41 {strides = array<i32>} : memref<1000x128xf32, #tpu.memory_space<vmem>>, vector<1000x128xf32>,
    %get3A_44 = arith.constant 0 : index
    %get3A_45 = arith.constant 0 : index
    %get3A_46 = arith.constant 0 : index
    %get3A_47 = vector.load %arg4[%get3A_44, %get3A_45, %get3A_46] : memref<1x1x1000xi32, #tpu.memory_space<vmem>>, vector<1x1x1000xi32>
    %get3A_48 = vector.shape_cast %get3A_47 : vector<1x1x1000xi32> to vector<1000xi32>
    %iota3A = tpu.iota {dimensions = array<i32: 0>} : vector<64x1000xi32>
    %broadcast_in_dim3A = vector.shape_cast %get3A_48 : vector<1000xi32> to vector<1x1000xi32>
    %eq3A = vector.broadcast %broadcast_in_dim3A : vector<1x1000xi32> to vector<64x1000xi32>
    %eq3A_49 = arith.cmpi eq, %iota3A, %eq3A : vector<64x1000xi32>
    %convert_element_type3A = arith.extui %eq3A_49 : vector<64x1000xi1> to vector<64x1000xi32>
    %convert_element_type3A_50 = arith.sitofp %convert_element_type3A : vector<64x1000xi32> to vector<64x1000xf32>
    %dot_general3A_51 = arith.constant dense<0.000000e+00> : vector<64x128xf32>
    %dot_general3A_52 = tpu.matmul %convert_element_type3A_50, %max3A_41, %dot_general3A_51 {dimension_numbers = #tpu.dot_dimension_numbers<[1], [0], [0], [1], [0, 0, 1, 1], [], []>, precision = #tpu.contract_precision<fp32>, transpose_lhs_hint = false} : vector<64x1000xf32>, vector<1000x128xf32>, vector<64x128xf32> -> vector<64x128xf32>
    %eq3A_53 = arith.constant 0 : i32
    %eq3A_54 = arith.cmpi eq, %arg0, %eq3A_53 : i32
    %convert_element_type3A_55 = arith.extui %eq3A_54 : i1 to i32
    %cond3A = arith.constant 0 : i32
    %cond3A_56 = arith.cmpi ne, %convert_element_type3A_55, %cond3A : i32
    scf.if %cond3A_56 {
      %broadcast_in_dim3A_69 = arith.constant 0.000000e+00 : f32
      %broadcast_in_dim3A_70 = vector.broadcast %broadcast_in_dim3A_69 : f32 to vector<64x128xf32>
      %swap3A_71 = arith.constant 0 : index
      %swap3A_72 = arith.constant 0 : index
      %swap3A_73 = vector.load %arg13[%swap3A_71, %swap3A_72] : memref<64x128xf32, #tpu.memory_space<vmem>>, vector<64x128xf32>
      tpu.vector_store %arg13[%swap3A_71, %swap3A_72], %broadcast_in_dim3A_70 {strides = array<i32>} : memref<64x128xf32, #tpu.memory_space<vmem>>, vector<64x128xf32>,
    } else {
    }
    %get3A_57 = arith.constant 0 : index
    %get3A_58 = arith.constant 0 : index
    %get3A_59 = vector.load %arg13[%get3A_57, %get3A_58] : memref<64x128xf32, #tpu.memory_space<vmem>>, vector<64x128xf32>
    %add3A_60 = arith.addf %get3A_59, %dot_general3A_52 : vector<64x128xf32>
    %swap3A_61 = arith.constant 0 : index
    %swap3A_62 = arith.constant 0 : index
    %swap3A_63 = vector.load %arg13[%swap3A_61, %swap3A_62] : memref<64x128xf32, #tpu.memory_space<vmem>>, vector<64x128xf32>
    tpu.vector_store %arg13[%swap3A_61, %swap3A_62], %add3A_60 {strides = array<i32>} : memref<64x128xf32, #tpu.memory_space<vmem>>, vector<64x128xf32>,
    %eq3A_64 = arith.constant 9 : i32
    %eq3A_65 = arith.cmpi eq, %arg0, %eq3A_64 : i32
    %convert_element_type3A_66 = arith.extui %eq3A_65 : i1 to i32
    %cond3A_67 = arith.constant 0 : i32
    %cond3A_68 = arith.cmpi ne, %convert_element_type3A_66, %cond3A_67 : i32
    scf.if %cond3A_68 {
      %get3A_69 = arith.constant 0 : index
      %get3A_70 = arith.constant 0 : index
      %get3A_71 = vector.load %arg13[%get3A_69, %get3A_70] : memref<64x128xf32, #tpu.memory_space<vmem>>, vector<64x128xf32>
      %swap3A_72 = arith.constant 0 : index
      %swap3A_73 = arith.constant 0 : index
      %swap3A_74 = vector.load %arg12[%swap3A_72, %swap3A_73] : memref<64x128xf32, #tpu.memory_space<vmem>>, vector<64x128xf32>
      tpu.vector_store %arg12[%swap3A_72, %swap3A_73], %get3A_71 {strides = array<i32>} : memref<64x128xf32, #tpu.memory_space<vmem>>, vector<64x128xf32>,
    } else {
    }
    return
  }
  func.func @transform_0(%arg0: i32) -> (i32, i32) {
    %c0_i32 = arith.constant 0 : i32
    %c0_i32_0 = arith.constant 0 : i32
    return %arg0, %c0_i32 : i32, i32
  }
  func.func @transform_1(%arg0: i32) -> (i32, i32) {
    %c0_i32 = arith.constant 0 : i32
    %c0_i32_0 = arith.constant 0 : i32
    return %arg0, %c0_i32 : i32, i32
  }
  func.func @transform_2(%arg0: i32) -> (i32, i32) {
    %c0_i32 = arith.constant 0 : i32
    %c0_i32_0 = arith.constant 0 : i32
    return %arg0, %c0_i32 : i32, i32
  }
  func.func @transform_3(%arg0: i32) -> (i32, i32, i32) {
    %c0_i32 = arith.constant 0 : i32
    %c0_i32_0 = arith.constant 0 : i32
    %c0_i32_1 = arith.constant 0 : i32
    return %arg0, %c0_i32, %c0_i32_0 : i32, i32, i32
  }
  func.func @transform_4(%arg0: i32) -> (i32, i32) {
    %c0_i32 = arith.constant 0 : i32
    %c0_i32_0 = arith.constant 0 : i32
    %c0_i32_1 = arith.constant 0 : i32
    return %c0_i32, %c0_i32_0 : i32, i32
  }
  func.func @transform_5(%arg0: i32) -> (i32, i32) {
    %c0_i32 = arith.constant 0 : i32
    %c0_i32_0 = arith.constant 0 : i32
    %c0_i32_1 = arith.constant 0 : i32
    return %c0_i32, %c0_i32_0 : i32, i32
  }
  func.func @transform_6(%arg0: i32) -> (i32, i32) {
    %c0_i32 = arith.constant 0 : i32
    %c0_i32_0 = arith.constant 0 : i32
    %c0_i32_1 = arith.constant 0 : i32
    return %c0_i32, %c0_i32_0 : i32, i32
  }
  func.func @transform_7(%arg0: i32) -> (i32, i32) {
    %c0_i32 = arith.constant 0 : i32
    %c0_i32_0 = arith.constant 0 : i32
    %c0_i32_1 = arith.constant 0 : i32
    return %c0_i32, %c0_i32_0 : i32, i32
  }
  func.func @transform_8(%arg0: i32) -> (i32, i32) {
    %c0_i32 = arith.constant 0 : i32
    %c0_i32_0 = arith.constant 0 : i32
    %c0_i32_1 = arith.constant 0 : i32
    return %c0_i32, %c0_i32_0 : i32, i32
  }
  func.func @transform_9(%arg0: i32) -> (i32, i32) {
    %c0_i32 = arith.constant 0 : i32
    %c0_i32_0 = arith.constant 0 : i32
    %c0_i32_1 = arith.constant 0 : i32
    return %c0_i32, %c0_i32_0 : i32, i32
  }
  func.func @transform_10(%arg0: i32) -> (i32, i32) {
    %c0_i32 = arith.constant 0 : i32
    %c0_i32_0 = arith.constant 0 : i32
    return %arg0, %c0_i32 : i32, i32
  }
  func.func @transform_11(%arg0: i32) -> (i32, i32) {
    %c0_i32 = arith.constant 0 : i32
    %c0_i32_0 = arith.constant 0 : i32
    %c0_i32_1 = arith.constant 0 : i32
    return %c0_i32, %c0_i32_0 : i32, i32
  }
}

module attributes {stable_mosaic.version = 14 : i64} {
  func.func @_layer_body(%arg0: i32, %arg1: memref<1000x128xf32, #tpu.memory_space<vmem>>, %arg2: memref<1000x128xf32, #tpu.memory_space<vmem>>, %arg3: memref<1000x128xf32, #tpu.memory_space<vmem>>, %arg4: memref<1x1x1000xi32, #tpu.memory_space<vmem>>, %arg5: memref<128x128xf32, #tpu.memory_space<vmem>>, %arg6: memref<1x128xf32, #tpu.memory_space<vmem>>, %arg7: memref<128x128xf32, #tpu.memory_space<vmem>>, %arg8: memref<1x128xf32, #tpu.memory_space<vmem>>, %arg9: memref<1x128xf32, #tpu.memory_space<vmem>>, %arg10: memref<1x128xf32, #tpu.memory_space<vmem>>, %arg11: memref<1000x128xf32, #tpu.memory_space<vmem>>, %arg12: memref<64x128xf32, #tpu.memory_space<vmem>>, %arg13: memref<64x128xf32, #tpu.memory_space<vmem>>) attributes {dimension_semantics = [#tpu.dimension_semantics<arbitrary>], iteration_bounds = array<i64: 10>, scalar_prefetch = 0 : i64, scratch_operands = 1 : i64, tpu.core_type = #tpu.core_type<tc>, window_params = [{transform_indices = @transform_0, window_bounds = array<i64: 1000, 128>}, {transform_indices = @transform_1, window_bounds = array<i64: 1000, 128>}, {transform_indices = @transform_2, window_bounds = array<i64: 1000, 128>}, {transform_indices = @transform_3, window_bounds = array<i64: 1, 1, 1000>}, {pipeline_mode = #tpu.pipeline_mode<synchronous>, transform_indices = @transform_4, window_bounds = array<i64: 128, 128>}, {pipeline_mode = #tpu.pipeline_mode<synchronous>, transform_indices = @transform_5, window_bounds = array<i64: 1, 128>}, {pipeline_mode = #tpu.pipeline_mode<synchronous>, transform_indices = @transform_6, window_bounds = array<i64: 128, 128>}, {pipeline_mode = #tpu.pipeline_mode<synchronous>, transform_indices = @transform_7, window_bounds = array<i64: 1, 128>}, {pipeline_mode = #tpu.pipeline_mode<synchronous>, transform_indices = @transform_8, window_bounds = array<i64: 1, 128>}, {pipeline_mode = #tpu.pipeline_mode<synchronous>, transform_indices = @transform_9, window_bounds = array<i64: 1, 128>}, {transform_indices = @transform_10, window_bounds = array<i64: 1000, 128>}, {pipeline_mode = #tpu.pipeline_mode<synchronous>, transform_indices = @transform_11, window_bounds = array<i64: 64, 128>}]} {
    %get3A = arith.constant 0 : index
    %get3A_0 = arith.constant 0 : index
    %get3A_1 = vector.load %arg1[%get3A, %get3A_0] : memref<1000x128xf32, #tpu.memory_space<vmem>>, vector<1000x128xf32>
    %get3A_2 = arith.constant 0 : index
    %get3A_3 = arith.constant 0 : index
    %get3A_4 = vector.load %arg2[%get3A_2, %get3A_3] : memref<1000x128xf32, #tpu.memory_space<vmem>>, vector<1000x128xf32>
    %add3A = arith.addf %get3A_1, %get3A_4 : vector<1000x128xf32>
    %get3A_5 = arith.constant 0 : index
    %get3A_6 = arith.constant 0 : index
    %get3A_7 = vector.load %arg3[%get3A_5, %get3A_6] : memref<1000x128xf32, #tpu.memory_space<vmem>>, vector<1000x128xf32>
    %add3A_8 = arith.addf %add3A, %get3A_7 : vector<1000x128xf32>
    %get3A_9 = arith.constant 0 : index
    %get3A_10 = arith.constant 0 : index
    %get3A_11 = vector.load %arg5[%get3A_9, %get3A_10] : memref<128x128xf32, #tpu.memory_space<vmem>>, vector<128x128xf32>
    %dot_general3A = arith.constant dense<0.000000e+00> : vector<1000x128xf32>
    %dot_general3A_12 = tpu.matmul %add3A_8, %get3A_11, %dot_general3A {dimension_numbers = #tpu.dot_dimension_numbers<[1], [0], [0], [1], [0, 0, 1, 1], [], []>, transpose_lhs_hint = false} : vector<1000x128xf32>, vector<128x128xf32>, vector<1000x128xf32> -> vector<1000x128xf32>
    %get3A_13 = arith.constant 0 : index
    %get3A_14 = arith.constant 0 : index
    %get3A_15 = vector.load %arg6[%get3A_13, %get3A_14] : memref<1x128xf32, #tpu.memory_space<vmem>>, vector<1x128xf32>
    %add3A_16 = vector.broadcast %get3A_15 : vector<1x128xf32> to vector<1000x128xf32>
    %add3A_17 = arith.addf %dot_general3A_12, %add3A_16 : vector<1000x128xf32>
    %max3A = arith.constant 0.000000e+00 : f32
    %max3A_18 = vector.broadcast %max3A : f32 to vector<1000x128xf32>
    %max3A_19 = arith.maximumf %add3A_17, %max3A_18 : vector<1000x128xf32>
    %get3A_20 = arith.constant 0 : index
    %get3A_21 = arith.constant 0 : index
    %get3A_22 = vector.load %arg7[%get3A_20, %get3A_21] : memref<128x128xf32, #tpu.memory_space<vmem>>, vector<128x128xf32>
    %dot_general3A_23 = arith.constant dense<0.000000e+00> : vector<1000x128xf32>
    %dot_general3A_24 = tpu.matmul %max3A_19, %get3A_22, %dot_general3A_23 {dimension_numbers = #tpu.dot_dimension_numbers<[1], [0], [0], [1], [0, 0, 1, 1], [], []>, transpose_lhs_hint = false} : vector<1000x128xf32>, vector<128x128xf32>, vector<1000x128xf32> -> vector<1000x128xf32>
    %get3A_25 = arith.constant 0 : index
    %get3A_26 = arith.constant 0 : index
    %get3A_27 = vector.load %arg8[%get3A_25, %get3A_26] : memref<1x128xf32, #tpu.memory_space<vmem>>, vector<1x128xf32>
    %add3A_28 = vector.broadcast %get3A_27 : vector<1x128xf32> to vector<1000x128xf32>
    %add3A_29 = arith.addf %dot_general3A_24, %add3A_28 : vector<1000x128xf32>
    %get3A_30 = arith.constant 0 : index
    %get3A_31 = arith.constant 0 : index
    %get3A_32 = vector.load %arg9[%get3A_30, %get3A_31] : memref<1x128xf32, #tpu.memory_space<vmem>>, vector<1x128xf32>
    %mul3A = vector.broadcast %get3A_32 : vector<1x128xf32> to vector<1000x128xf32>
    %mul3A_33 = arith.mulf %add3A_29, %mul3A : vector<1000x128xf32>
    %get3A_34 = arith.constant 0 : index
    %get3A_35 = arith.constant 0 : index
    %get3A_36 = vector.load %arg10[%get3A_34, %get3A_35] : memref<1x128xf32, #tpu.memory_space<vmem>>, vector<1x128xf32>
    %add3A_37 = vector.broadcast %get3A_36 : vector<1x128xf32> to vector<1000x128xf32>
    %add3A_38 = arith.addf %mul3A_33, %add3A_37 : vector<1000x128xf32>
    %max3A_39 = arith.constant 0.000000e+00 : f32
    %max3A_40 = vector.broadcast %max3A_39 : f32 to vector<1000x128xf32>
    %max3A_41 = arith.maximumf %add3A_38, %max3A_40 : vector<1000x128xf32>
    %swap3A = arith.constant 0 : index
    %swap3A_42 = arith.constant 0 : index
    %swap3A_43 = vector.load %arg11[%swap3A, %swap3A_42] : memref<1000x128xf32, #tpu.memory_space<vmem>>, vector<1000x128xf32>
    tpu.vector_store %arg11[%swap3A, %swap3A_42], %max3A_41 {strides = array<i32>} : memref<1000x128xf32, #tpu.memory_space<vmem>>, vector<1000x128xf32>,
    %get3A_44 = arith.constant 0 : index
    %get3A_45 = arith.constant 0 : index
    %get3A_46 = arith.constant 0 : index
    %get3A_47 = vector.load %arg4[%get3A_44, %get3A_45, %get3A_46] : memref<1x1x1000xi32, #tpu.memory_space<vmem>>, vector<1x1x1000xi32>
    %get3A_48 = vector.shape_cast %get3A_47 : vector<1x1x1000xi32> to vector<1000xi32>
    %iota3A = tpu.iota {dimensions = array<i32: 0>} : vector<64x1000xi32>
    %broadcast_in_dim3A = vector.shape_cast %get3A_48 : vector<1000xi32> to vector<1x1000xi32>
    %eq3A = vector.broadcast %broadcast_in_dim3A : vector<1x1000xi32> to vector<64x1000xi32>
    %eq3A_49 = arith.cmpi eq, %iota3A, %eq3A : vector<64x1000xi32>
    %convert_element_type3A = arith.extui %eq3A_49 : vector<64x1000xi1> to vector<64x1000xi32>
    %convert_element_type3A_50 = arith.sitofp %convert_element_type3A : vector<64x1000xi32> to vector<64x1000xf32>
    %dot_general3A_51 = arith.constant dense<0.000000e+00> : vector<64x128xf32>
    %dot_general3A_52 = tpu.matmul %convert_element_type3A_50, %max3A_41, %dot_general3A_51 {dimension_numbers = #tpu.dot_dimension_numbers<[1], [0], [0], [1], [0, 0, 1, 1], [], []>, precision = #tpu.contract_precision<fp32>, transpose_lhs_hint = false} : vector<64x1000xf32>, vector<1000x128xf32>, vector<64x128xf32> -> vector<64x128xf32>
    %eq3A_53 = arith.constant 0 : i32
    %eq3A_54 = arith.cmpi eq, %arg0, %eq3A_53 : i32
    %convert_element_type3A_55 = arith.extui %eq3A_54 : i1 to i32
    %cond3A = arith.constant 0 : i32
    %cond3A_56 = arith.cmpi ne, %convert_element_type3A_55, %cond3A : i32
    scf.if %cond3A_56 {
      %broadcast_in_dim3A_69 = arith.constant 0.000000e+00 : f32
      %broadcast_in_dim3A_70 = vector.broadcast %broadcast_in_dim3A_69 : f32 to vector<64x128xf32>
      %swap3A_71 = arith.constant 0 : index
      %swap3A_72 = arith.constant 0 : index
      %swap3A_73 = vector.load %arg13[%swap3A_71, %swap3A_72] : memref<64x128xf32, #tpu.memory_space<vmem>>, vector<64x128xf32>
      tpu.vector_store %arg13[%swap3A_71, %swap3A_72], %broadcast_in_dim3A_70 {strides = array<i32>} : memref<64x128xf32, #tpu.memory_space<vmem>>, vector<64x128xf32>,
    } else {
    }
    %get3A_57 = arith.constant 0 : index
    %get3A_58 = arith.constant 0 : index
    %get3A_59 = vector.load %arg13[%get3A_57, %get3A_58] : memref<64x128xf32, #tpu.memory_space<vmem>>, vector<64x128xf32>
    %add3A_60 = arith.addf %get3A_59, %dot_general3A_52 : vector<64x128xf32>
    %swap3A_61 = arith.constant 0 : index
    %swap3A_62 = arith.constant 0 : index
    %swap3A_63 = vector.load %arg13[%swap3A_61, %swap3A_62] : memref<64x128xf32, #tpu.memory_space<vmem>>, vector<64x128xf32>
    tpu.vector_store %arg13[%swap3A_61, %swap3A_62], %add3A_60 {strides = array<i32>} : memref<64x128xf32, #tpu.memory_space<vmem>>, vector<64x128xf32>,
    %eq3A_64 = arith.constant 9 : i32
    %eq3A_65 = arith.cmpi eq, %arg0, %eq3A_64 : i32
    %convert_element_type3A_66 = arith.extui %eq3A_65 : i1 to i32
    %cond3A_67 = arith.constant 0 : i32
    %cond3A_68 = arith.cmpi ne, %convert_element_type3A_66, %cond3A_67 : i32
    scf.if %cond3A_68 {
      %get3A_69 = arith.constant 0 : index
      %get3A_70 = arith.constant 0 : index
      %get3A_71 = vector.load %arg13[%get3A_69, %get3A_70] : memref<64x128xf32, #tpu.memory_space<vmem>>, vector<64x128xf32>
      %swap3A_72 = arith.constant 0 : index
      %swap3A_73 = arith.constant 0 : index
      %swap3A_74 = vector.load %arg12[%swap3A_72, %swap3A_73] : memref<64x128xf32, #tpu.memory_space<vmem>>, vector<64x128xf32>
      tpu.vector_store %arg12[%swap3A_72, %swap3A_73], %get3A_71 {strides = array<i32>} : memref<64x128xf32, #tpu.memory_space<vmem>>, vector<64x128xf32>,
    } else {
    }
    return
  }
  func.func @transform_0(%arg0: i32) -> (i32, i32) {
    %c0_i32 = arith.constant 0 : i32
    %c0_i32_0 = arith.constant 0 : i32
    return %arg0, %c0_i32 : i32, i32
  }
  func.func @transform_1(%arg0: i32) -> (i32, i32) {
    %c0_i32 = arith.constant 0 : i32
    %c0_i32_0 = arith.constant 0 : i32
    return %arg0, %c0_i32 : i32, i32
  }
  func.func @transform_2(%arg0: i32) -> (i32, i32) {
    %c0_i32 = arith.constant 0 : i32
    %c0_i32_0 = arith.constant 0 : i32
    return %arg0, %c0_i32 : i32, i32
  }
  func.func @transform_3(%arg0: i32) -> (i32, i32, i32) {
    %c0_i32 = arith.constant 0 : i32
    %c0_i32_0 = arith.constant 0 : i32
    %c0_i32_1 = arith.constant 0 : i32
    return %arg0, %c0_i32, %c0_i32_0 : i32, i32, i32
  }
  func.func @transform_4(%arg0: i32) -> (i32, i32) {
    %c0_i32 = arith.constant 0 : i32
    %c0_i32_0 = arith.constant 0 : i32
    %c0_i32_1 = arith.constant 0 : i32
    return %c0_i32, %c0_i32_0 : i32, i32
  }
  func.func @transform_5(%arg0: i32) -> (i32, i32) {
    %c0_i32 = arith.constant 0 : i32
    %c0_i32_0 = arith.constant 0 : i32
    %c0_i32_1 = arith.constant 0 : i32
    return %c0_i32, %c0_i32_0 : i32, i32
  }
  func.func @transform_6(%arg0: i32) -> (i32, i32) {
    %c0_i32 = arith.constant 0 : i32
    %c0_i32_0 = arith.constant 0 : i32
    %c0_i32_1 = arith.constant 0 : i32
    return %c0_i32, %c0_i32_0 : i32, i32
  }
  func.func @transform_7(%arg0: i32) -> (i32, i32) {
    %c0_i32 = arith.constant 0 : i32
    %c0_i32_0 = arith.constant 0 : i32
    %c0_i32_1 = arith.constant 0 : i32
    return %c0_i32, %c0_i32_0 : i32, i32
  }
  func.func @transform_8(%arg0: i32) -> (i32, i32) {
    %c0_i32 = arith.constant 0 : i32
    %c0_i32_0 = arith.constant 0 : i32
    %c0_i32_1 = arith.constant 0 : i32
    return %c0_i32, %c0_i32_0 : i32, i32
  }
  func.func @transform_9(%arg0: i32) -> (i32, i32) {
    %c0_i32 = arith.constant 0 : i32
    %c0_i32_0 = arith.constant 0 : i32
    %c0_i32_1 = arith.constant 0 : i32
    return %c0_i32, %c0_i32_0 : i32, i32
  }
  func.func @transform_10(%arg0: i32) -> (i32, i32) {
    %c0_i32 = arith.constant 0 : i32
    %c0_i32_0 = arith.constant 0 : i32
    return %arg0, %c0_i32 : i32, i32
  }
  func.func @transform_11(%arg0: i32) -> (i32, i32) {
    %c0_i32 = arith.constant 0 : i32
    %c0_i32_0 = arith.constant 0 : i32
    %c0_i32_1 = arith.constant 0 : i32
    return %c0_i32, %c0_i32_0 : i32, i32
  }
}

module attributes {stable_mosaic.version = 14 : i64} {
  func.func @_head_body(%arg0: memref<3x64x128xf32, #tpu.memory_space<vmem>>, %arg1: memref<10x1x1000xi32, #tpu.memory_space<vmem>>, %arg2: memref<384x64xf32, #tpu.memory_space<vmem>>, %arg3: memref<1x64xf32, #tpu.memory_space<vmem>>, %arg4: memref<64x1xf32, #tpu.memory_space<vmem>>, %arg5: memref<1x1xf32, #tpu.memory_space<vmem>>, %arg6: memref<64x1xf32, #tpu.memory_space<vmem>>) attributes {dimension_semantics = [], scalar_prefetch = 0 : i64, scratch_operands = 0 : i64, tpu.core_type = #tpu.core_type<tc>} {
    %broadcast_in_dim3A = arith.constant 0.000000e+00 : f32
    %broadcast_in_dim3A_0 = vector.broadcast %broadcast_in_dim3A : f32 to vector<64x1xf32>
    %get3A = arith.constant 0 : index
    %get3A_1 = arith.constant 0 : index
    %get3A_2 = arith.constant 0 : index
    %get3A_3 = vector.load %arg1[%get3A, %get3A_1, %get3A_2] : memref<10x1x1000xi32, #tpu.memory_space<vmem>>, vector<1x1x1000xi32>
    %get3A_4 = vector.shape_cast %get3A_3 : vector<1x1x1000xi32> to vector<1000xi32>
    %iota3A = tpu.iota {dimensions = array<i32: 0>} : vector<64x1000xi32>
    %broadcast_in_dim3A_5 = vector.shape_cast %get3A_4 : vector<1000xi32> to vector<1x1000xi32>
    %eq3A = vector.broadcast %broadcast_in_dim3A_5 : vector<1x1000xi32> to vector<64x1000xi32>
    %eq3A_6 = arith.cmpi eq, %iota3A, %eq3A : vector<64x1000xi32>
    %convert_element_type3A = arith.extui %eq3A_6 : vector<64x1000xi1> to vector<64x1000xi32>
    %convert_element_type3A_7 = arith.sitofp %convert_element_type3A : vector<64x1000xi32> to vector<64x1000xf32>
    %reduce_sum3A = arith.constant dense<0.000000e+00> : vector<64xf32>
    %reduce_sum3A_8 = vector.multi_reduction <add>, %convert_element_type3A_7, %reduce_sum3A [1] : vector<64x1000xf32> to vector<64xf32>
    %broadcast_in_dim3A_9 = vector.shape_cast %reduce_sum3A_8 : vector<64xf32> to vector<64x1xf32>
    %add3A = arith.addf %broadcast_in_dim3A_0, %broadcast_in_dim3A_9 : vector<64x1xf32>
    %get3A_10 = arith.constant 1 : index
    %get3A_11 = arith.constant 0 : index
    %get3A_12 = arith.constant 0 : index
    %get3A_13 = vector.load %arg1[%get3A_10, %get3A_11, %get3A_12] : memref<10x1x1000xi32, #tpu.memory_space<vmem>>, vector<1x1x1000xi32>
    %get3A_14 = vector.shape_cast %get3A_13 : vector<1x1x1000xi32> to vector<1000xi32>
    %iota3A_15 = tpu.iota {dimensions = array<i32: 0>} : vector<64x1000xi32>
    %broadcast_in_dim3A_16 = vector.shape_cast %get3A_14 : vector<1000xi32> to vector<1x1000xi32>
    %eq3A_17 = vector.broadcast %broadcast_in_dim3A_16 : vector<1x1000xi32> to vector<64x1000xi32>
    %eq3A_18 = arith.cmpi eq, %iota3A_15, %eq3A_17 : vector<64x1000xi32>
    %convert_element_type3A_19 = arith.extui %eq3A_18 : vector<64x1000xi1> to vector<64x1000xi32>
    %convert_element_type3A_20 = arith.sitofp %convert_element_type3A_19 : vector<64x1000xi32> to vector<64x1000xf32>
    %reduce_sum3A_21 = arith.constant dense<0.000000e+00> : vector<64xf32>
    %reduce_sum3A_22 = vector.multi_reduction <add>, %convert_element_type3A_20, %reduce_sum3A_21 [1] : vector<64x1000xf32> to vector<64xf32>
    %broadcast_in_dim3A_23 = vector.shape_cast %reduce_sum3A_22 : vector<64xf32> to vector<64x1xf32>
    %add3A_24 = arith.addf %add3A, %broadcast_in_dim3A_23 : vector<64x1xf32>
    %get3A_25 = arith.constant 2 : index
    %get3A_26 = arith.constant 0 : index
    %get3A_27 = arith.constant 0 : index
    %get3A_28 = vector.load %arg1[%get3A_25, %get3A_26, %get3A_27] : memref<10x1x1000xi32, #tpu.memory_space<vmem>>, vector<1x1x1000xi32>
    %get3A_29 = vector.shape_cast %get3A_28 : vector<1x1x1000xi32> to vector<1000xi32>
    %iota3A_30 = tpu.iota {dimensions = array<i32: 0>} : vector<64x1000xi32>
    %broadcast_in_dim3A_31 = vector.shape_cast %get3A_29 : vector<1000xi32> to vector<1x1000xi32>
    %eq3A_32 = vector.broadcast %broadcast_in_dim3A_31 : vector<1x1000xi32> to vector<64x1000xi32>
    %eq3A_33 = arith.cmpi eq, %iota3A_30, %eq3A_32 : vector<64x1000xi32>
    %convert_element_type3A_34 = arith.extui %eq3A_33 : vector<64x1000xi1> to vector<64x1000xi32>
    %convert_element_type3A_35 = arith.sitofp %convert_element_type3A_34 : vector<64x1000xi32> to vector<64x1000xf32>
    %reduce_sum3A_36 = arith.constant dense<0.000000e+00> : vector<64xf32>
    %reduce_sum3A_37 = vector.multi_reduction <add>, %convert_element_type3A_35, %reduce_sum3A_36 [1] : vector<64x1000xf32> to vector<64xf32>
    %broadcast_in_dim3A_38 = vector.shape_cast %reduce_sum3A_37 : vector<64xf32> to vector<64x1xf32>
    %add3A_39 = arith.addf %add3A_24, %broadcast_in_dim3A_38 : vector<64x1xf32>
    %get3A_40 = arith.constant 3 : index
    %get3A_41 = arith.constant 0 : index
    %get3A_42 = arith.constant 0 : index
    %get3A_43 = vector.load %arg1[%get3A_40, %get3A_41, %get3A_42] : memref<10x1x1000xi32, #tpu.memory_space<vmem>>, vector<1x1x1000xi32>
    %get3A_44 = vector.shape_cast %get3A_43 : vector<1x1x1000xi32> to vector<1000xi32>
    %iota3A_45 = tpu.iota {dimensions = array<i32: 0>} : vector<64x1000xi32>
    %broadcast_in_dim3A_46 = vector.shape_cast %get3A_44 : vector<1000xi32> to vector<1x1000xi32>
    %eq3A_47 = vector.broadcast %broadcast_in_dim3A_46 : vector<1x1000xi32> to vector<64x1000xi32>
    %eq3A_48 = arith.cmpi eq, %iota3A_45, %eq3A_47 : vector<64x1000xi32>
    %convert_element_type3A_49 = arith.extui %eq3A_48 : vector<64x1000xi1> to vector<64x1000xi32>
    %convert_element_type3A_50 = arith.sitofp %convert_element_type3A_49 : vector<64x1000xi32> to vector<64x1000xf32>
    %reduce_sum3A_51 = arith.constant dense<0.000000e+00> : vector<64xf32>
    %reduce_sum3A_52 = vector.multi_reduction <add>, %convert_element_type3A_50, %reduce_sum3A_51 [1] : vector<64x1000xf32> to vector<64xf32>
    %broadcast_in_dim3A_53 = vector.shape_cast %reduce_sum3A_52 : vector<64xf32> to vector<64x1xf32>
    %add3A_54 = arith.addf %add3A_39, %broadcast_in_dim3A_53 : vector<64x1xf32>
    %get3A_55 = arith.constant 4 : index
    %get3A_56 = arith.constant 0 : index
    %get3A_57 = arith.constant 0 : index
    %get3A_58 = vector.load %arg1[%get3A_55, %get3A_56, %get3A_57] : memref<10x1x1000xi32, #tpu.memory_space<vmem>>, vector<1x1x1000xi32>
    %get3A_59 = vector.shape_cast %get3A_58 : vector<1x1x1000xi32> to vector<1000xi32>
    %iota3A_60 = tpu.iota {dimensions = array<i32: 0>} : vector<64x1000xi32>
    %broadcast_in_dim3A_61 = vector.shape_cast %get3A_59 : vector<1000xi32> to vector<1x1000xi32>
    %eq3A_62 = vector.broadcast %broadcast_in_dim3A_61 : vector<1x1000xi32> to vector<64x1000xi32>
    %eq3A_63 = arith.cmpi eq, %iota3A_60, %eq3A_62 : vector<64x1000xi32>
    %convert_element_type3A_64 = arith.extui %eq3A_63 : vector<64x1000xi1> to vector<64x1000xi32>
    %convert_element_type3A_65 = arith.sitofp %convert_element_type3A_64 : vector<64x1000xi32> to vector<64x1000xf32>
    %reduce_sum3A_66 = arith.constant dense<0.000000e+00> : vector<64xf32>
    %reduce_sum3A_67 = vector.multi_reduction <add>, %convert_element_type3A_65, %reduce_sum3A_66 [1] : vector<64x1000xf32> to vector<64xf32>
    %broadcast_in_dim3A_68 = vector.shape_cast %reduce_sum3A_67 : vector<64xf32> to vector<64x1xf32>
    %add3A_69 = arith.addf %add3A_54, %broadcast_in_dim3A_68 : vector<64x1xf32>
    %get3A_70 = arith.constant 5 : index
    %get3A_71 = arith.constant 0 : index
    %get3A_72 = arith.constant 0 : index
    %get3A_73 = vector.load %arg1[%get3A_70, %get3A_71, %get3A_72] : memref<10x1x1000xi32, #tpu.memory_space<vmem>>, vector<1x1x1000xi32>
    %get3A_74 = vector.shape_cast %get3A_73 : vector<1x1x1000xi32> to vector<1000xi32>
    %iota3A_75 = tpu.iota {dimensions = array<i32: 0>} : vector<64x1000xi32>
    %broadcast_in_dim3A_76 = vector.shape_cast %get3A_74 : vector<1000xi32> to vector<1x1000xi32>
    %eq3A_77 = vector.broadcast %broadcast_in_dim3A_76 : vector<1x1000xi32> to vector<64x1000xi32>
    %eq3A_78 = arith.cmpi eq, %iota3A_75, %eq3A_77 : vector<64x1000xi32>
    %convert_element_type3A_79 = arith.extui %eq3A_78 : vector<64x1000xi1> to vector<64x1000xi32>
    %convert_element_type3A_80 = arith.sitofp %convert_element_type3A_79 : vector<64x1000xi32> to vector<64x1000xf32>
    %reduce_sum3A_81 = arith.constant dense<0.000000e+00> : vector<64xf32>
    %reduce_sum3A_82 = vector.multi_reduction <add>, %convert_element_type3A_80, %reduce_sum3A_81 [1] : vector<64x1000xf32> to vector<64xf32>
    %broadcast_in_dim3A_83 = vector.shape_cast %reduce_sum3A_82 : vector<64xf32> to vector<64x1xf32>
    %add3A_84 = arith.addf %add3A_69, %broadcast_in_dim3A_83 : vector<64x1xf32>
    %get3A_85 = arith.constant 6 : index
    %get3A_86 = arith.constant 0 : index
    %get3A_87 = arith.constant 0 : index
    %get3A_88 = vector.load %arg1[%get3A_85, %get3A_86, %get3A_87] : memref<10x1x1000xi32, #tpu.memory_space<vmem>>, vector<1x1x1000xi32>
    %get3A_89 = vector.shape_cast %get3A_88 : vector<1x1x1000xi32> to vector<1000xi32>
    %iota3A_90 = tpu.iota {dimensions = array<i32: 0>} : vector<64x1000xi32>
    %broadcast_in_dim3A_91 = vector.shape_cast %get3A_89 : vector<1000xi32> to vector<1x1000xi32>
    %eq3A_92 = vector.broadcast %broadcast_in_dim3A_91 : vector<1x1000xi32> to vector<64x1000xi32>
    %eq3A_93 = arith.cmpi eq, %iota3A_90, %eq3A_92 : vector<64x1000xi32>
    %convert_element_type3A_94 = arith.extui %eq3A_93 : vector<64x1000xi1> to vector<64x1000xi32>
    %convert_element_type3A_95 = arith.sitofp %convert_element_type3A_94 : vector<64x1000xi32> to vector<64x1000xf32>
    %reduce_sum3A_96 = arith.constant dense<0.000000e+00> : vector<64xf32>
    %reduce_sum3A_97 = vector.multi_reduction <add>, %convert_element_type3A_95, %reduce_sum3A_96 [1] : vector<64x1000xf32> to vector<64xf32>
    %broadcast_in_dim3A_98 = vector.shape_cast %reduce_sum3A_97 : vector<64xf32> to vector<64x1xf32>
    %add3A_99 = arith.addf %add3A_84, %broadcast_in_dim3A_98 : vector<64x1xf32>
    %get3A_100 = arith.constant 7 : index
    %get3A_101 = arith.constant 0 : index
    %get3A_102 = arith.constant 0 : index
    %get3A_103 = vector.load %arg1[%get3A_100, %get3A_101, %get3A_102] : memref<10x1x1000xi32, #tpu.memory_space<vmem>>, vector<1x1x1000xi32>
    %get3A_104 = vector.shape_cast %get3A_103 : vector<1x1x1000xi32> to vector<1000xi32>
    %iota3A_105 = tpu.iota {dimensions = array<i32: 0>} : vector<64x1000xi32>
    %broadcast_in_dim3A_106 = vector.shape_cast %get3A_104 : vector<1000xi32> to vector<1x1000xi32>
    %eq3A_107 = vector.broadcast %broadcast_in_dim3A_106 : vector<1x1000xi32> to vector<64x1000xi32>
    %eq3A_108 = arith.cmpi eq, %iota3A_105, %eq3A_107 : vector<64x1000xi32>
    %convert_element_type3A_109 = arith.extui %eq3A_108 : vector<64x1000xi1> to vector<64x1000xi32>
    %convert_element_type3A_110 = arith.sitofp %convert_element_type3A_109 : vector<64x1000xi32> to vector<64x1000xf32>
    %reduce_sum3A_111 = arith.constant dense<0.000000e+00> : vector<64xf32>
    %reduce_sum3A_112 = vector.multi_reduction <add>, %convert_element_type3A_110, %reduce_sum3A_111 [1] : vector<64x1000xf32> to vector<64xf32>
    %broadcast_in_dim3A_113 = vector.shape_cast %reduce_sum3A_112 : vector<64xf32> to vector<64x1xf32>
    %add3A_114 = arith.addf %add3A_99, %broadcast_in_dim3A_113 : vector<64x1xf32>
    %get3A_115 = arith.constant 8 : index
    %get3A_116 = arith.constant 0 : index
    %get3A_117 = arith.constant 0 : index
    %get3A_118 = vector.load %arg1[%get3A_115, %get3A_116, %get3A_117] : memref<10x1x1000xi32, #tpu.memory_space<vmem>>, vector<1x1x1000xi32>
    %get3A_119 = vector.shape_cast %get3A_118 : vector<1x1x1000xi32> to vector<1000xi32>
    %iota3A_120 = tpu.iota {dimensions = array<i32: 0>} : vector<64x1000xi32>
    %broadcast_in_dim3A_121 = vector.shape_cast %get3A_119 : vector<1000xi32> to vector<1x1000xi32>
    %eq3A_122 = vector.broadcast %broadcast_in_dim3A_121 : vector<1x1000xi32> to vector<64x1000xi32>
    %eq3A_123 = arith.cmpi eq, %iota3A_120, %eq3A_122 : vector<64x1000xi32>
    %convert_element_type3A_124 = arith.extui %eq3A_123 : vector<64x1000xi1> to vector<64x1000xi32>
    %convert_element_type3A_125 = arith.sitofp %convert_element_type3A_124 : vector<64x1000xi32> to vector<64x1000xf32>
    %reduce_sum3A_126 = arith.constant dense<0.000000e+00> : vector<64xf32>
    %reduce_sum3A_127 = vector.multi_reduction <add>, %convert_element_type3A_125, %reduce_sum3A_126 [1] : vector<64x1000xf32> to vector<64xf32>
    %broadcast_in_dim3A_128 = vector.shape_cast %reduce_sum3A_127 : vector<64xf32> to vector<64x1xf32>
    %add3A_129 = arith.addf %add3A_114, %broadcast_in_dim3A_128 : vector<64x1xf32>
    %get3A_130 = arith.constant 9 : index
    %get3A_131 = arith.constant 0 : index
    %get3A_132 = arith.constant 0 : index
    %get3A_133 = vector.load %arg1[%get3A_130, %get3A_131, %get3A_132] : memref<10x1x1000xi32, #tpu.memory_space<vmem>>, vector<1x1x1000xi32>
    %get3A_134 = vector.shape_cast %get3A_133 : vector<1x1x1000xi32> to vector<1000xi32>
    %iota3A_135 = tpu.iota {dimensions = array<i32: 0>} : vector<64x1000xi32>
    %broadcast_in_dim3A_136 = vector.shape_cast %get3A_134 : vector<1000xi32> to vector<1x1000xi32>
    %eq3A_137 = vector.broadcast %broadcast_in_dim3A_136 : vector<1x1000xi32> to vector<64x1000xi32>
    %eq3A_138 = arith.cmpi eq, %iota3A_135, %eq3A_137 : vector<64x1000xi32>
    %convert_element_type3A_139 = arith.extui %eq3A_138 : vector<64x1000xi1> to vector<64x1000xi32>
    %convert_element_type3A_140 = arith.sitofp %convert_element_type3A_139 : vector<64x1000xi32> to vector<64x1000xf32>
    %reduce_sum3A_141 = arith.constant dense<0.000000e+00> : vector<64xf32>
    %reduce_sum3A_142 = vector.multi_reduction <add>, %convert_element_type3A_140, %reduce_sum3A_141 [1] : vector<64x1000xf32> to vector<64xf32>
    %broadcast_in_dim3A_143 = vector.shape_cast %reduce_sum3A_142 : vector<64xf32> to vector<64x1xf32>
    %add3A_144 = arith.addf %add3A_129, %broadcast_in_dim3A_143 : vector<64x1xf32>
    %max3A = arith.constant 1.000000e+00 : f32
    %max3A_145 = vector.broadcast %max3A : f32 to vector<64x1xf32>
    %max3A_146 = arith.maximumf %add3A_144, %max3A_145 : vector<64x1xf32>
    %get3A_147 = arith.constant 0 : index
    %get3A_148 = arith.constant 0 : index
    %get3A_149 = arith.constant 0 : index
    %get3A_150 = vector.load %arg0[%get3A_147, %get3A_148, %get3A_149] : memref<3x64x128xf32, #tpu.memory_space<vmem>>, vector<1x64x128xf32>
    %get3A_151 = vector.shape_cast %get3A_150 : vector<1x64x128xf32> to vector<64x128xf32>
    %div3A = vector.broadcast %max3A_146 : vector<64x1xf32> to vector<64x128xf32>
    %div3A_152 = arith.divf %get3A_151, %div3A : vector<64x128xf32>
    %get3A_153 = arith.constant 1 : index
    %get3A_154 = arith.constant 0 : index
    %get3A_155 = arith.constant 0 : index
    %get3A_156 = vector.load %arg0[%get3A_153, %get3A_154, %get3A_155] : memref<3x64x128xf32, #tpu.memory_space<vmem>>, vector<1x64x128xf32>
    %get3A_157 = vector.shape_cast %get3A_156 : vector<1x64x128xf32> to vector<64x128xf32>
    %div3A_158 = vector.broadcast %max3A_146 : vector<64x1xf32> to vector<64x128xf32>
    %div3A_159 = arith.divf %get3A_157, %div3A_158 : vector<64x128xf32>
    %get3A_160 = arith.constant 2 : index
    %get3A_161 = arith.constant 0 : index
    %get3A_162 = arith.constant 0 : index
    %get3A_163 = vector.load %arg0[%get3A_160, %get3A_161, %get3A_162] : memref<3x64x128xf32, #tpu.memory_space<vmem>>, vector<1x64x128xf32>
    %get3A_164 = vector.shape_cast %get3A_163 : vector<1x64x128xf32> to vector<64x128xf32>
    %div3A_165 = vector.broadcast %max3A_146 : vector<64x1xf32> to vector<64x128xf32>
    %div3A_166 = arith.divf %get3A_164, %div3A_165 : vector<64x128xf32>
    %concatenate3A = tpu.concatenate %div3A_152, %div3A_159, %div3A_166 in 1 : vector<64x128xf32>, vector<64x128xf32>, vector<64x128xf32> -> vector<64x384xf32>
    %get3A_167 = arith.constant 0 : index
    %get3A_168 = arith.constant 0 : index
    %get3A_169 = vector.load %arg2[%get3A_167, %get3A_168] : memref<384x64xf32, #tpu.memory_space<vmem>>, vector<384x64xf32>
    %dot_general3A = arith.constant dense<0.000000e+00> : vector<64x64xf32>
    %dot_general3A_170 = tpu.matmul %concatenate3A, %get3A_169, %dot_general3A {dimension_numbers = #tpu.dot_dimension_numbers<[1], [0], [0], [1], [0, 0, 1, 1], [], []>, transpose_lhs_hint = false} : vector<64x384xf32>, vector<384x64xf32>, vector<64x64xf32> -> vector<64x64xf32>
    %get3A_171 = arith.constant 0 : index
    %get3A_172 = arith.constant 0 : index
    %get3A_173 = vector.load %arg3[%get3A_171, %get3A_172] : memref<1x64xf32, #tpu.memory_space<vmem>>, vector<1x64xf32>
    %add3A_174 = vector.broadcast %get3A_173 : vector<1x64xf32> to vector<64x64xf32>
    %add3A_175 = arith.addf %dot_general3A_170, %add3A_174 : vector<64x64xf32>
    %max3A_176 = arith.constant 0.000000e+00 : f32
    %max3A_177 = vector.broadcast %max3A_176 : f32 to vector<64x64xf32>
    %max3A_178 = arith.maximumf %add3A_175, %max3A_177 : vector<64x64xf32>
    %get3A_179 = arith.constant 0 : index
    %get3A_180 = arith.constant 0 : index
    %get3A_181 = vector.load %arg4[%get3A_179, %get3A_180] : memref<64x1xf32, #tpu.memory_space<vmem>>, vector<64x1xf32>
    %dot_general3A_182 = arith.constant dense<0.000000e+00> : vector<64x1xf32>
    %dot_general3A_183 = tpu.matmul %max3A_178, %get3A_181, %dot_general3A_182 {dimension_numbers = #tpu.dot_dimension_numbers<[1], [0], [0], [1], [0, 0, 1, 1], [], []>, transpose_lhs_hint = false} : vector<64x64xf32>, vector<64x1xf32>, vector<64x1xf32> -> vector<64x1xf32>
    %get3A_184 = arith.constant 0 : index
    %get3A_185 = arith.constant 0 : index
    %get3A_186 = vector.load %arg5[%get3A_184, %get3A_185] : memref<1x1xf32, #tpu.memory_space<vmem>>, vector<1x1xf32>
    %add3A_187 = vector.broadcast %get3A_186 : vector<1x1xf32> to vector<64x1xf32>
    %add3A_188 = arith.addf %dot_general3A_183, %add3A_187 : vector<64x1xf32>
    %swap3A = arith.constant 0 : index
    %swap3A_189 = arith.constant 0 : index
    %swap3A_190 = vector.load %arg6[%swap3A, %swap3A_189] : memref<64x1xf32, #tpu.memory_space<vmem>>, vector<64x1xf32>
    tpu.vector_store %arg6[%swap3A, %swap3A_189], %add3A_188 {strides = array<i32>} : memref<64x1xf32, #tpu.memory_space<vmem>>, vector<64x1xf32>,
    return
  }
}

</mosaic_0001>

<sc_bundles>
// kernel: kernel.10.cloned.1.call-start
scs
__scs_entry_jumppad:
0x0: {  	(pc) =	sbr.rel $0x88, $3  }
0x1: {  	(tag) =	ssettag $0x0;
	lr =	simm.s32 $0x1  }
0x2: {  	[smem:$0x3F90] =	sst lr;
	_ =	strace $0xD0000000  }
0x3: {  	_ = 	snop  }
0x4: {  	_ = 	snop  }
0x5: {  	_ = 	snop  }
0x6: {  	_ = 	snop  }
0x7: {  	_ = 	snop  }
__scs_overlays_trampoline_lowered:
0x8: {  	[smem:$0x3F9F] =	sst s0  }
0x9: {  	[smem:$0x3FA0] =	sst s1  }
0xa: {  	[smem:$0x3FA1] =	sst s2  }
0xb: {  	[smem:$0x3FA2] =	sst s3  }
0xc: {  	[smem:$0x3FA3] =	sst s4  }
0xd: {  	[smem:$0x3FA4] =	sst s5  }
0xe: {  	[smem:$0x3FA5] =	sst s6  }
0xf: {  	[smem:$0x3FA6] =	sst s7  }
0x10: {  	[smem:$0x3FA7] =	sst s8  }
0x11: {  	[smem:$0x3FA8] =	sst s9;
	s0 =	simm.s32 @!p0 $0x0  }
0x12: {  	s1 =	sld [smem:$0x3F8E];
	s0 =	simm.s32 @p0 $0x1  }
0x13: {  	[smem:$0x3FA9] =	sst s0;
	s0 =	simm.s32 @!p1 $0x0  }
0x14: {  	s2 =	sld [smem:$0x3F8D];
	s0 =	simm.s32 @p1 $0x1  }
0x15: {  	[smem:$0x3FAA] =	sst s0;
	s0 =	simm.s32 @!p2 $0x0  }
0x16: {  	s3 =	sld [smem:$0x3FDB];
	s0 =	simm.s32 @p2 $0x1  }
0x17: {  	s4 =	simm.s32 $0x1BF5;
	[smem:$0x3FAC] =	sst s0  }
0x18: {  	s0 =	sld [smem:$0x3F8F];
	_ =	swait.ge [sflag:s4], $0x0  }
0x19: {  	s7 =	sld [smem:$0x3F90]  }
0x1a: {  	s8 =	sadd.s32 $0xFFFFE003, lr  }
0x1b: {  	s9 =	sadd.s32 $0xFFFFFEF7, lr;
	s5 =	simm.s32 $0xFFFFFFFF;
	p2 =	slt.u32 s8, $0xFFFFF086  }
0x1c: {  	p1 =	slt.u32 s9, $0xF7A;
	s5 =	simm.s32 @!p2 $0x0  }
0x1d: {  	s5 =	simm.s32 @p1 $0x1;
	p0 =	seq.s32 s7, s2  }
0x1e: {  	s7 =	smul.u32 @!p0 $0xF7A, s2;
	p2 =	seq.s32 @!p0 s5, $0x0  }
0x1f: {  	s9 =	smul.u32 $0xF7A, s1;
	s8 =	simm.s32 @!p0 $0x1BF5;
	p2 =	por !p2, p0  }
0x20: {  	[sflag:s8] =	ssyncset.s32 @!p0 $0xFFFFF086;
	s6 =	sadd.s32 @!p0 s3, s7;
	s7 =	simm.s32 @!p0 $0x108  }
0x21: {  	s3 =	sadd.s32 s3, s9;
	s6 =	sadd.s32 @!p0 $0x88, s6;
	s7 =	simm.s32 @p2 $0x1082  }
0x22: {  	[simem:s7], [sflag:s8] =	dma.local @!p0 [hbm:s6], $0xF7A  }
0x23: {  	s9 =	sor.u32 $0xD0000000, s2;
	s6 =	simm.s32 $0x108;
	_ =	swait.ge @!p0 [sflag:s8], $0x0  }
0x24: {  	s3 =	sadd.s32 $0x88, s3;
	s6 =	simm.s32 @!p1 $0x1082;
	[sflag:s4] =	ssyncset.s32 $0xFFFFF086  }
0x25: {  	[simem:s6], [sflag:s4] =	dma.local [hbm:s3], $0xF7A  }
0x26: {  	[smem:$0x3F90] =	sst s1;
	(tag) =	ssettag s2;
	_ =	strace s9  }
0x27: {  	s1 =	sld [smem:$0x3FA0]  }
0x28: {  	s2 =	sld [smem:$0x3FA1]  }
0x29: {  	s4 =	sld [smem:$0x3FA3]  }
0x2a: {  	p0 =	seq.s32 s5, $0x0;
	s5 =	sld [smem:$0x3FA4]  }
0x2b: {  	s6 =	sld [smem:$0x3FA5]  }
0x2c: {  	s7 =	sld [smem:$0x3FA6]  }
0x2d: {  	s3 =	simm.s32 $0x108;
	s8 =	sld [smem:$0x3FA7]  }
0x2e: {  	s3 =	simm.s32 @!p0 $0x1082;
	s9 =	sld [smem:$0x3FA8]  }
0x2f: {  	lr =	sadd.s32 s0, s3;
	s0 =	sld [smem:$0x3F9F]  }
0x30: {  	s3 =	sld [smem:$0x3FA2]  }
0x31: {  	[smem:$0x3FAB] =	sst s10  }
0x32: {  	s10 =	sld [smem:$0x3FA9];
	_ =	sdelay $0x3  }
0x33: {  	p0 =	seq.s32 s10, $0x1;
	s10 =	sld [smem:$0x3FAB];
	_ =	sdelay $0x3  }
0x34: {  	[smem:$0x3FAB] =	sst s10  }
0x35: {  	s10 =	sld [smem:$0x3FAA];
	_ =	sdelay $0x3  }
0x36: {  	p1 =	seq.s32 s10, $0x1;
	s10 =	sld [smem:$0x3FAB];
	_ =	sdelay $0x3  }
0x37: {  	[smem:$0x3FAB] =	sst s10  }
0x38: {  	s10 =	sld [smem:$0x3FAC]  }
0x39: {  	_ = 	snop;
	(pc) =	sbr.ind lr, $3  }
0x3a: {  	_ = 	snop  }
0x3b: {  	_ = 	snop  }
0x3c: {  	p2 =	seq.s32 s10, $0x1;
	s10 =	sld [smem:$0x3FAB]  }
0x3d: {  	_ =	shalt  }
0x3e: {  	_ =	shalt  }
0x3f: {  	_ =	shalt  }
0x40: {  	_ =	shalt  }
0x41: {  	_ =	shalt  }
0x42: {  	_ =	shalt  }
0x43: {  	_ =	shalt  }
0x44: {  	_ =	shalt  }
0x45: {  	_ =	shalt  }
0x46: {  	_ =	shalt  }
0x47: {  	_ =	shalt  }
0x48: {  	_ =	shalt  }
0x49: {  	_ =	shalt  }
0x4a: {  	_ =	shalt  }
0x4b: {  	_ =	shalt  }
0x4c: {  	_ =	shalt  }
0x4d: {  	_ =	shalt  }
0x4e: {  	_ =	shalt  }
0x4f: {  	_ =	shalt  }
0x50: {  	_ =	shalt  }
0x51: {  	_ =	shalt  }
0x52: {  	_ =	shalt  }
0x53: {  	_ =	shalt  }
0x54: {  	_ =	shalt  }
0x55: {  	_ =	shalt  }
0x56: {  	_ =	shalt  }
0x57: {  	_ =	shalt  }
0x58: {  	_ =	shalt  }
0x59: {  	_ =	shalt  }
0x5a: {  	_ =	shalt  }
0x5b: {  	_ =	shalt  }
0x5c: {  	_ =	shalt  }
0x5d: {  	_ =	shalt  }
0x5e: {  	_ =	shalt  }
0x5f: {  	_ =	shalt  }
0x60: {  	_ =	shalt  }
0x61: {  	_ =	shalt  }
0x62: {  	_ =	shalt  }
0x63: {  	_ =	shalt  }
0x64: {  	_ =	shalt  }
0x65: {  	_ =	shalt  }
0x66: {  	_ =	shalt  }
0x67: {  	_ =	shalt  }
0x68: {  	_ =	shalt  }
0x69: {  	_ =	shalt  }
0x6a: {  	_ =	shalt  }
0x6b: {  	_ =	shalt  }
0x6c: {  	_ =	shalt  }
0x6d: {  	_ =	shalt  }
0x6e: {  	_ =	shalt  }
0x6f: {  	_ =	shalt  }
0x70: {  	_ =	shalt  }
0x71: {  	_ =	shalt  }
0x72: {  	_ =	shalt  }
0x73: {  	_ =	shalt  }
0x74: {  	_ =	shalt  }
0x75: {  	_ =	shalt  }
0x76: {  	_ =	shalt  }
0x77: {  	_ =	shalt  }
0x78: {  	_ =	shalt  }
0x79: {  	_ =	shalt  }
0x7a: {  	_ =	shalt  }
0x7b: {  	_ =	shalt  }
0x7c: {  	_ =	shalt  }
0x7d: {  	_ =	shalt  }
0x7e: {  	_ =	shalt  }
0x7f: {  	_ =	shalt  }
0x80: {  	_ =	shalt  }
0x81: {  	_ =	shalt  }
0x82: {  	_ =	shalt  }
0x83: {  	_ =	shalt  }
0x84: {  	_ =	shalt  }
0x85: {  	_ =	shalt  }
0x86: {  	_ =	shalt  }
0x87: {  	_ =	shalt  }
.Lfunc_end0:
.L_simem_size_0:
called_computation_lowered:
.L_overlay_start_0:
0x88: {  	s2 =	sld [smem:$0x3FD9]  }
0x89: {  	s3 =	sld [smem:$0x3FFE];
	_ =	sdelay $0x1  }
0x8a: {  	s1 =	srdreg.scid  }
0x8b: {  	s0 =	sand.u32 $0x1, s1  }
0x8c: {  	s16 =	sshll.u32 s0, $0xA;
	s2 =	sadd.s32 s3, s2  }
0x8d: {  	s2 =	sadd.s32 s2, s16  }
0x8e: {  	[smem:$0x3FB7] =	sst s2  }
0x8f: {  	_ = 	snop  }
0x90: {  	(tm) =	ssettm $0x1  }
0x91: {  	s17 =	sld [smem:$0x3FFB];
	_ =	sdelay $0x3  }
0x92: {  	_ =	strace s17  }
0x93: {  	s2 =	sld [smem:$0x3FFC];
	_ =	sdelay $0x3  }
0x94: {  	_ =	strace s2  }
0x95: {  	s2 =	sld [smem:$0x3FFD];
	_ =	sdelay $0x3  }
0x96: {  	_ =	strace s2  }
0x97: {  	_ =	strace $0x8FFFFFFF  }
0x98: {  	s18 =	sld [smem:$0x3FDB];
	_ =	sdelay $0x1  }
0x99: {  	s19 =	simm.s32 $_scs_section_size  }
0x9a: {  	s4 =	simm.s32 $_size__tile_overlayer_lowered;
	s5 =	simm.s32 $_tile_overlayer_lowered  }
0x9b: {  	s22 =	simm.s32 $0x1BFF;
	s21 =	sshll.u32 s5, $0x1;
	s2 =	sadd.s32 s19, s18  }
0x9c: {  	s6 =	simm.s32 $0x0;
	s20 =	sshll.u32 s4, $0x1;
	s4 =	sadd.s32 s21, s2  }
0x9d: {  	[timem:s6], [sflag:s22] =	dma.local [hbm:s4], s20  }
0x9e: {  	_ =	swait.ge [sflag:s22], s20  }
0x9f: {  	s3 =	ssub.s32 $0x0, s20;
	[sflag:s22] =	ssyncset.done $0x0  }
0xa0: {  	[sflag:s22] =	ssyncadd.s32 s3;
	_ =	sdelay $0x1  }
0xa1: {  	s23 =	simm.s32 $0x1B8B  }
0xa2: {  	_ =	swait.ge [sflag:s23], $0x1  }
0xa3: {  	[sflag:s23] =	ssyncset.done $0x0  }
0xa4: {  	s25 =	simm.s32 $0x1B8E;
	s24 =	sld [smem:$0x3FFE];
	[sflag:s23] =	ssyncadd.s32 $0xFFFFFFFF  }
0xa5: {  	s26 =	simm.s32 $execute0_lowered;
	[smem:$0x3FD2] =	sst s25  }
0xa6: {  	s4 =	sshll.u32 s26, $0x1;
	_ =	strace $0x80000046;
	[dreg:$0x1] =	wrdreg $0xFFFFFFFF  }
0xa7: {  	s28 =	simm.s32 $_size_execute0_lowered;
	s2 =	sadd.s32 s2, s4;
	[dreg:$0x0] =	wrdreg $0x0  }
0xa8: {  	s4 =	sshll.u32 s28, $0x1;
	[dreg:$0x2] =	wrdreg s2  }
0xa9: {  	[dreg:$0x3] =	wrdreg s4  }
0xaa: {  	[dreg:$0x4] =	wrdreg $0xC0  }
0xab: {  	_ =	task [dreg:s6], $0x5FFFF  }
0xac: {  	[dreg:$0x1] =	wrdreg $0xFFFFFFFF  }
0xad: {  	[dreg:$0x0] =	wrdreg $0x60  }
0xae: {  	[dreg:$0x2] =	wrdreg s24  }
0xaf: {  	[dreg:$0x3] =	wrdreg $0xBA000  }
0xb0: {  	[dreg:$0x4] =	wrdreg $0x9  }
0xb1: {  	_ =	task.clear_ibuf [dreg:s6], $0x5FFFF;
	_ =	strace $0x90000046  }
0xb2: {  	s29 =	simm.s32 $0x9;
	_ =	strace $0x80000048  }
0xb3: {  	_ =	swait.ge [sflag:s29], $0x1  }
0xb4: {  	[sflag:s29] =	ssyncadd.s32 $0xFFFFFFFF  }
0xb5: {  	_ =	strace $0x90000048  }
0xb6: {  	_ =	sfence  }
0xb7: {  	s30 =	sld [smem:$0x0];
	_ =	sdelay $0x2  }
0xb8: {  	s31 =	sshll.u32 s1, $0xD;
	s1 =	sshrl.u32 s1, $0x2  }
0xb9: {  	s3 =	sand.u32 $0x4000, s31;
	s1 =	sadd.s32 s1, s30  }
0xba: {  	s0 =	sor.u32 s3, s0;
	s1 =	sshll.u32 s1, $0x11  }
0xbb: {  	s0 =	sor.u32 s1, s0  }
0xbc: {  	s0 =	sadd.s32 $0x8F2B, s0  }
0xbd: {  	[sflag:s0] =	ssyncadd.remote.s32 $0x1  }
0xbe: {  	_ =	sfence.sel $0xFFFF  }
0xbf: {  	[dreg:$0x0] =	wrdreg $0xFFFFFFFF;
	(pc) =	sbr.abs _section_cstart, $3  }
0xc0: {  	[dreg:$0x1] =	wrdreg $0xFFFFFFFF  }
0xc1: {  	_ =	task.clear_ibuf [dreg:s6], $0x2FFFF;
	_ =	strace $0x9FFFFFFF  }
0xc2: {  	(tm) =	ssettm $0x7FFFFFFF  }
0xc3: {  	_ =	shalt  }
tec
execute0_lowered:
.L_overlay_start_1:
0x0: {  	(tag) =	ssettag $0x1  }
0x1: {  	s0 =	rddreg [dreg:$0x0]  }
0x2: {  	s2 =	rddreg [dreg:$0x1]  }
0x3: {  	s1 =	srdreg.scid;
	s17 =	stileid.u32;
	s3 =	simm.s32 $0x0  }
0x4: {  	s16 =	simm.s32 $0x4;
	s28 =	simm.s32 $0x9200;
	s29 =	simm.s32 $0x1  }
0x5: {  	s30 =	simm.s32 $0x2;
	s31 =	simm.s32 $0x3;
	s8 =	smul.u32 $0x14000, s17  }
0x6: {  	s1 =	sand.u32 $0x1, s1;
	s4 =	sshll.u32 s17, $0x1;
	s19 =	smul.u32 $0x50000, s17  }
0x7: {  	[smem:$0x7FF] =	sst s3;
	s10 =	sadd.s32 $0x46A00, s0;
	s11 =	smul.u32 $0x4EC0, s17  }
0x8: {  	s26 =	sshll.u32 s17, $0x6;
	s6 =	sor.u32 s1, s4;
	s7 =	smul.u32 $0x140000, s1  }
0x9: {  	_ =	strace $0x80000047;
	s4 =	sadd.s32 $0x1F800, s0;
	[dreg:$0x3] =	wrdreg s10  }
0xa: {  	s20 =	ssub.s32 $0x2, s1;
	s1 =	smul.u32 $0x2760, s1;
	s17 =	sor.u32 $0x1C04, s26  }
0xb: {  	s5 =	sshll.u32 s6, $0xB;
	s6 =	smul.u32 $0x2760, s6;
	s21 =	sshrl.u32 s20, $0x1  }
0xc: {  	s22 =	sshrl.u32 s19, $0x2;
	s19 =	simm.s32 $0x4000;
	s9 =	sadd.s32 s5, s0  }
0xd: {  	s5 =	sadd.s32 $0x15A00, s0;
	s7 =	sadd.s32 s8, s7;
	s23 =	sadd.s32 s22, s2  }
0xe: {  	s1 =	sadd.s32 s1, s11;
	s22 =	simm.s32 $0x4080;
	s7 =	sshrl.u32 s7, $0x3  }
0xf: {  	s6 =	sshrl.u32 s6, $0x3;
	s9 =	sadd.s32 $0x5A00, s9;
	s12 =	sadd.s32 $0x190, s1  }
0x10: {  	s13 =	sadd.s32 $0x140, s1;
	s15 =	sadd.s32 $0xF0, s1;
	s18 =	sshrl.u32 s23, $0x3  }
0x11: {  	s0 =	sadd.s32 s7, s0;
	s7 =	ssub.s32 s20, s21;
	[dreg:$0x4] =	wrdreg s9  }
0x12: {  	s8 =	sadd.s32 s5, s6;
	s25 =	sshrl.u32 s12, $0x3;
	s14 =	sshrl.u32 s13, $0x3  }
0x13: {  	s20 =	simm.s32 $0x50;
	s21 =	simm.s32 $0x4200;
	s24 =	sadd.s32 $0xA, s8  }
0x14: {  	s10 =	sadd.s32 $0x14, s8;
	s11 =	sadd.s32 $0x49200, s0;
	s12 =	smax.u32 s7, $0x1  }
0x15: {  	s13 =	sadd.s32 s25, s5;
	s14 =	sadd.s32 s14, s5;
	s25 =	simm.s32 $0x4100  }
0x16: {  	s0 =	simm.s32 $0x0;
	[dreg:$0x5] =	wrdreg s24;
	s24 =	simm.s32 $0x6A00  }
.LBB2_1:
0x17: {  	s1 =	rddreg [dreg:$0x4]  }
0x18: {  	[tilespmem:s3], [sflag:$0x4] =	stream.linear.gather [hbm4b:s1+s3], $0x3F00, $0x38;
	[tilespmem:$0x1FA00] =	vst v63  }
0x19: {  	_ =	swait.ge [sflag:s16], $0x3F00  }
0x1a: {  	[sflag:s16] =	ssyncset.done $0x0  }
0x1b: {  	s23 =	rddreg [dreg:$0x3];
	[sflag:s16] =	ssyncadd.s32 $0xFFFFC100  }
0x1c: {  	[spmem:s18], [sflag:s17] =	dma.local [hbm:s23], $0x2800  }
0x1d: {  	_ =	swait.ge [sflag:s16], $0x2800  }
0x1e: {  	[sflag:s16] =	ssyncset.done $0x0  }
0x1f: {  	[sflag:s16] =	ssyncadd.s32 $0xFFFFD800  }
0x20: {  	[bflag:$0x0] =	sbarrier.arrive $0xFFFF  }
0x21: {  	[tilespmem:s19], [sflag:$0x1] =	stream.linear.gather [hbm4b:s8+s3], $0x50, $0x38;
	[tilespmem:$0x1FA00] =	vst v63  }
0x22: {  	_ = 	snop  }
0x23: {  	[tilespmem:s21], [sflag:$0x1] =	stream.indirect.gather [hbm4b:s4+s20], $0x80, s3, s20, $0xb8;
	[tilespmem:$0x1FA00] =	vst v63  }
0x24: {  	s26 =	rddreg [dreg:$0x5]  }
0x25: {  	[tilespmem:s22], [sflag:$0x2] =	stream.linear.gather [hbm4b:s26+s3], $0x50, $0x38;
	[tilespmem:$0x1FA00] =	vst v63  }
0x26: {  	s6 =	simm.s32 $0x80  }
0x27: {  	[tilespmem:s24], [sflag:$0x2] =	stream.indirect.gather [hbm4b:s4+s20], $0x80, s6, s20, $0xb8;
	[tilespmem:$0x1FA00] =	vst v63  }
0x28: {  	_ = 	snop  }
0x29: {  	[tilespmem:s25], [sflag:$0x3] =	stream.linear.gather [hbm4b:s10+s3], $0x50, $0x38;
	[tilespmem:$0x1FA00] =	vst v63  }
0x2a: {  	s7 =	simm.s32 $0x100  }
0x2b: {  	[tilespmem:s28], [sflag:$0x3] =	stream.indirect.gather [hbm4b:s4+s20], $0x80, s7, s20, $0xb8;
	[tilespmem:$0x1FA00] =	vst v63  }
0x2c: {  	_ =	swait.ge [sflag:s29], $0x50  }
0x2d: {  	[sflag:s29] =	ssyncset.done $0x0  }
0x2e: {  	[sflag:s29] =	ssyncadd.s32 $0xFFFFFFB0  }
0x2f: {  	_ =	swait.ge [sflag:s29], $0x2800  }
0x30: {  	[sflag:s29] =	ssyncset.done $0x0  }
0x31: {  	[sflag:s29] =	ssyncadd.s32 $0xFFFFD800  }
0x32: {  	[spmem:s2] =	stream.indirect.scatter.add.f32 [tilespmem:s21], [sflag:$0x4], $0x80, s19, s20, $0xb8;
	[tilespmem:$0x1FA00] =	vst v63  }
0x33: {  	_ =	swait.ge [sflag:s16], $0x2800  }
0x34: {  	s9 =	sshrl.u32 s15, $0x3;
	[sflag:s16] =	ssyncset.done $0x0  }
0x35: {  	s1 =	sadd.s32 s5, s9;
	[sflag:s16] =	ssyncadd.s32 $0xFFFFD800  }
0x36: {  	[tilespmem:s19], [sflag:$0x1] =	stream.linear.gather [hbm4b:s1+s3], $0x50, $0x38;
	[tilespmem:$0x1FA00] =	vst v63  }
0x37: {  	s23 =	simm.s32 $0x180  }
0x38: {  	[tilespmem:s21], [sflag:$0x1] =	stream.indirect.gather [hbm4b:s4+s20], $0x80, s23, s20, $0xb8;
	[tilespmem:$0x1FA00] =	vst v63  }
0x39: {  	_ =	swait.ge [sflag:s30], $0x50  }
0x3a: {  	[sflag:s30] =	ssyncset.done $0x0  }
0x3b: {  	[sflag:s30] =	ssyncadd.s32 $0xFFFFFFB0  }
0x3c: {  	_ =	swait.ge [sflag:s30], $0x2800  }
0x3d: {  	[sflag:s30] =	ssyncset.done $0x0  }
0x3e: {  	[sflag:s30] =	ssyncadd.s32 $0xFFFFD800  }
0x3f: {  	[spmem:s2] =	stream.indirect.scatter.add.f32 [tilespmem:s24], [sflag:$0x4], $0x80, s22, s20, $0xb8;
	[tilespmem:$0x1FA00] =	vst v63  }
0x40: {  	_ =	swait.ge [sflag:s16], $0x2800  }
0x41: {  	[sflag:s16] =	ssyncset.done $0x0  }
0x42: {  	[sflag:s16] =	ssyncadd.s32 $0xFFFFD800  }
0x43: {  	[tilespmem:s22], [sflag:$0x2] =	stream.linear.gather [hbm4b:s14+s3], $0x50, $0x38;
	[tilespmem:$0x1FA00] =	vst v63  }
0x44: {  	s26 =	simm.s32 $0x200  }
0x45: {  	[tilespmem:s24], [sflag:$0x2] =	stream.indirect.gather [hbm4b:s4+s20], $0x80, s26, s20, $0xb8;
	[tilespmem:$0x1FA00] =	vst v63  }
0x46: {  	_ =	swait.ge [sflag:s31], $0x50  }
0x47: {  	[sflag:s31] =	ssyncset.done $0x0  }
0x48: {  	[sflag:s31] =	ssyncadd.s32 $0xFFFFFFB0  }
0x49: {  	_ =	swait.ge [sflag:s31], $0x2800  }
0x4a: {  	[sflag:s31] =	ssyncset.done $0x0  }
0x4b: {  	[sflag:s31] =	ssyncadd.s32 $0xFFFFD800  }
0x4c: {  	[spmem:s2] =	stream.indirect.scatter.add.f32 [tilespmem:s28], [sflag:$0x4], $0x80, s25, s20, $0xb8;
	[tilespmem:$0x1FA00] =	vst v63  }
0x4d: {  	s6 =	sadd.s32 $0x1E, s14;
	_ =	swait.ge [sflag:s16], $0x2800  }
0x4e: {  	s7 =	simm.s32 $0x280;
	s1 =	simm.s32 $0x600;
	[sflag:s16] =	ssyncset.done $0x0  }
0x4f: {  	s23 =	sadd.s32 $0xF0, s15;
	s26 =	sadd.s32 $0x1E, s13;
	[sflag:s16] =	ssyncadd.s32 $0xFFFFD800  }
0x50: {  	[tilespmem:s25], [sflag:$0x3] =	stream.linear.gather [hbm4b:s13+s3], $0x50, $0x38;
	[tilespmem:$0x1FA00] =	vst v63  }
.LBB2_2:
0x51: {  	[tilespmem:s28], [sflag:$0x3] =	stream.indirect.gather [hbm4b:s4+s20], $0x80, s7, s20, $0xb8;
	[tilespmem:$0x1FA00] =	vst v63  }
0x52: {  	s7 =	smov.u32 s1  }
0x53: {  	p0 =	sne.s32 s1, $0xF000;
	s1 =	sadd.s32 $0x600, s1;
	_ =	swait.ge [sflag:s29], $0x50  }
0x54: {  	[sflag:s29] =	ssyncset.done $0x0  }
0x55: {  	[sflag:s29] =	ssyncadd.s32 $0xFFFFFFB0  }
0x56: {  	_ =	swait.ge [sflag:s29], $0x2800  }
0x57: {  	[sflag:s29] =	ssyncset.done $0x0  }
0x58: {  	[sflag:s29] =	ssyncadd.s32 $0xFFFFD800  }
0x59: {  	[spmem:s2] =	stream.indirect.scatter.add.f32 [tilespmem:s21], [sflag:$0x4], $0x80, s19, s20, $0xb8;
	[tilespmem:$0x1FA00] =	vst v63  }
0x5a: {  	_ =	swait.ge [sflag:s16], $0x2800  }
0x5b: {  	s9 =	sshrl.u32 s23, $0x3;
	[sflag:s16] =	ssyncset.done $0x0  }
0x5c: {  	s9 =	sadd.s32 s5, s9;
	s7 =	sshra.s32 s7, $0x2;
	[sflag:s16] =	ssyncadd.s32 $0xFFFFD800  }
0x5d: {  	[tilespmem:s19], [sflag:$0x1] =	stream.linear.gather [hbm4b:s9+s3], $0x50, $0x38;
	[tilespmem:$0x1FA00] =	vst v63  }
0x5e: {  	s9 =	sadd.s32 $0x180, s7  }
0x5f: {  	[tilespmem:s21], [sflag:$0x1] =	stream.indirect.gather [hbm4b:s4+s20], $0x80, s9, s20, $0xb8;
	[tilespmem:$0x1FA00] =	vst v63  }
0x60: {  	_ =	swait.ge [sflag:s30], $0x50  }
0x61: {  	[sflag:s30] =	ssyncset.done $0x0  }
0x62: {  	[sflag:s30] =	ssyncadd.s32 $0xFFFFFFB0  }
0x63: {  	_ =	swait.ge [sflag:s30], $0x2800  }
0x64: {  	[sflag:s30] =	ssyncset.done $0x0  }
0x65: {  	[sflag:s30] =	ssyncadd.s32 $0xFFFFD800  }
0x66: {  	[spmem:s2] =	stream.indirect.scatter.add.f32 [tilespmem:s24], [sflag:$0x4], $0x80, s22, s20, $0xb8;
	[tilespmem:$0x1FA00] =	vst v63  }
0x67: {  	_ =	swait.ge [sflag:s16], $0x2800  }
0x68: {  	[sflag:s16] =	ssyncset.done $0x0  }
0x69: {  	[sflag:s16] =	ssyncadd.s32 $0xFFFFD800  }
0x6a: {  	[tilespmem:s22], [sflag:$0x2] =	stream.linear.gather [hbm4b:s6+s3], $0x50, $0x38;
	[tilespmem:$0x1FA00] =	vst v63  }
0x6b: {  	s9 =	sadd.s32 $0x200, s7  }
0x6c: {  	[tilespmem:s24], [sflag:$0x2] =	stream.indirect.gather [hbm4b:s4+s20], $0x80, s9, s20, $0xb8;
	[tilespmem:$0x1FA00] =	vst v63  }
0x6d: {  	_ =	swait.ge [sflag:s31], $0x50  }
0x6e: {  	[sflag:s31] =	ssyncset.done $0x0  }
0x6f: {  	[sflag:s31] =	ssyncadd.s32 $0xFFFFFFB0  }
0x70: {  	_ =	swait.ge [sflag:s31], $0x2800  }
0x71: {  	[sflag:s31] =	ssyncset.done $0x0  }
0x72: {  	[sflag:s31] =	ssyncadd.s32 $0xFFFFD800  }
0x73: {  	[spmem:s2] =	stream.indirect.scatter.add.f32 [tilespmem:s28], [sflag:$0x4], $0x80, s25, s20, $0xb8;
	[tilespmem:$0x1FA00] =	vst v63  }
.Ltmp0:
0x74: {  	_ =	swait.ge [sflag:s16], $0x2800;
	(pc) =	sbr.rel @p0 .LBB2_2-.Ltmp0, $4  }
0x75: {  	[sflag:s16] =	ssyncset.done $0x0  }
0x76: {  	s23 =	sadd.s32 $0xF0, s23;
	[sflag:s16] =	ssyncadd.s32 $0xFFFFD800  }
0x77: {  	[tilespmem:s25], [sflag:$0x3] =	stream.linear.gather [hbm4b:s26+s3], $0x50, $0x38;
	[tilespmem:$0x1FA00] =	vst v63  }
0x78: {  	s7 =	sadd.s32 $0x280, s7;
	s6 =	sadd.s32 $0x1E, s6;
	s26 =	sadd.s32 $0x1E, s26  }
0x79: {  	[tilespmem:s28], [sflag:$0x3] =	stream.indirect.gather [hbm4b:s4+s20], $0x80, s7, s20, $0xb8;
	[tilespmem:$0x1FA00] =	vst v63  }
0x7a: {  	_ =	swait.ge [sflag:s29], $0x50  }
0x7b: {  	[sflag:s29] =	ssyncset.done $0x0  }
0x7c: {  	[sflag:s29] =	ssyncadd.s32 $0xFFFFFFB0  }
0x7d: {  	_ =	swait.ge [sflag:s29], $0x2800  }
0x7e: {  	[sflag:s29] =	ssyncset.done $0x0  }
0x7f: {  	[sflag:s29] =	ssyncadd.s32 $0xFFFFD800  }
0x80: {  	[spmem:s2] =	stream.indirect.scatter.add.f32 [tilespmem:s21], [sflag:$0x4], $0x80, s19, s20, $0xb8;
	[tilespmem:$0x1FA00] =	vst v63  }
0x81: {  	_ =	swait.ge [sflag:s16], $0x2800  }
0x82: {  	[sflag:s16] =	ssyncset.done $0x0  }
0x83: {  	[sflag:s16] =	ssyncadd.s32 $0xFFFFD800  }
0x84: {  	_ =	swait.ge [sflag:s30], $0x50  }
0x85: {  	[sflag:s30] =	ssyncset.done $0x0  }
0x86: {  	[sflag:s30] =	ssyncadd.s32 $0xFFFFFFB0  }
0x87: {  	_ =	swait.ge [sflag:s30], $0x2800  }
0x88: {  	[sflag:s30] =	ssyncset.done $0x0  }
0x89: {  	[sflag:s30] =	ssyncadd.s32 $0xFFFFD800  }
0x8a: {  	[spmem:s2] =	stream.indirect.scatter.add.f32 [tilespmem:s24], [sflag:$0x4], $0x80, s22, s20, $0xb8;
	[tilespmem:$0x1FA00] =	vst v63  }
0x8b: {  	_ =	swait.ge [sflag:s16], $0x2800  }
0x8c: {  	[sflag:s16] =	ssyncset.done $0x0  }
0x8d: {  	[sflag:s16] =	ssyncadd.s32 $0xFFFFD800  }
0x8e: {  	_ =	swait.ge [sflag:s31], $0x50  }
0x8f: {  	[sflag:s31] =	ssyncset.done $0x0  }
0x90: {  	[sflag:s31] =	ssyncadd.s32 $0xFFFFFFB0  }
0x91: {  	_ =	swait.ge [sflag:s31], $0x2800  }
0x92: {  	[sflag:s31] =	ssyncset.done $0x0  }
0x93: {  	[sflag:s31] =	ssyncadd.s32 $0xFFFFD800  }
0x94: {  	[spmem:s2] =	stream.indirect.scatter.add.f32 [tilespmem:s28], [sflag:$0x4], $0x80, s25, s20, $0xb8;
	[tilespmem:$0x1FA00] =	vst v63  }
0x95: {  	_ =	swait.ge [sflag:s16], $0x2800  }
0x96: {  	s0 =	sadd.s32 $0x1, s0;
	[sflag:s16] =	ssyncset.done $0x0  }
0x97: {  	p0 =	sne.s32 s0, s12;
	[sflag:s16] =	ssyncadd.s32 $0xFFFFD800  }
.Ltmp1:
0x98: {  	[bflag:$0x0] =	sbarrier.arrive $0xFFFF;
	(pc) =	sbr.rel @p0 .LBB2_1-.Ltmp1, $4  }
0x99: {  	[hbm:s11], [sflag:s17] =	dma.local [spmem:s18], $0x2800  }
0x9a: {  	_ =	swait.ge [sflag:s16], $0x2800  }
0x9b: {  	[sflag:s16] =	ssyncset.done $0x0  }
0x9c: {  	[sflag:s16] =	ssyncadd.s32 $0xFFFFD800  }
0x9d: {  	_ =	sfence.sel $0x180000  }
0x9e: {  	[bflag:$0x0] =	sbarrier.arrive $0xFFFF  }
0x9f: {  	_ =	strace $0x90000047  }
0xa0: {  	s0 =	stileid.u32;
	[bflag:$0x2] =	sbarrier.arrive $0xFFFF  }
0xa1: {  	p0 =	sne.s32 s0, $0x0;
	s0 =	rddreg [dreg:$0x2]  }
0xa2: {  	s0 =	sadd.s32 @!p0 $0x100000, s0  }
0xa3: {  	[sflag:s0] =	ssyncadd.tile.s32 @!p0 $0x1;
	_ =	shalt  }
.Lfunc_end2:
_tile_overlayer_lowered:
.L_overlay_start_2:
0xa4: {  	(tag) =	ssettag $0x2  }
0xa5: {  	s0 =	rddreg [dreg:$0x0];
	s2 =	stileid.u32  }
0xa6: {  	s1 =	rddreg [dreg:$0x1];
	p0 =	sne.s32 s2, $0x0  }
0xa7: {  	s3 =	rddreg [dreg:$0x2];
	[bflag:$0x3] =	sbarrier.arrive $0xFFFF;
	s2 =	simm.s32 @!p0 $0x1C04  }
0xa8: {  	[timem:s3], [sflag:s2] =	dma.local @!p0 [hbm:s0], s1  }
0xa9: {  	s0 =	simm.s32 @!p0 $0x4  }
0xaa: {  	_ =	swait.ge @!p0 [sflag:s0], s1  }
0xab: {  	s1 =	ssub.s32 @!p0 $0x0, s1;
	[sflag:s0] =	ssyncset.done @!p0 $0x0  }
0xac: {  	[sflag:s0] =	ssyncadd.s32 @!p0 s1  }
0xad: {  	[bflag:$0x3] =	sbarrier.arrive $0xFFFF  }
0xae: {  	_ =	shalt  }

// kernel: kernel.13.cloned.1.call-start
scs
__scs_entry_jumppad:
0x0: {  	(pc) =	sbr.rel $0x88, $3  }
0x1: {  	(tag) =	ssettag $0x0;
	lr =	simm.s32 $0x1  }
0x2: {  	[smem:$0x3F90] =	sst lr;
	_ =	strace $0xD0000000  }
0x3: {  	_ = 	snop  }
0x4: {  	_ = 	snop  }
0x5: {  	_ = 	snop  }
0x6: {  	_ = 	snop  }
0x7: {  	_ = 	snop  }
__scs_overlays_trampoline_lowered:
0x8: {  	[smem:$0x3F9F] =	sst s0  }
0x9: {  	[smem:$0x3FA0] =	sst s1  }
0xa: {  	[smem:$0x3FA1] =	sst s2  }
0xb: {  	[smem:$0x3FA2] =	sst s3  }
0xc: {  	[smem:$0x3FA3] =	sst s4  }
0xd: {  	[smem:$0x3FA4] =	sst s5  }
0xe: {  	[smem:$0x3FA5] =	sst s6  }
0xf: {  	[smem:$0x3FA6] =	sst s7  }
0x10: {  	[smem:$0x3FA7] =	sst s8  }
0x11: {  	[smem:$0x3FA8] =	sst s9;
	s0 =	simm.s32 @!p0 $0x0  }
0x12: {  	s1 =	sld [smem:$0x3F8E];
	s0 =	simm.s32 @p0 $0x1  }
0x13: {  	[smem:$0x3FA9] =	sst s0;
	s0 =	simm.s32 @!p1 $0x0  }
0x14: {  	s2 =	sld [smem:$0x3F8D];
	s0 =	simm.s32 @p1 $0x1  }
0x15: {  	[smem:$0x3FAA] =	sst s0;
	s0 =	simm.s32 @!p2 $0x0  }
0x16: {  	s3 =	sld [smem:$0x3FDB];
	s0 =	simm.s32 @p2 $0x1  }
0x17: {  	s4 =	simm.s32 $0x1BF5;
	[smem:$0x3FAC] =	sst s0  }
0x18: {  	s0 =	sld [smem:$0x3F8F];
	_ =	swait.ge [sflag:s4], $0x0  }
0x19: {  	s7 =	sld [smem:$0x3F90]  }
0x1a: {  	s8 =	sadd.s32 $0xFFFFE003, lr  }
0x1b: {  	s9 =	sadd.s32 $0xFFFFFEF7, lr;
	s5 =	simm.s32 $0xFFFFFFFF;
	p2 =	slt.u32 s8, $0xFFFFF086  }
0x1c: {  	p1 =	slt.u32 s9, $0xF7A;
	s5 =	simm.s32 @!p2 $0x0  }
0x1d: {  	s5 =	simm.s32 @p1 $0x1;
	p0 =	seq.s32 s7, s2  }
0x1e: {  	s7 =	smul.u32 @!p0 $0xF7A, s2;
	p2 =	seq.s32 @!p0 s5, $0x0  }
0x1f: {  	s9 =	smul.u32 $0xF7A, s1;
	s8 =	simm.s32 @!p0 $0x1BF5;
	p2 =	por !p2, p0  }
0x20: {  	[sflag:s8] =	ssyncset.s32 @!p0 $0xFFFFF086;
	s6 =	sadd.s32 @!p0 s3, s7;
	s7 =	simm.s32 @!p0 $0x108  }
0x21: {  	s3 =	sadd.s32 s3, s9;
	s6 =	sadd.s32 @!p0 $0x88, s6;
	s7 =	simm.s32 @p2 $0x1082  }
0x22: {  	[simem:s7], [sflag:s8] =	dma.local @!p0 [hbm:s6], $0xF7A  }
0x23: {  	s9 =	sor.u32 $0xD0000000, s2;
	s6 =	simm.s32 $0x108;
	_ =	swait.ge @!p0 [sflag:s8], $0x0  }
0x24: {  	s3 =	sadd.s32 $0x88, s3;
	s6 =	simm.s32 @!p1 $0x1082;
	[sflag:s4] =	ssyncset.s32 $0xFFFFF086  }
0x25: {  	[simem:s6], [sflag:s4] =	dma.local [hbm:s3], $0xF7A  }
0x26: {  	[smem:$0x3F90] =	sst s1;
	(tag) =	ssettag s2;
	_ =	strace s9  }
0x27: {  	s1 =	sld [smem:$0x3FA0]  }
0x28: {  	s2 =	sld [smem:$0x3FA1]  }
0x29: {  	s4 =	sld [smem:$0x3FA3]  }
0x2a: {  	p0 =	seq.s32 s5, $0x0;
	s5 =	sld [smem:$0x3FA4]  }
0x2b: {  	s6 =	sld [smem:$0x3FA5]  }
0x2c: {  	s7 =	sld [smem:$0x3FA6]  }
0x2d: {  	s3 =	simm.s32 $0x108;
	s8 =	sld [smem:$0x3FA7]  }
0x2e: {  	s3 =	simm.s32 @!p0 $0x1082;
	s9 =	sld [smem:$0x3FA8]  }
0x2f: {  	lr =	sadd.s32 s0, s3;
	s0 =	sld [smem:$0x3F9F]  }
0x30: {  	s3 =	sld [smem:$0x3FA2]  }
0x31: {  	[smem:$0x3FAB] =	sst s10  }
0x32: {  	s10 =	sld [smem:$0x3FA9];
	_ =	sdelay $0x3  }
0x33: {  	p0 =	seq.s32 s10, $0x1;
	s10 =	sld [smem:$0x3FAB];
	_ =	sdelay $0x3  }
0x34: {  	[smem:$0x3FAB] =	sst s10  }
0x35: {  	s10 =	sld [smem:$0x3FAA];
	_ =	sdelay $0x3  }
0x36: {  	p1 =	seq.s32 s10, $0x1;
	s10 =	sld [smem:$0x3FAB];
	_ =	sdelay $0x3  }
0x37: {  	[smem:$0x3FAB] =	sst s10  }
0x38: {  	s10 =	sld [smem:$0x3FAC]  }
0x39: {  	_ = 	snop;
	(pc) =	sbr.ind lr, $3  }
0x3a: {  	_ = 	snop  }
0x3b: {  	_ = 	snop  }
0x3c: {  	p2 =	seq.s32 s10, $0x1;
	s10 =	sld [smem:$0x3FAB]  }
0x3d: {  	_ =	shalt  }
0x3e: {  	_ =	shalt  }
0x3f: {  	_ =	shalt  }
0x40: {  	_ =	shalt  }
0x41: {  	_ =	shalt  }
0x42: {  	_ =	shalt  }
0x43: {  	_ =	shalt  }
0x44: {  	_ =	shalt  }
0x45: {  	_ =	shalt  }
0x46: {  	_ =	shalt  }
0x47: {  	_ =	shalt  }
0x48: {  	_ =	shalt  }
0x49: {  	_ =	shalt  }
0x4a: {  	_ =	shalt  }
0x4b: {  	_ =	shalt  }
0x4c: {  	_ =	shalt  }
0x4d: {  	_ =	shalt  }
0x4e: {  	_ =	shalt  }
0x4f: {  	_ =	shalt  }
0x50: {  	_ =	shalt  }
0x51: {  	_ =	shalt  }
0x52: {  	_ =	shalt  }
0x53: {  	_ =	shalt  }
0x54: {  	_ =	shalt  }
0x55: {  	_ =	shalt  }
0x56: {  	_ =	shalt  }
0x57: {  	_ =	shalt  }
0x58: {  	_ =	shalt  }
0x59: {  	_ =	shalt  }
0x5a: {  	_ =	shalt  }
0x5b: {  	_ =	shalt  }
0x5c: {  	_ =	shalt  }
0x5d: {  	_ =	shalt  }
0x5e: {  	_ =	shalt  }
0x5f: {  	_ =	shalt  }
0x60: {  	_ =	shalt  }
0x61: {  	_ =	shalt  }
0x62: {  	_ =	shalt  }
0x63: {  	_ =	shalt  }
0x64: {  	_ =	shalt  }
0x65: {  	_ =	shalt  }
0x66: {  	_ =	shalt  }
0x67: {  	_ =	shalt  }
0x68: {  	_ =	shalt  }
0x69: {  	_ =	shalt  }
0x6a: {  	_ =	shalt  }
0x6b: {  	_ =	shalt  }
0x6c: {  	_ =	shalt  }
0x6d: {  	_ =	shalt  }
0x6e: {  	_ =	shalt  }
0x6f: {  	_ =	shalt  }
0x70: {  	_ =	shalt  }
0x71: {  	_ =	shalt  }
0x72: {  	_ =	shalt  }
0x73: {  	_ =	shalt  }
0x74: {  	_ =	shalt  }
0x75: {  	_ =	shalt  }
0x76: {  	_ =	shalt  }
0x77: {  	_ =	shalt  }
0x78: {  	_ =	shalt  }
0x79: {  	_ =	shalt  }
0x7a: {  	_ =	shalt  }
0x7b: {  	_ =	shalt  }
0x7c: {  	_ =	shalt  }
0x7d: {  	_ =	shalt  }
0x7e: {  	_ =	shalt  }
0x7f: {  	_ =	shalt  }
0x80: {  	_ =	shalt  }
0x81: {  	_ =	shalt  }
0x82: {  	_ =	shalt  }
0x83: {  	_ =	shalt  }
0x84: {  	_ =	shalt  }
0x85: {  	_ =	shalt  }
0x86: {  	_ =	shalt  }
0x87: {  	_ =	shalt  }
.Lfunc_end0:
.L_simem_size_0:
called_computation.1_lowered:
.L_overlay_start_0:
0x88: {  	s2 =	sld [smem:$0x3FD9]  }
0x89: {  	s3 =	sld [smem:$0x3FFE];
	_ =	sdelay $0x1  }
0x8a: {  	s1 =	srdreg.scid  }
0x8b: {  	s0 =	sand.u32 $0x1, s1  }
0x8c: {  	s16 =	sshll.u32 s0, $0xA;
	s2 =	sadd.s32 s3, s2  }
0x8d: {  	s2 =	sadd.s32 s2, s16  }
0x8e: {  	[smem:$0x3FB7] =	sst s2  }
0x8f: {  	_ = 	snop  }
0x90: {  	(tm) =	ssettm $0x1  }
0x91: {  	s17 =	sld [smem:$0x3FFB];
	_ =	sdelay $0x3  }
0x92: {  	_ =	strace s17  }
0x93: {  	s2 =	sld [smem:$0x3FFC];
	_ =	sdelay $0x3  }
0x94: {  	_ =	strace s2  }
0x95: {  	s2 =	sld [smem:$0x3FFD];
	_ =	sdelay $0x3  }
0x96: {  	_ =	strace s2  }
0x97: {  	_ =	strace $0x8FFFFFFF  }
0x98: {  	s18 =	sld [smem:$0x3FDB];
	_ =	sdelay $0x1  }
0x99: {  	s19 =	simm.s32 $_scs_section_size  }
0x9a: {  	s4 =	simm.s32 $_size__tile_overlayer_lowered;
	s5 =	simm.s32 $_tile_overlayer_lowered  }
0x9b: {  	s22 =	simm.s32 $0x1BFF;
	s21 =	sshll.u32 s5, $0x1;
	s2 =	sadd.s32 s19, s18  }
0x9c: {  	s6 =	simm.s32 $0x0;
	s20 =	sshll.u32 s4, $0x1;
	s4 =	sadd.s32 s21, s2  }
0x9d: {  	[timem:s6], [sflag:s22] =	dma.local [hbm:s4], s20  }
0x9e: {  	_ =	swait.ge [sflag:s22], s20  }
0x9f: {  	s3 =	ssub.s32 $0x0, s20;
	[sflag:s22] =	ssyncset.done $0x0  }
0xa0: {  	[sflag:s22] =	ssyncadd.s32 s3;
	_ =	sdelay $0x1  }
0xa1: {  	s23 =	simm.s32 $0x1B8B  }
0xa2: {  	_ =	swait.ge [sflag:s23], $0x1  }
0xa3: {  	[sflag:s23] =	ssyncset.done $0x0  }
0xa4: {  	s25 =	simm.s32 $0x1B8E;
	s24 =	sld [smem:$0x3FFE];
	[sflag:s23] =	ssyncadd.s32 $0xFFFFFFFF  }
0xa5: {  	s26 =	simm.s32 $execute0_lowered;
	[smem:$0x3FD2] =	sst s25  }
0xa6: {  	s4 =	sshll.u32 s26, $0x1;
	_ =	strace $0x80000049;
	[dreg:$0x1] =	wrdreg $0xFFFFFFFF  }
0xa7: {  	s28 =	simm.s32 $_size_execute0_lowered;
	s2 =	sadd.s32 s2, s4;
	[dreg:$0x0] =	wrdreg $0x0  }
0xa8: {  	s4 =	sshll.u32 s28, $0x1;
	[dreg:$0x2] =	wrdreg s2  }
0xa9: {  	[dreg:$0x3] =	wrdreg s4  }
0xaa: {  	[dreg:$0x4] =	wrdreg $0xC0  }
0xab: {  	_ =	task [dreg:s6], $0x5FFFF  }
0xac: {  	[dreg:$0x1] =	wrdreg $0xFFFFFFFF  }
0xad: {  	[dreg:$0x0] =	wrdreg $0x60  }
0xae: {  	[dreg:$0x2] =	wrdreg s24  }
0xaf: {  	[dreg:$0x3] =	wrdreg $0xBA000  }
0xb0: {  	[dreg:$0x4] =	wrdreg $0x9  }
0xb1: {  	_ =	task.clear_ibuf [dreg:s6], $0x5FFFF;
	_ =	strace $0x90000049  }
0xb2: {  	s29 =	simm.s32 $0x9;
	_ =	strace $0x8000004B  }
0xb3: {  	_ =	swait.ge [sflag:s29], $0x1  }
0xb4: {  	[sflag:s29] =	ssyncadd.s32 $0xFFFFFFFF  }
0xb5: {  	_ =	strace $0x9000004B  }
0xb6: {  	_ =	sfence  }
0xb7: {  	s30 =	sld [smem:$0x0];
	_ =	sdelay $0x2  }
0xb8: {  	s31 =	sshll.u32 s1, $0xD;
	s1 =	sshrl.u32 s1, $0x2  }
0xb9: {  	s3 =	sand.u32 $0x4000, s31;
	s1 =	sadd.s32 s1, s30  }
0xba: {  	s0 =	sor.u32 s3, s0;
	s1 =	sshll.u32 s1, $0x11  }
0xbb: {  	s0 =	sor.u32 s1, s0  }
0xbc: {  	s0 =	sadd.s32 $0x8F2B, s0  }
0xbd: {  	[sflag:s0] =	ssyncadd.remote.s32 $0x1  }
0xbe: {  	_ =	sfence.sel $0xFFFF  }
0xbf: {  	[dreg:$0x0] =	wrdreg $0xFFFFFFFF;
	(pc) =	sbr.abs _section_cstart, $3  }
0xc0: {  	[dreg:$0x1] =	wrdreg $0xFFFFFFFF  }
0xc1: {  	_ =	task.clear_ibuf [dreg:s6], $0x2FFFF;
	_ =	strace $0x9FFFFFFF  }
0xc2: {  	(tm) =	ssettm $0x7FFFFFFF  }
0xc3: {  	_ =	shalt  }
tec
execute0_lowered:
.L_overlay_start_1:
0x0: {  	(tag) =	ssettag $0x1  }
0x1: {  	s0 =	rddreg [dreg:$0x0]  }
0x2: {  	s2 =	rddreg [dreg:$0x1]  }
0x3: {  	s1 =	srdreg.scid;
	s17 =	stileid.u32;
	s3 =	simm.s32 $0x0  }
0x4: {  	s16 =	simm.s32 $0x4;
	s28 =	simm.s32 $0x9200;
	s29 =	simm.s32 $0x1  }
0x5: {  	s30 =	simm.s32 $0x2;
	s31 =	simm.s32 $0x3;
	s8 =	smul.u32 $0x14000, s17  }
0x6: {  	s1 =	sand.u32 $0x1, s1;
	s4 =	sshll.u32 s17, $0x1;
	s19 =	smul.u32 $0x50000, s17  }
0x7: {  	[smem:$0x7FF] =	sst s3;
	s10 =	sadd.s32 $0x46A00, s0;
	s11 =	smul.u32 $0x4EC0, s17  }
0x8: {  	s26 =	sshll.u32 s17, $0x6;
	s6 =	sor.u32 s1, s4;
	s7 =	smul.u32 $0x140000, s1  }
0x9: {  	_ =	strace $0x8000004A;
	s4 =	sadd.s32 $0x1F800, s0;
	[dreg:$0x3] =	wrdreg s10  }
0xa: {  	s20 =	ssub.s32 $0x2, s1;
	s1 =	smul.u32 $0x2760, s1;
	s17 =	sor.u32 $0x1C04, s26  }
0xb: {  	s5 =	sshll.u32 s6, $0xB;
	s6 =	smul.u32 $0x2760, s6;
	s21 =	sshrl.u32 s20, $0x1  }
0xc: {  	s22 =	sshrl.u32 s19, $0x2;
	s19 =	simm.s32 $0x4000;
	s9 =	sadd.s32 s5, s0  }
0xd: {  	s5 =	sadd.s32 $0x15A00, s0;
	s7 =	sadd.s32 s8, s7;
	s23 =	sadd.s32 s22, s2  }
0xe: {  	s1 =	sadd.s32 s1, s11;
	s22 =	simm.s32 $0x4080;
	s7 =	sshrl.u32 s7, $0x3  }
0xf: {  	s6 =	sshrl.u32 s6, $0x3;
	s9 =	sadd.s32 $0x5A00, s9;
	s12 =	sadd.s32 $0x190, s1  }
0x10: {  	s13 =	sadd.s32 $0x140, s1;
	s15 =	sadd.s32 $0xF0, s1;
	s18 =	sshrl.u32 s23, $0x3  }
0x11: {  	s0 =	sadd.s32 s7, s0;
	s7 =	ssub.s32 s20, s21;
	[dreg:$0x4] =	wrdreg s9  }
0x12: {  	s8 =	sadd.s32 s5, s6;
	s25 =	sshrl.u32 s12, $0x3;
	s14 =	sshrl.u32 s13, $0x3  }
0x13: {  	s20 =	simm.s32 $0x50;
	s21 =	simm.s32 $0x4200;
	s24 =	sadd.s32 $0xA, s8  }
0x14: {  	s10 =	sadd.s32 $0x14, s8;
	s11 =	sadd.s32 $0x49200, s0;
	s12 =	smax.u32 s7, $0x1  }
0x15: {  	s13 =	sadd.s32 s25, s5;
	s14 =	sadd.s32 s14, s5;
	s25 =	simm.s32 $0x4100  }
0x16: {  	s0 =	simm.s32 $0x0;
	[dreg:$0x5] =	wrdreg s24;
	s24 =	simm.s32 $0x6A00  }
.LBB2_1:
0x17: {  	s1 =	rddreg [dreg:$0x4]  }
0x18: {  	[tilespmem:s3], [sflag:$0x4] =	stream.linear.gather [hbm4b:s1+s3], $0x3F00, $0x38;
	[tilespmem:$0x1FA00] =	vst v63  }
0x19: {  	_ =	swait.ge [sflag:s16], $0x3F00  }
0x1a: {  	[sflag:s16] =	ssyncset.done $0x0  }
0x1b: {  	s23 =	rddreg [dreg:$0x3];
	[sflag:s16] =	ssyncadd.s32 $0xFFFFC100  }
0x1c: {  	[spmem:s18], [sflag:s17] =	dma.local [hbm:s23], $0x2800  }
0x1d: {  	_ =	swait.ge [sflag:s16], $0x2800  }
0x1e: {  	[sflag:s16] =	ssyncset.done $0x0  }
0x1f: {  	[sflag:s16] =	ssyncadd.s32 $0xFFFFD800  }
0x20: {  	[bflag:$0x0] =	sbarrier.arrive $0xFFFF  }
0x21: {  	[tilespmem:s19], [sflag:$0x1] =	stream.linear.gather [hbm4b:s8+s3], $0x50, $0x38;
	[tilespmem:$0x1FA00] =	vst v63  }
0x22: {  	_ = 	snop  }
0x23: {  	[tilespmem:s21], [sflag:$0x1] =	stream.indirect.gather [hbm4b:s4+s20], $0x80, s3, s20, $0xb8;
	[tilespmem:$0x1FA00] =	vst v63  }
0x24: {  	s26 =	rddreg [dreg:$0x5]  }
0x25: {  	[tilespmem:s22], [sflag:$0x2] =	stream.linear.gather [hbm4b:s26+s3], $0x50, $0x38;
	[tilespmem:$0x1FA00] =	vst v63  }
0x26: {  	s6 =	simm.s32 $0x80  }
0x27: {  	[tilespmem:s24], [sflag:$0x2] =	stream.indirect.gather [hbm4b:s4+s20], $0x80, s6, s20, $0xb8;
	[tilespmem:$0x1FA00] =	vst v63  }
0x28: {  	_ = 	snop  }
0x29: {  	[tilespmem:s25], [sflag:$0x3] =	stream.linear.gather [hbm4b:s10+s3], $0x50, $0x38;
	[tilespmem:$0x1FA00] =	vst v63  }
0x2a: {  	s7 =	simm.s32 $0x100  }
0x2b: {  	[tilespmem:s28], [sflag:$0x3] =	stream.indirect.gather [hbm4b:s4+s20], $0x80, s7, s20, $0xb8;
	[tilespmem:$0x1FA00] =	vst v63  }
0x2c: {  	_ =	swait.ge [sflag:s29], $0x50  }
0x2d: {  	[sflag:s29] =	ssyncset.done $0x0  }
0x2e: {  	[sflag:s29] =	ssyncadd.s32 $0xFFFFFFB0  }
0x2f: {  	_ =	swait.ge [sflag:s29], $0x2800  }
0x30: {  	[sflag:s29] =	ssyncset.done $0x0  }
0x31: {  	[sflag:s29] =	ssyncadd.s32 $0xFFFFD800  }
0x32: {  	[spmem:s2] =	stream.indirect.scatter.add.f32 [tilespmem:s21], [sflag:$0x4], $0x80, s19, s20, $0xb8;
	[tilespmem:$0x1FA00] =	vst v63  }
0x33: {  	_ =	swait.ge [sflag:s16], $0x2800  }
0x34: {  	s9 =	sshrl.u32 s15, $0x3;
	[sflag:s16] =	ssyncset.done $0x0  }
0x35: {  	s1 =	sadd.s32 s5, s9;
	[sflag:s16] =	ssyncadd.s32 $0xFFFFD800  }
0x36: {  	[tilespmem:s19], [sflag:$0x1] =	stream.linear.gather [hbm4b:s1+s3], $0x50, $0x38;
	[tilespmem:$0x1FA00] =	vst v63  }
0x37: {  	s23 =	simm.s32 $0x180  }
0x38: {  	[tilespmem:s21], [sflag:$0x1] =	stream.indirect.gather [hbm4b:s4+s20], $0x80, s23, s20, $0xb8;
	[tilespmem:$0x1FA00] =	vst v63  }
0x39: {  	_ =	swait.ge [sflag:s30], $0x50  }
0x3a: {  	[sflag:s30] =	ssyncset.done $0x0  }
0x3b: {  	[sflag:s30] =	ssyncadd.s32 $0xFFFFFFB0  }
0x3c: {  	_ =	swait.ge [sflag:s30], $0x2800  }
0x3d: {  	[sflag:s30] =	ssyncset.done $0x0  }
0x3e: {  	[sflag:s30] =	ssyncadd.s32 $0xFFFFD800  }
0x3f: {  	[spmem:s2] =	stream.indirect.scatter.add.f32 [tilespmem:s24], [sflag:$0x4], $0x80, s22, s20, $0xb8;
	[tilespmem:$0x1FA00] =	vst v63  }
0x40: {  	_ =	swait.ge [sflag:s16], $0x2800  }
0x41: {  	[sflag:s16] =	ssyncset.done $0x0  }
0x42: {  	[sflag:s16] =	ssyncadd.s32 $0xFFFFD800  }
0x43: {  	[tilespmem:s22], [sflag:$0x2] =	stream.linear.gather [hbm4b:s14+s3], $0x50, $0x38;
	[tilespmem:$0x1FA00] =	vst v63  }
0x44: {  	s26 =	simm.s32 $0x200  }
0x45: {  	[tilespmem:s24], [sflag:$0x2] =	stream.indirect.gather [hbm4b:s4+s20], $0x80, s26, s20, $0xb8;
	[tilespmem:$0x1FA00] =	vst v63  }
0x46: {  	_ =	swait.ge [sflag:s31], $0x50  }
0x47: {  	[sflag:s31] =	ssyncset.done $0x0  }
0x48: {  	[sflag:s31] =	ssyncadd.s32 $0xFFFFFFB0  }
0x49: {  	_ =	swait.ge [sflag:s31], $0x2800  }
0x4a: {  	[sflag:s31] =	ssyncset.done $0x0  }
0x4b: {  	[sflag:s31] =	ssyncadd.s32 $0xFFFFD800  }
0x4c: {  	[spmem:s2] =	stream.indirect.scatter.add.f32 [tilespmem:s28], [sflag:$0x4], $0x80, s25, s20, $0xb8;
	[tilespmem:$0x1FA00] =	vst v63  }
0x4d: {  	s6 =	sadd.s32 $0x1E, s14;
	_ =	swait.ge [sflag:s16], $0x2800  }
0x4e: {  	s7 =	simm.s32 $0x280;
	s1 =	simm.s32 $0x600;
	[sflag:s16] =	ssyncset.done $0x0  }
0x4f: {  	s23 =	sadd.s32 $0xF0, s15;
	s26 =	sadd.s32 $0x1E, s13;
	[sflag:s16] =	ssyncadd.s32 $0xFFFFD800  }
0x50: {  	[tilespmem:s25], [sflag:$0x3] =	stream.linear.gather [hbm4b:s13+s3], $0x50, $0x38;
	[tilespmem:$0x1FA00] =	vst v63  }
.LBB2_2:
0x51: {  	[tilespmem:s28], [sflag:$0x3] =	stream.indirect.gather [hbm4b:s4+s20], $0x80, s7, s20, $0xb8;
	[tilespmem:$0x1FA00] =	vst v63  }
0x52: {  	s7 =	smov.u32 s1  }
0x53: {  	p0 =	sne.s32 s1, $0xF000;
	s1 =	sadd.s32 $0x600, s1;
	_ =	swait.ge [sflag:s29], $0x50  }
0x54: {  	[sflag:s29] =	ssyncset.done $0x0  }
0x55: {  	[sflag:s29] =	ssyncadd.s32 $0xFFFFFFB0  }
0x56: {  	_ =	swait.ge [sflag:s29], $0x2800  }
0x57: {  	[sflag:s29] =	ssyncset.done $0x0  }
0x58: {  	[sflag:s29] =	ssyncadd.s32 $0xFFFFD800  }
0x59: {  	[spmem:s2] =	stream.indirect.scatter.add.f32 [tilespmem:s21], [sflag:$0x4], $0x80, s19, s20, $0xb8;
	[tilespmem:$0x1FA00] =	vst v63  }
0x5a: {  	_ =	swait.ge [sflag:s16], $0x2800  }
0x5b: {  	s9 =	sshrl.u32 s23, $0x3;
	[sflag:s16] =	ssyncset.done $0x0  }
0x5c: {  	s9 =	sadd.s32 s5, s9;
	s7 =	sshra.s32 s7, $0x2;
	[sflag:s16] =	ssyncadd.s32 $0xFFFFD800  }
0x5d: {  	[tilespmem:s19], [sflag:$0x1] =	stream.linear.gather [hbm4b:s9+s3], $0x50, $0x38;
	[tilespmem:$0x1FA00] =	vst v63  }
0x5e: {  	s9 =	sadd.s32 $0x180, s7  }
0x5f: {  	[tilespmem:s21], [sflag:$0x1] =	stream.indirect.gather [hbm4b:s4+s20], $0x80, s9, s20, $0xb8;
	[tilespmem:$0x1FA00] =	vst v63  }
0x60: {  	_ =	swait.ge [sflag:s30], $0x50  }
0x61: {  	[sflag:s30] =	ssyncset.done $0x0  }
0x62: {  	[sflag:s30] =	ssyncadd.s32 $0xFFFFFFB0  }
0x63: {  	_ =	swait.ge [sflag:s30], $0x2800  }
0x64: {  	[sflag:s30] =	ssyncset.done $0x0  }
0x65: {  	[sflag:s30] =	ssyncadd.s32 $0xFFFFD800  }
0x66: {  	[spmem:s2] =	stream.indirect.scatter.add.f32 [tilespmem:s24], [sflag:$0x4], $0x80, s22, s20, $0xb8;
	[tilespmem:$0x1FA00] =	vst v63  }
0x67: {  	_ =	swait.ge [sflag:s16], $0x2800  }
0x68: {  	[sflag:s16] =	ssyncset.done $0x0  }
0x69: {  	[sflag:s16] =	ssyncadd.s32 $0xFFFFD800  }
0x6a: {  	[tilespmem:s22], [sflag:$0x2] =	stream.linear.gather [hbm4b:s6+s3], $0x50, $0x38;
	[tilespmem:$0x1FA00] =	vst v63  }
0x6b: {  	s9 =	sadd.s32 $0x200, s7  }
0x6c: {  	[tilespmem:s24], [sflag:$0x2] =	stream.indirect.gather [hbm4b:s4+s20], $0x80, s9, s20, $0xb8;
	[tilespmem:$0x1FA00] =	vst v63  }
0x6d: {  	_ =	swait.ge [sflag:s31], $0x50  }
0x6e: {  	[sflag:s31] =	ssyncset.done $0x0  }
0x6f: {  	[sflag:s31] =	ssyncadd.s32 $0xFFFFFFB0  }
0x70: {  	_ =	swait.ge [sflag:s31], $0x2800  }
0x71: {  	[sflag:s31] =	ssyncset.done $0x0  }
0x72: {  	[sflag:s31] =	ssyncadd.s32 $0xFFFFD800  }
0x73: {  	[spmem:s2] =	stream.indirect.scatter.add.f32 [tilespmem:s28], [sflag:$0x4], $0x80, s25, s20, $0xb8;
	[tilespmem:$0x1FA00] =	vst v63  }
.Ltmp0:
0x74: {  	_ =	swait.ge [sflag:s16], $0x2800;
	(pc) =	sbr.rel @p0 .LBB2_2-.Ltmp0, $4  }
0x75: {  	[sflag:s16] =	ssyncset.done $0x0  }
0x76: {  	s23 =	sadd.s32 $0xF0, s23;
	[sflag:s16] =	ssyncadd.s32 $0xFFFFD800  }
0x77: {  	[tilespmem:s25], [sflag:$0x3] =	stream.linear.gather [hbm4b:s26+s3], $0x50, $0x38;
	[tilespmem:$0x1FA00] =	vst v63  }
0x78: {  	s7 =	sadd.s32 $0x280, s7;
	s6 =	sadd.s32 $0x1E, s6;
	s26 =	sadd.s32 $0x1E, s26  }
0x79: {  	[tilespmem:s28], [sflag:$0x3] =	stream.indirect.gather [hbm4b:s4+s20], $0x80, s7, s20, $0xb8;
	[tilespmem:$0x1FA00] =	vst v63  }
0x7a: {  	_ =	swait.ge [sflag:s29], $0x50  }
0x7b: {  	[sflag:s29] =	ssyncset.done $0x0  }
0x7c: {  	[sflag:s29] =	ssyncadd.s32 $0xFFFFFFB0  }
0x7d: {  	_ =	swait.ge [sflag:s29], $0x2800  }
0x7e: {  	[sflag:s29] =	ssyncset.done $0x0  }
0x7f: {  	[sflag:s29] =	ssyncadd.s32 $0xFFFFD800  }
0x80: {  	[spmem:s2] =	stream.indirect.scatter.add.f32 [tilespmem:s21], [sflag:$0x4], $0x80, s19, s20, $0xb8;
	[tilespmem:$0x1FA00] =	vst v63  }
0x81: {  	_ =	swait.ge [sflag:s16], $0x2800  }
0x82: {  	[sflag:s16] =	ssyncset.done $0x0  }
0x83: {  	[sflag:s16] =	ssyncadd.s32 $0xFFFFD800  }
0x84: {  	_ =	swait.ge [sflag:s30], $0x50  }
0x85: {  	[sflag:s30] =	ssyncset.done $0x0  }
0x86: {  	[sflag:s30] =	ssyncadd.s32 $0xFFFFFFB0  }
0x87: {  	_ =	swait.ge [sflag:s30], $0x2800  }
0x88: {  	[sflag:s30] =	ssyncset.done $0x0  }
0x89: {  	[sflag:s30] =	ssyncadd.s32 $0xFFFFD800  }
0x8a: {  	[spmem:s2] =	stream.indirect.scatter.add.f32 [tilespmem:s24], [sflag:$0x4], $0x80, s22, s20, $0xb8;
	[tilespmem:$0x1FA00] =	vst v63  }
0x8b: {  	_ =	swait.ge [sflag:s16], $0x2800  }
0x8c: {  	[sflag:s16] =	ssyncset.done $0x0  }
0x8d: {  	[sflag:s16] =	ssyncadd.s32 $0xFFFFD800  }
0x8e: {  	_ =	swait.ge [sflag:s31], $0x50  }
0x8f: {  	[sflag:s31] =	ssyncset.done $0x0  }
0x90: {  	[sflag:s31] =	ssyncadd.s32 $0xFFFFFFB0  }
0x91: {  	_ =	swait.ge [sflag:s31], $0x2800  }
0x92: {  	[sflag:s31] =	ssyncset.done $0x0  }
0x93: {  	[sflag:s31] =	ssyncadd.s32 $0xFFFFD800  }
0x94: {  	[spmem:s2] =	stream.indirect.scatter.add.f32 [tilespmem:s28], [sflag:$0x4], $0x80, s25, s20, $0xb8;
	[tilespmem:$0x1FA00] =	vst v63  }
0x95: {  	_ =	swait.ge [sflag:s16], $0x2800  }
0x96: {  	s0 =	sadd.s32 $0x1, s0;
	[sflag:s16] =	ssyncset.done $0x0  }
0x97: {  	p0 =	sne.s32 s0, s12;
	[sflag:s16] =	ssyncadd.s32 $0xFFFFD800  }
.Ltmp1:
0x98: {  	[bflag:$0x0] =	sbarrier.arrive $0xFFFF;
	(pc) =	sbr.rel @p0 .LBB2_1-.Ltmp1, $4  }
0x99: {  	[hbm:s11], [sflag:s17] =	dma.local [spmem:s18], $0x2800  }
0x9a: {  	_ =	swait.ge [sflag:s16], $0x2800  }
0x9b: {  	[sflag:s16] =	ssyncset.done $0x0  }
0x9c: {  	[sflag:s16] =	ssyncadd.s32 $0xFFFFD800  }
0x9d: {  	_ =	sfence.sel $0x180000  }
0x9e: {  	[bflag:$0x0] =	sbarrier.arrive $0xFFFF  }
0x9f: {  	_ =	strace $0x9000004A  }
0xa0: {  	s0 =	stileid.u32;
	[bflag:$0x2] =	sbarrier.arrive $0xFFFF  }
0xa1: {  	p0 =	sne.s32 s0, $0x0;
	s0 =	rddreg [dreg:$0x2]  }
0xa2: {  	s0 =	sadd.s32 @!p0 $0x100000, s0  }
0xa3: {  	[sflag:s0] =	ssyncadd.tile.s32 @!p0 $0x1;
	_ =	shalt  }
.Lfunc_end2:
_tile_overlayer_lowered:
.L_overlay_start_2:
0xa4: {  	(tag) =	ssettag $0x2  }
0xa5: {  	s0 =	rddreg [dreg:$0x0];
	s2 =	stileid.u32  }
0xa6: {  	s1 =	rddreg [dreg:$0x1];
	p0 =	sne.s32 s2, $0x0  }
0xa7: {  	s3 =	rddreg [dreg:$0x2];
	[bflag:$0x3] =	sbarrier.arrive $0xFFFF;
	s2 =	simm.s32 @!p0 $0x1C04  }
0xa8: {  	[timem:s3], [sflag:s2] =	dma.local @!p0 [hbm:s0], s1  }
0xa9: {  	s0 =	simm.s32 @!p0 $0x4  }
0xaa: {  	_ =	swait.ge @!p0 [sflag:s0], s1  }
0xab: {  	s1 =	ssub.s32 @!p0 $0x0, s1;
	[sflag:s0] =	ssyncset.done @!p0 $0x0  }
0xac: {  	[sflag:s0] =	ssyncadd.s32 @!p0 s1  }
0xad: {  	[bflag:$0x3] =	sbarrier.arrive $0xFFFF  }
0xae: {  	_ =	shalt  }

// kernel: kernel.16.cloned.1.call-start
scs
__scs_entry_jumppad:
0x0: {  	(pc) =	sbr.rel $0x88, $3  }
0x1: {  	(tag) =	ssettag $0x0;
	lr =	simm.s32 $0x1  }
0x2: {  	[smem:$0x3F90] =	sst lr;
	_ =	strace $0xD0000000  }
0x3: {  	_ = 	snop  }
0x4: {  	_ = 	snop  }
0x5: {  	_ = 	snop  }
0x6: {  	_ = 	snop  }
0x7: {  	_ = 	snop  }
__scs_overlays_trampoline_lowered:
0x8: {  	[smem:$0x3F9F] =	sst s0  }
0x9: {  	[smem:$0x3FA0] =	sst s1  }
0xa: {  	[smem:$0x3FA1] =	sst s2  }
0xb: {  	[smem:$0x3FA2] =	sst s3  }
0xc: {  	[smem:$0x3FA3] =	sst s4  }
0xd: {  	[smem:$0x3FA4] =	sst s5  }
0xe: {  	[smem:$0x3FA5] =	sst s6  }
0xf: {  	[smem:$0x3FA6] =	sst s7  }
0x10: {  	[smem:$0x3FA7] =	sst s8  }
0x11: {  	[smem:$0x3FA8] =	sst s9;
	s0 =	simm.s32 @!p0 $0x0  }
0x12: {  	s1 =	sld [smem:$0x3F8E];
	s0 =	simm.s32 @p0 $0x1  }
0x13: {  	[smem:$0x3FA9] =	sst s0;
	s0 =	simm.s32 @!p1 $0x0  }
0x14: {  	s2 =	sld [smem:$0x3F8D];
	s0 =	simm.s32 @p1 $0x1  }
0x15: {  	[smem:$0x3FAA] =	sst s0;
	s0 =	simm.s32 @!p2 $0x0  }
0x16: {  	s3 =	sld [smem:$0x3FDB];
	s0 =	simm.s32 @p2 $0x1  }
0x17: {  	s4 =	simm.s32 $0x1BF5;
	[smem:$0x3FAC] =	sst s0  }
0x18: {  	s0 =	sld [smem:$0x3F8F];
	_ =	swait.ge [sflag:s4], $0x0  }
0x19: {  	s7 =	sld [smem:$0x3F90]  }
0x1a: {  	s8 =	sadd.s32 $0xFFFFE003, lr  }
0x1b: {  	s9 =	sadd.s32 $0xFFFFFEF7, lr;
	s5 =	simm.s32 $0xFFFFFFFF;
	p2 =	slt.u32 s8, $0xFFFFF086  }
0x1c: {  	p1 =	slt.u32 s9, $0xF7A;
	s5 =	simm.s32 @!p2 $0x0  }
0x1d: {  	s5 =	simm.s32 @p1 $0x1;
	p0 =	seq.s32 s7, s2  }
0x1e: {  	s7 =	smul.u32 @!p0 $0xF7A, s2;
	p2 =	seq.s32 @!p0 s5, $0x0  }
0x1f: {  	s9 =	smul.u32 $0xF7A, s1;
	s8 =	simm.s32 @!p0 $0x1BF5;
	p2 =	por !p2, p0  }
0x20: {  	[sflag:s8] =	ssyncset.s32 @!p0 $0xFFFFF086;
	s6 =	sadd.s32 @!p0 s3, s7;
	s7 =	simm.s32 @!p0 $0x108  }
0x21: {  	s3 =	sadd.s32 s3, s9;
	s6 =	sadd.s32 @!p0 $0x88, s6;
	s7 =	simm.s32 @p2 $0x1082  }
0x22: {  	[simem:s7], [sflag:s8] =	dma.local @!p0 [hbm:s6], $0xF7A  }
0x23: {  	s9 =	sor.u32 $0xD0000000, s2;
	s6 =	simm.s32 $0x108;
	_ =	swait.ge @!p0 [sflag:s8], $0x0  }
0x24: {  	s3 =	sadd.s32 $0x88, s3;
	s6 =	simm.s32 @!p1 $0x1082;
	[sflag:s4] =	ssyncset.s32 $0xFFFFF086  }
0x25: {  	[simem:s6], [sflag:s4] =	dma.local [hbm:s3], $0xF7A  }
0x26: {  	[smem:$0x3F90] =	sst s1;
	(tag) =	ssettag s2;
	_ =	strace s9  }
0x27: {  	s1 =	sld [smem:$0x3FA0]  }
0x28: {  	s2 =	sld [smem:$0x3FA1]  }
0x29: {  	s4 =	sld [smem:$0x3FA3]  }
0x2a: {  	p0 =	seq.s32 s5, $0x0;
	s5 =	sld [smem:$0x3FA4]  }
0x2b: {  	s6 =	sld [smem:$0x3FA5]  }
0x2c: {  	s7 =	sld [smem:$0x3FA6]  }
0x2d: {  	s3 =	simm.s32 $0x108;
	s8 =	sld [smem:$0x3FA7]  }
0x2e: {  	s3 =	simm.s32 @!p0 $0x1082;
	s9 =	sld [smem:$0x3FA8]  }
0x2f: {  	lr =	sadd.s32 s0, s3;
	s0 =	sld [smem:$0x3F9F]  }
0x30: {  	s3 =	sld [smem:$0x3FA2]  }
0x31: {  	[smem:$0x3FAB] =	sst s10  }
0x32: {  	s10 =	sld [smem:$0x3FA9];
	_ =	sdelay $0x3  }
0x33: {  	p0 =	seq.s32 s10, $0x1;
	s10 =	sld [smem:$0x3FAB];
	_ =	sdelay $0x3  }
0x34: {  	[smem:$0x3FAB] =	sst s10  }
0x35: {  	s10 =	sld [smem:$0x3FAA];
	_ =	sdelay $0x3  }
0x36: {  	p1 =	seq.s32 s10, $0x1;
	s10 =	sld [smem:$0x3FAB];
	_ =	sdelay $0x3  }
0x37: {  	[smem:$0x3FAB] =	sst s10  }
0x38: {  	s10 =	sld [smem:$0x3FAC]  }
0x39: {  	_ = 	snop;
	(pc) =	sbr.ind lr, $3  }
0x3a: {  	_ = 	snop  }
0x3b: {  	_ = 	snop  }
0x3c: {  	p2 =	seq.s32 s10, $0x1;
	s10 =	sld [smem:$0x3FAB]  }
0x3d: {  	_ =	shalt  }
0x3e: {  	_ =	shalt  }
0x3f: {  	_ =	shalt  }
0x40: {  	_ =	shalt  }
0x41: {  	_ =	shalt  }
0x42: {  	_ =	shalt  }
0x43: {  	_ =	shalt  }
0x44: {  	_ =	shalt  }
0x45: {  	_ =	shalt  }
0x46: {  	_ =	shalt  }
0x47: {  	_ =	shalt  }
0x48: {  	_ =	shalt  }
0x49: {  	_ =	shalt  }
0x4a: {  	_ =	shalt  }
0x4b: {  	_ =	shalt  }
0x4c: {  	_ =	shalt  }
0x4d: {  	_ =	shalt  }
0x4e: {  	_ =	shalt  }
0x4f: {  	_ =	shalt  }
0x50: {  	_ =	shalt  }
0x51: {  	_ =	shalt  }
0x52: {  	_ =	shalt  }
0x53: {  	_ =	shalt  }
0x54: {  	_ =	shalt  }
0x55: {  	_ =	shalt  }
0x56: {  	_ =	shalt  }
0x57: {  	_ =	shalt  }
0x58: {  	_ =	shalt  }
0x59: {  	_ =	shalt  }
0x5a: {  	_ =	shalt  }
0x5b: {  	_ =	shalt  }
0x5c: {  	_ =	shalt  }
0x5d: {  	_ =	shalt  }
0x5e: {  	_ =	shalt  }
0x5f: {  	_ =	shalt  }
0x60: {  	_ =	shalt  }
0x61: {  	_ =	shalt  }
0x62: {  	_ =	shalt  }
0x63: {  	_ =	shalt  }
0x64: {  	_ =	shalt  }
0x65: {  	_ =	shalt  }
0x66: {  	_ =	shalt  }
0x67: {  	_ =	shalt  }
0x68: {  	_ =	shalt  }
0x69: {  	_ =	shalt  }
0x6a: {  	_ =	shalt  }
0x6b: {  	_ =	shalt  }
0x6c: {  	_ =	shalt  }
0x6d: {  	_ =	shalt  }
0x6e: {  	_ =	shalt  }
0x6f: {  	_ =	shalt  }
0x70: {  	_ =	shalt  }
0x71: {  	_ =	shalt  }
0x72: {  	_ =	shalt  }
0x73: {  	_ =	shalt  }
0x74: {  	_ =	shalt  }
0x75: {  	_ =	shalt  }
0x76: {  	_ =	shalt  }
0x77: {  	_ =	shalt  }
0x78: {  	_ =	shalt  }
0x79: {  	_ =	shalt  }
0x7a: {  	_ =	shalt  }
0x7b: {  	_ =	shalt  }
0x7c: {  	_ =	shalt  }
0x7d: {  	_ =	shalt  }
0x7e: {  	_ =	shalt  }
0x7f: {  	_ =	shalt  }
0x80: {  	_ =	shalt  }
0x81: {  	_ =	shalt  }
0x82: {  	_ =	shalt  }
0x83: {  	_ =	shalt  }
0x84: {  	_ =	shalt  }
0x85: {  	_ =	shalt  }
0x86: {  	_ =	shalt  }
0x87: {  	_ =	shalt  }
.Lfunc_end0:
.L_simem_size_0:
called_computation.2_lowered:
.L_overlay_start_0:
0x88: {  	s2 =	sld [smem:$0x3FD9]  }
0x89: {  	s3 =	sld [smem:$0x3FFE];
	_ =	sdelay $0x1  }
0x8a: {  	s1 =	srdreg.scid  }
0x8b: {  	s0 =	sand.u32 $0x1, s1  }
0x8c: {  	s16 =	sshll.u32 s0, $0xA;
	s2 =	sadd.s32 s3, s2  }
0x8d: {  	s2 =	sadd.s32 s2, s16  }
0x8e: {  	[smem:$0x3FB7] =	sst s2  }
0x8f: {  	_ = 	snop  }
0x90: {  	(tm) =	ssettm $0x1  }
0x91: {  	s17 =	sld [smem:$0x3FFB];
	_ =	sdelay $0x3  }
0x92: {  	_ =	strace s17  }
0x93: {  	s2 =	sld [smem:$0x3FFC];
	_ =	sdelay $0x3  }
0x94: {  	_ =	strace s2  }
0x95: {  	s2 =	sld [smem:$0x3FFD];
	_ =	sdelay $0x3  }
0x96: {  	_ =	strace s2  }
0x97: {  	_ =	strace $0x8FFFFFFF  }
0x98: {  	s18 =	sld [smem:$0x3FDB];
	_ =	sdelay $0x1  }
0x99: {  	s19 =	simm.s32 $_scs_section_size  }
0x9a: {  	s4 =	simm.s32 $_size__tile_overlayer_lowered;
	s5 =	simm.s32 $_tile_overlayer_lowered  }
0x9b: {  	s22 =	simm.s32 $0x1BFF;
	s21 =	sshll.u32 s5, $0x1;
	s2 =	sadd.s32 s19, s18  }
0x9c: {  	s6 =	simm.s32 $0x0;
	s20 =	sshll.u32 s4, $0x1;
	s4 =	sadd.s32 s21, s2  }
0x9d: {  	[timem:s6], [sflag:s22] =	dma.local [hbm:s4], s20  }
0x9e: {  	_ =	swait.ge [sflag:s22], s20  }
0x9f: {  	s3 =	ssub.s32 $0x0, s20;
	[sflag:s22] =	ssyncset.done $0x0  }
0xa0: {  	[sflag:s22] =	ssyncadd.s32 s3;
	_ =	sdelay $0x1  }
0xa1: {  	s23 =	simm.s32 $0x1B8B  }
0xa2: {  	_ =	swait.ge [sflag:s23], $0x1  }
0xa3: {  	[sflag:s23] =	ssyncset.done $0x0  }
0xa4: {  	s25 =	simm.s32 $0x1B8E;
	s24 =	sld [smem:$0x3FFE];
	[sflag:s23] =	ssyncadd.s32 $0xFFFFFFFF  }
0xa5: {  	s26 =	simm.s32 $execute0_lowered;
	[smem:$0x3FD2] =	sst s25  }
0xa6: {  	s4 =	sshll.u32 s26, $0x1;
	_ =	strace $0x8000004C;
	[dreg:$0x1] =	wrdreg $0xFFFFFFFF  }
0xa7: {  	s28 =	simm.s32 $_size_execute0_lowered;
	s2 =	sadd.s32 s2, s4;
	[dreg:$0x0] =	wrdreg $0x0  }
0xa8: {  	s4 =	sshll.u32 s28, $0x1;
	[dreg:$0x2] =	wrdreg s2  }
0xa9: {  	[dreg:$0x3] =	wrdreg s4  }
0xaa: {  	[dreg:$0x4] =	wrdreg $0xC0  }
0xab: {  	_ =	task [dreg:s6], $0x5FFFF  }
0xac: {  	[dreg:$0x1] =	wrdreg $0xFFFFFFFF  }
0xad: {  	[dreg:$0x0] =	wrdreg $0x60  }
0xae: {  	[dreg:$0x2] =	wrdreg s24  }
0xaf: {  	[dreg:$0x3] =	wrdreg $0xBA000  }
0xb0: {  	[dreg:$0x4] =	wrdreg $0x9  }
0xb1: {  	_ =	task.clear_ibuf [dreg:s6], $0x5FFFF;
	_ =	strace $0x9000004C  }
0xb2: {  	s29 =	simm.s32 $0x9;
	_ =	strace $0x8000004E  }
0xb3: {  	_ =	swait.ge [sflag:s29], $0x1  }
0xb4: {  	[sflag:s29] =	ssyncadd.s32 $0xFFFFFFFF  }
0xb5: {  	_ =	strace $0x9000004E  }
0xb6: {  	_ =	sfence  }
0xb7: {  	s30 =	sld [smem:$0x0];
	_ =	sdelay $0x2  }
0xb8: {  	s31 =	sshll.u32 s1, $0xD;
	s1 =	sshrl.u32 s1, $0x2  }
0xb9: {  	s3 =	sand.u32 $0x4000, s31;
	s1 =	sadd.s32 s1, s30  }
0xba: {  	s0 =	sor.u32 s3, s0;
	s1 =	sshll.u32 s1, $0x11  }
0xbb: {  	s0 =	sor.u32 s1, s0  }
0xbc: {  	s0 =	sadd.s32 $0x8F2B, s0  }
0xbd: {  	[sflag:s0] =	ssyncadd.remote.s32 $0x1  }
0xbe: {  	_ =	sfence.sel $0xFFFF  }
0xbf: {  	[dreg:$0x0] =	wrdreg $0xFFFFFFFF;
	(pc) =	sbr.abs _section_cstart, $3  }
0xc0: {  	[dreg:$0x1] =	wrdreg $0xFFFFFFFF  }
0xc1: {  	_ =	task.clear_ibuf [dreg:s6], $0x2FFFF;
	_ =	strace $0x9FFFFFFF  }
0xc2: {  	(tm) =	ssettm $0x7FFFFFFF  }
0xc3: {  	_ =	shalt  }
tec
execute0_lowered:
.L_overlay_start_1:
0x0: {  	(tag) =	ssettag $0x1  }
0x1: {  	s0 =	rddreg [dreg:$0x0]  }
0x2: {  	s2 =	rddreg [dreg:$0x1]  }
0x3: {  	s1 =	srdreg.scid;
	s17 =	stileid.u32;
	s3 =	simm.s32 $0x0  }
0x4: {  	s16 =	simm.s32 $0x4;
	s28 =	simm.s32 $0x9200;
	s29 =	simm.s32 $0x1  }
0x5: {  	s30 =	simm.s32 $0x2;
	s31 =	simm.s32 $0x3;
	s8 =	smul.u32 $0x14000, s17  }
0x6: {  	s1 =	sand.u32 $0x1, s1;
	s4 =	sshll.u32 s17, $0x1;
	s19 =	smul.u32 $0x50000, s17  }
0x7: {  	[smem:$0x7FF] =	sst s3;
	s10 =	sadd.s32 $0x46A00, s0;
	s11 =	smul.u32 $0x4EC0, s17  }
0x8: {  	s26 =	sshll.u32 s17, $0x6;
	s6 =	sor.u32 s1, s4;
	s7 =	smul.u32 $0x140000, s1  }
0x9: {  	_ =	strace $0x8000004D;
	s4 =	sadd.s32 $0x1F800, s0;
	[dreg:$0x3] =	wrdreg s10  }
0xa: {  	s20 =	ssub.s32 $0x2, s1;
	s1 =	smul.u32 $0x2760, s1;
	s17 =	sor.u32 $0x1C04, s26  }
0xb: {  	s5 =	sshll.u32 s6, $0xB;
	s6 =	smul.u32 $0x2760, s6;
	s21 =	sshrl.u32 s20, $0x1  }
0xc: {  	s22 =	sshrl.u32 s19, $0x2;
	s19 =	simm.s32 $0x4000;
	s9 =	sadd.s32 s5, s0  }
0xd: {  	s5 =	sadd.s32 $0x15A00, s0;
	s7 =	sadd.s32 s8, s7;
	s23 =	sadd.s32 s22, s2  }
0xe: {  	s1 =	sadd.s32 s1, s11;
	s22 =	simm.s32 $0x4080;
	s7 =	sshrl.u32 s7, $0x3  }
0xf: {  	s6 =	sshrl.u32 s6, $0x3;
	s9 =	sadd.s32 $0x5A00, s9;
	s12 =	sadd.s32 $0x190, s1  }
0x10: {  	s13 =	sadd.s32 $0x140, s1;
	s15 =	sadd.s32 $0xF0, s1;
	s18 =	sshrl.u32 s23, $0x3  }
0x11: {  	s0 =	sadd.s32 s7, s0;
	s7 =	ssub.s32 s20, s21;
	[dreg:$0x4] =	wrdreg s9  }
0x12: {  	s8 =	sadd.s32 s5, s6;
	s25 =	sshrl.u32 s12, $0x3;
	s14 =	sshrl.u32 s13, $0x3  }
0x13: {  	s20 =	simm.s32 $0x50;
	s21 =	simm.s32 $0x4200;
	s24 =	sadd.s32 $0xA, s8  }
0x14: {  	s10 =	sadd.s32 $0x14, s8;
	s11 =	sadd.s32 $0x49200, s0;
	s12 =	smax.u32 s7, $0x1  }
0x15: {  	s13 =	sadd.s32 s25, s5;
	s14 =	sadd.s32 s14, s5;
	s25 =	simm.s32 $0x4100  }
0x16: {  	s0 =	simm.s32 $0x0;
	[dreg:$0x5] =	wrdreg s24;
	s24 =	simm.s32 $0x6A00  }
.LBB2_1:
0x17: {  	s1 =	rddreg [dreg:$0x4]  }
0x18: {  	[tilespmem:s3], [sflag:$0x4] =	stream.linear.gather [hbm4b:s1+s3], $0x3F00, $0x38;
	[tilespmem:$0x1FA00] =	vst v63  }
0x19: {  	_ =	swait.ge [sflag:s16], $0x3F00  }
0x1a: {  	[sflag:s16] =	ssyncset.done $0x0  }
0x1b: {  	s23 =	rddreg [dreg:$0x3];
	[sflag:s16] =	ssyncadd.s32 $0xFFFFC100  }
0x1c: {  	[spmem:s18], [sflag:s17] =	dma.local [hbm:s23], $0x2800  }
0x1d: {  	_ =	swait.ge [sflag:s16], $0x2800  }
0x1e: {  	[sflag:s16] =	ssyncset.done $0x0  }
0x1f: {  	[sflag:s16] =	ssyncadd.s32 $0xFFFFD800  }
0x20: {  	[bflag:$0x0] =	sbarrier.arrive $0xFFFF  }
0x21: {  	[tilespmem:s19], [sflag:$0x1] =	stream.linear.gather [hbm4b:s8+s3], $0x50, $0x38;
	[tilespmem:$0x1FA00] =	vst v63  }
0x22: {  	_ = 	snop  }
0x23: {  	[tilespmem:s21], [sflag:$0x1] =	stream.indirect.gather [hbm4b:s4+s20], $0x80, s3, s20, $0xb8;
	[tilespmem:$0x1FA00] =	vst v63  }
0x24: {  	s26 =	rddreg [dreg:$0x5]  }
0x25: {  	[tilespmem:s22], [sflag:$0x2] =	stream.linear.gather [hbm4b:s26+s3], $0x50, $0x38;
	[tilespmem:$0x1FA00] =	vst v63  }
0x26: {  	s6 =	simm.s32 $0x80  }
0x27: {  	[tilespmem:s24], [sflag:$0x2] =	stream.indirect.gather [hbm4b:s4+s20], $0x80, s6, s20, $0xb8;
	[tilespmem:$0x1FA00] =	vst v63  }
0x28: {  	_ = 	snop  }
0x29: {  	[tilespmem:s25], [sflag:$0x3] =	stream.linear.gather [hbm4b:s10+s3], $0x50, $0x38;
	[tilespmem:$0x1FA00] =	vst v63  }
0x2a: {  	s7 =	simm.s32 $0x100  }
0x2b: {  	[tilespmem:s28], [sflag:$0x3] =	stream.indirect.gather [hbm4b:s4+s20], $0x80, s7, s20, $0xb8;
	[tilespmem:$0x1FA00] =	vst v63  }
0x2c: {  	_ =	swait.ge [sflag:s29], $0x50  }
0x2d: {  	[sflag:s29] =	ssyncset.done $0x0  }
0x2e: {  	[sflag:s29] =	ssyncadd.s32 $0xFFFFFFB0  }
0x2f: {  	_ =	swait.ge [sflag:s29], $0x2800  }
0x30: {  	[sflag:s29] =	ssyncset.done $0x0  }
0x31: {  	[sflag:s29] =	ssyncadd.s32 $0xFFFFD800  }
0x32: {  	[spmem:s2] =	stream.indirect.scatter.add.f32 [tilespmem:s21], [sflag:$0x4], $0x80, s19, s20, $0xb8;
	[tilespmem:$0x1FA00] =	vst v63  }
0x33: {  	_ =	swait.ge [sflag:s16], $0x2800  }
0x34: {  	s9 =	sshrl.u32 s15, $0x3;
	[sflag:s16] =	ssyncset.done $0x0  }
0x35: {  	s1 =	sadd.s32 s5, s9;
	[sflag:s16] =	ssyncadd.s32 $0xFFFFD800  }
0x36: {  	[tilespmem:s19], [sflag:$0x1] =	stream.linear.gather [hbm4b:s1+s3], $0x50, $0x38;
	[tilespmem:$0x1FA00] =	vst v63  }
0x37: {  	s23 =	simm.s32 $0x180  }
0x38: {  	[tilespmem:s21], [sflag:$0x1] =	stream.indirect.gather [hbm4b:s4+s20], $0x80, s23, s20, $0xb8;
	[tilespmem:$0x1FA00] =	vst v63  }
0x39: {  	_ =	swait.ge [sflag:s30], $0x50  }
0x3a: {  	[sflag:s30] =	ssyncset.done $0x0  }
0x3b: {  	[sflag:s30] =	ssyncadd.s32 $0xFFFFFFB0  }
0x3c: {  	_ =	swait.ge [sflag:s30], $0x2800  }
0x3d: {  	[sflag:s30] =	ssyncset.done $0x0  }
0x3e: {  	[sflag:s30] =	ssyncadd.s32 $0xFFFFD800  }
0x3f: {  	[spmem:s2] =	stream.indirect.scatter.add.f32 [tilespmem:s24], [sflag:$0x4], $0x80, s22, s20, $0xb8;
	[tilespmem:$0x1FA00] =	vst v63  }
0x40: {  	_ =	swait.ge [sflag:s16], $0x2800  }
0x41: {  	[sflag:s16] =	ssyncset.done $0x0  }
0x42: {  	[sflag:s16] =	ssyncadd.s32 $0xFFFFD800  }
0x43: {  	[tilespmem:s22], [sflag:$0x2] =	stream.linear.gather [hbm4b:s14+s3], $0x50, $0x38;
	[tilespmem:$0x1FA00] =	vst v63  }
0x44: {  	s26 =	simm.s32 $0x200  }
0x45: {  	[tilespmem:s24], [sflag:$0x2] =	stream.indirect.gather [hbm4b:s4+s20], $0x80, s26, s20, $0xb8;
	[tilespmem:$0x1FA00] =	vst v63  }
0x46: {  	_ =	swait.ge [sflag:s31], $0x50  }
0x47: {  	[sflag:s31] =	ssyncset.done $0x0  }
0x48: {  	[sflag:s31] =	ssyncadd.s32 $0xFFFFFFB0  }
0x49: {  	_ =	swait.ge [sflag:s31], $0x2800  }
0x4a: {  	[sflag:s31] =	ssyncset.done $0x0  }
0x4b: {  	[sflag:s31] =	ssyncadd.s32 $0xFFFFD800  }
0x4c: {  	[spmem:s2] =	stream.indirect.scatter.add.f32 [tilespmem:s28], [sflag:$0x4], $0x80, s25, s20, $0xb8;
	[tilespmem:$0x1FA00] =	vst v63  }
0x4d: {  	s6 =	sadd.s32 $0x1E, s14;
	_ =	swait.ge [sflag:s16], $0x2800  }
0x4e: {  	s7 =	simm.s32 $0x280;
	s1 =	simm.s32 $0x600;
	[sflag:s16] =	ssyncset.done $0x0  }
0x4f: {  	s23 =	sadd.s32 $0xF0, s15;
	s26 =	sadd.s32 $0x1E, s13;
	[sflag:s16] =	ssyncadd.s32 $0xFFFFD800  }
0x50: {  	[tilespmem:s25], [sflag:$0x3] =	stream.linear.gather [hbm4b:s13+s3], $0x50, $0x38;
	[tilespmem:$0x1FA00] =	vst v63  }
.LBB2_2:
0x51: {  	[tilespmem:s28], [sflag:$0x3] =	stream.indirect.gather [hbm4b:s4+s20], $0x80, s7, s20, $0xb8;
	[tilespmem:$0x1FA00] =	vst v63  }
0x52: {  	s7 =	smov.u32 s1  }
0x53: {  	p0 =	sne.s32 s1, $0xF000;
	s1 =	sadd.s32 $0x600, s1;
	_ =	swait.ge [sflag:s29], $0x50  }
0x54: {  	[sflag:s29] =	ssyncset.done $0x0  }
0x55: {  	[sflag:s29] =	ssyncadd.s32 $0xFFFFFFB0  }
0x56: {  	_ =	swait.ge [sflag:s29], $0x2800  }
0x57: {  	[sflag:s29] =	ssyncset.done $0x0  }
0x58: {  	[sflag:s29] =	ssyncadd.s32 $0xFFFFD800  }
0x59: {  	[spmem:s2] =	stream.indirect.scatter.add.f32 [tilespmem:s21], [sflag:$0x4], $0x80, s19, s20, $0xb8;
	[tilespmem:$0x1FA00] =	vst v63  }
0x5a: {  	_ =	swait.ge [sflag:s16], $0x2800  }
0x5b: {  	s9 =	sshrl.u32 s23, $0x3;
	[sflag:s16] =	ssyncset.done $0x0  }
0x5c: {  	s9 =	sadd.s32 s5, s9;
	s7 =	sshra.s32 s7, $0x2;
	[sflag:s16] =	ssyncadd.s32 $0xFFFFD800  }
0x5d: {  	[tilespmem:s19], [sflag:$0x1] =	stream.linear.gather [hbm4b:s9+s3], $0x50, $0x38;
	[tilespmem:$0x1FA00] =	vst v63  }
0x5e: {  	s9 =	sadd.s32 $0x180, s7  }
0x5f: {  	[tilespmem:s21], [sflag:$0x1] =	stream.indirect.gather [hbm4b:s4+s20], $0x80, s9, s20, $0xb8;
	[tilespmem:$0x1FA00] =	vst v63  }
0x60: {  	_ =	swait.ge [sflag:s30], $0x50  }
0x61: {  	[sflag:s30] =	ssyncset.done $0x0  }
0x62: {  	[sflag:s30] =	ssyncadd.s32 $0xFFFFFFB0  }
0x63: {  	_ =	swait.ge [sflag:s30], $0x2800  }
0x64: {  	[sflag:s30] =	ssyncset.done $0x0  }
0x65: {  	[sflag:s30] =	ssyncadd.s32 $0xFFFFD800  }
0x66: {  	[spmem:s2] =	stream.indirect.scatter.add.f32 [tilespmem:s24], [sflag:$0x4], $0x80, s22, s20, $0xb8;
	[tilespmem:$0x1FA00] =	vst v63  }
0x67: {  	_ =	swait.ge [sflag:s16], $0x2800  }
0x68: {  	[sflag:s16] =	ssyncset.done $0x0  }
0x69: {  	[sflag:s16] =	ssyncadd.s32 $0xFFFFD800  }
0x6a: {  	[tilespmem:s22], [sflag:$0x2] =	stream.linear.gather [hbm4b:s6+s3], $0x50, $0x38;
	[tilespmem:$0x1FA00] =	vst v63  }
0x6b: {  	s9 =	sadd.s32 $0x200, s7  }
0x6c: {  	[tilespmem:s24], [sflag:$0x2] =	stream.indirect.gather [hbm4b:s4+s20], $0x80, s9, s20, $0xb8;
	[tilespmem:$0x1FA00] =	vst v63  }
0x6d: {  	_ =	swait.ge [sflag:s31], $0x50  }
0x6e: {  	[sflag:s31] =	ssyncset.done $0x0  }
0x6f: {  	[sflag:s31] =	ssyncadd.s32 $0xFFFFFFB0  }
0x70: {  	_ =	swait.ge [sflag:s31], $0x2800  }
0x71: {  	[sflag:s31] =	ssyncset.done $0x0  }
0x72: {  	[sflag:s31] =	ssyncadd.s32 $0xFFFFD800  }
0x73: {  	[spmem:s2] =	stream.indirect.scatter.add.f32 [tilespmem:s28], [sflag:$0x4], $0x80, s25, s20, $0xb8;
	[tilespmem:$0x1FA00] =	vst v63  }
.Ltmp0:
0x74: {  	_ =	swait.ge [sflag:s16], $0x2800;
	(pc) =	sbr.rel @p0 .LBB2_2-.Ltmp0, $4  }
0x75: {  	[sflag:s16] =	ssyncset.done $0x0  }
0x76: {  	s23 =	sadd.s32 $0xF0, s23;
	[sflag:s16] =	ssyncadd.s32 $0xFFFFD800  }
0x77: {  	[tilespmem:s25], [sflag:$0x3] =	stream.linear.gather [hbm4b:s26+s3], $0x50, $0x38;
	[tilespmem:$0x1FA00] =	vst v63  }
0x78: {  	s7 =	sadd.s32 $0x280, s7;
	s6 =	sadd.s32 $0x1E, s6;
	s26 =	sadd.s32 $0x1E, s26  }
0x79: {  	[tilespmem:s28], [sflag:$0x3] =	stream.indirect.gather [hbm4b:s4+s20], $0x80, s7, s20, $0xb8;
	[tilespmem:$0x1FA00] =	vst v63  }
0x7a: {  	_ =	swait.ge [sflag:s29], $0x50  }
0x7b: {  	[sflag:s29] =	ssyncset.done $0x0  }
0x7c: {  	[sflag:s29] =	ssyncadd.s32 $0xFFFFFFB0  }
0x7d: {  	_ =	swait.ge [sflag:s29], $0x2800  }
0x7e: {  	[sflag:s29] =	ssyncset.done $0x0  }
0x7f: {  	[sflag:s29] =	ssyncadd.s32 $0xFFFFD800  }
0x80: {  	[spmem:s2] =	stream.indirect.scatter.add.f32 [tilespmem:s21], [sflag:$0x4], $0x80, s19, s20, $0xb8;
	[tilespmem:$0x1FA00] =	vst v63  }
0x81: {  	_ =	swait.ge [sflag:s16], $0x2800  }
0x82: {  	[sflag:s16] =	ssyncset.done $0x0  }
0x83: {  	[sflag:s16] =	ssyncadd.s32 $0xFFFFD800  }
0x84: {  	_ =	swait.ge [sflag:s30], $0x50  }
0x85: {  	[sflag:s30] =	ssyncset.done $0x0  }
0x86: {  	[sflag:s30] =	ssyncadd.s32 $0xFFFFFFB0  }
0x87: {  	_ =	swait.ge [sflag:s30], $0x2800  }
0x88: {  	[sflag:s30] =	ssyncset.done $0x0  }
0x89: {  	[sflag:s30] =	ssyncadd.s32 $0xFFFFD800  }
0x8a: {  	[spmem:s2] =	stream.indirect.scatter.add.f32 [tilespmem:s24], [sflag:$0x4], $0x80, s22, s20, $0xb8;
	[tilespmem:$0x1FA00] =	vst v63  }
0x8b: {  	_ =	swait.ge [sflag:s16], $0x2800  }
0x8c: {  	[sflag:s16] =	ssyncset.done $0x0  }
0x8d: {  	[sflag:s16] =	ssyncadd.s32 $0xFFFFD800  }
0x8e: {  	_ =	swait.ge [sflag:s31], $0x50  }
0x8f: {  	[sflag:s31] =	ssyncset.done $0x0  }
0x90: {  	[sflag:s31] =	ssyncadd.s32 $0xFFFFFFB0  }
0x91: {  	_ =	swait.ge [sflag:s31], $0x2800  }
0x92: {  	[sflag:s31] =	ssyncset.done $0x0  }
0x93: {  	[sflag:s31] =	ssyncadd.s32 $0xFFFFD800  }
0x94: {  	[spmem:s2] =	stream.indirect.scatter.add.f32 [tilespmem:s28], [sflag:$0x4], $0x80, s25, s20, $0xb8;
	[tilespmem:$0x1FA00] =	vst v63  }
0x95: {  	_ =	swait.ge [sflag:s16], $0x2800  }
0x96: {  	s0 =	sadd.s32 $0x1, s0;
	[sflag:s16] =	ssyncset.done $0x0  }
0x97: {  	p0 =	sne.s32 s0, s12;
	[sflag:s16] =	ssyncadd.s32 $0xFFFFD800  }
.Ltmp1:
0x98: {  	[bflag:$0x0] =	sbarrier.arrive $0xFFFF;
	(pc) =	sbr.rel @p0 .LBB2_1-.Ltmp1, $4  }
0x99: {  	[hbm:s11], [sflag:s17] =	dma.local [spmem:s18], $0x2800  }
0x9a: {  	_ =	swait.ge [sflag:s16], $0x2800  }
0x9b: {  	[sflag:s16] =	ssyncset.done $0x0  }
0x9c: {  	[sflag:s16] =	ssyncadd.s32 $0xFFFFD800  }
0x9d: {  	_ =	sfence.sel $0x180000  }
0x9e: {  	[bflag:$0x0] =	sbarrier.arrive $0xFFFF  }
0x9f: {  	_ =	strace $0x9000004D  }
0xa0: {  	s0 =	stileid.u32;
	[bflag:$0x2] =	sbarrier.arrive $0xFFFF  }
0xa1: {  	p0 =	sne.s32 s0, $0x0;
	s0 =	rddreg [dreg:$0x2]  }
0xa2: {  	s0 =	sadd.s32 @!p0 $0x100000, s0  }
0xa3: {  	[sflag:s0] =	ssyncadd.tile.s32 @!p0 $0x1;
	_ =	shalt  }
.Lfunc_end2:
_tile_overlayer_lowered:
.L_overlay_start_2:
0xa4: {  	(tag) =	ssettag $0x2  }
0xa5: {  	s0 =	rddreg [dreg:$0x0];
	s2 =	stileid.u32  }
0xa6: {  	s1 =	rddreg [dreg:$0x1];
	p0 =	sne.s32 s2, $0x0  }
0xa7: {  	s3 =	rddreg [dreg:$0x2];
	[bflag:$0x3] =	sbarrier.arrive $0xFFFF;
	s2 =	simm.s32 @!p0 $0x1C04  }
0xa8: {  	[timem:s3], [sflag:s2] =	dma.local @!p0 [hbm:s0], s1  }
0xa9: {  	s0 =	simm.s32 @!p0 $0x4  }
0xaa: {  	_ =	swait.ge @!p0 [sflag:s0], s1  }
0xab: {  	s1 =	ssub.s32 @!p0 $0x0, s1;
	[sflag:s0] =	ssyncset.done @!p0 $0x0  }
0xac: {  	[sflag:s0] =	ssyncadd.s32 @!p0 s1  }
0xad: {  	[bflag:$0x3] =	sbarrier.arrive $0xFFFF  }
0xae: {  	_ =	shalt  }

</sc_bundles>
